<compile_context>
chip_gen: v7x
topology: tpu7x:2x2x1
jax: 0.10.2.dev20260603
libtpu: 0.0.44.dev20260713+nightly
codegen_flags: <defaults>
</compile_context>

<pallas_src>
import functools

import jax
import jax.numpy as jnp
from jax import lax
from jax.experimental import pallas as pl
from jax.experimental.pallas import tpu as pltpu
from jax.experimental.pallas import tpu_sc as plsc

B = 4
N = 5000
C = 21
NCLS = 20
MAXD = 100
TH_IOU = 0.5
TH_CONF = 0.5
VARC = 0.1
VARS = 0.2

NPAD = 5120
CPAD = NPAD + 16
DETW = 512

_LANES = 16


def _prep_body(conf_ref, loc_ref, anch_ref, st_ref, box_ref):
    c = conf_ref[...]
    m = jnp.max(c, axis=1, keepdims=True)
    e = jnp.exp(c - m)
    s = e / jnp.sum(e, axis=1, keepdims=True)
    st_ref[...] = jnp.where(s >= TH_CONF, s, 0.0)

    l0 = loc_ref[:, 0:1]
    l1 = loc_ref[:, 1:2]
    l2 = loc_ref[:, 2:3]
    l3 = loc_ref[:, 3:4]
    a0 = anch_ref[0:1][None]
    a1 = anch_ref[1:2][None]
    a2 = anch_ref[2:3][None]
    a3 = anch_ref[3:4][None]
    cx = a0 + l0 * VARC * a2
    cy = a1 + l1 * VARC * a3
    w = a2 * jnp.exp(l2 * VARS)
    h = a3 * jnp.exp(l3 * VARS)
    box_ref[:, 0:1] = cx - w / 2.0
    box_ref[:, 1:2] = cy - h / 2.0
    box_ref[:, 2:3] = cx + w / 2.0
    box_ref[:, 3:4] = cy + h / 2.0


def _prep(conf_t, loc_t, anch_t):
    return pl.pallas_call(
        _prep_body,
        grid=(1,),
        in_specs=[
            pl.BlockSpec((B, C, NPAD), lambda i: (0, 0, 0)),
            pl.BlockSpec((B, 4, NPAD), lambda i: (0, 0, 0)),
            pl.BlockSpec((4, NPAD), lambda i: (0, 0)),
        ],
        out_specs=[
            pl.BlockSpec((B, C, NPAD), lambda i: (0, 0, 0)),
            pl.BlockSpec((B, 4, NPAD), lambda i: (0, 0, 0)),
        ],
        out_shape=[
            jax.ShapeDtypeStruct((B, C, NPAD), jnp.float32),
            jax.ShapeDtypeStruct((B, 4, NPAD), jnp.float32),
        ],
    )(conf_t, loc_t, anch_t)


_MESH = plsc.VectorSubcoreMesh(core_axis_name="c", subcore_axis_name="s")


@functools.partial(
    pl.kernel,
    out_type=jax.ShapeDtypeStruct((B * NCLS, DETW), jnp.float32),
    mesh=_MESH,
    scratch_types=[
        pltpu.VMEM((3 * NPAD,), jnp.float32),
        pltpu.VMEM((4, NPAD), jnp.float32),
        pltpu.VMEM((CPAD,), jnp.int32),
        pltpu.VMEM((CPAD,), jnp.float32),
        pltpu.VMEM((CPAD,), jnp.float32),
        pltpu.VMEM((CPAD,), jnp.float32),
        pltpu.VMEM((CPAD,), jnp.float32),
        pltpu.VMEM((CPAD,), jnp.float32),
        pltpu.VMEM((CPAD,), jnp.float32),
        pltpu.VMEM((3 * DETW,), jnp.float32),
        pltpu.SemaphoreType.DMA,
        pltpu.SemaphoreType.DMA,
        pltpu.SemaphoreType.DMA,
    ],
    compiler_params=pltpu.CompilerParams(needs_layout_passes=False),
)
def _nms_sc(st_hbm, box_hbm, out_hbm,
            score_v, boxes_v, cidx, csc, cx1, cy1, cx2, cy2, carea, det,
            sem_box, sem_in, sem_out):
    cid = lax.axis_index("c")
    sid = lax.axis_index("s")
    wid = sid * 2 + cid
    b = wid // 8
    slot = wid % 8
    c_lo = (slot * NCLS) // 8
    c_hi = ((slot + 1) * NCLS) // 8

    pltpu.async_copy(box_hbm.at[b], boxes_v, sem_box)

    def issue(cc, carry):
        pltpu.async_copy(st_hbm.at[b, cc + 1],
                         score_v.at[pl.ds((cc - c_lo) * NPAD, NPAD)],
                         sem_in)
        return carry

    lax.fori_loop(c_lo, c_hi, issue, 0)
    pltpu.make_async_copy(box_hbm.at[b], boxes_v, sem_box).wait()

    def drain_in(cc, carry):
        pltpu.make_async_copy(
            st_hbm.at[b, cc + 1],
            score_v.at[pl.ds((cc - c_lo) * NPAD, NPAD)], sem_in).wait()
        return carry

    lax.fori_loop(c_lo, c_hi, drain_in, 0)

    iot = lax.iota(jnp.int32, _LANES)
    zz = jnp.zeros((_LANES,), jnp.int32)

    def per_class(cc, carry):
        d = cc - c_lo
        for k in range(DETW // _LANES):
            det[pl.ds(d * DETW + k * _LANES, _LANES)] = jnp.zeros(
                (_LANES,), jnp.float32)

        @plsc.parallel_loop(0, NPAD, _LANES, unroll=4, carry=jnp.int32(0))
        def comp(bs, off):
            sv = score_v[pl.ds(d * NPAD + bs, _LANES)]
            msk = sv > 0.0
            cnt = plsc.all_reduce_population_count(msk)[0]

            @pl.when(cnt > 0)
            def _():
                within = plsc.cumsum(msk.astype(jnp.int32))
                dst = within + jnp.full((_LANES,), off - 1, jnp.int32)
                plsc.store_scatter(csc, [dst], sv, mask=msk)
                base_v = jnp.full((_LANES,), bs, jnp.int32)
                plsc.store_scatter(cidx, [dst], iot + base_v, mask=msk)

            return off + cnt

        kcnt = comp
        csc[pl.ds(kcnt, _LANES)] = jnp.full((_LANES,), -1.0, jnp.float32)
        cidx[pl.ds(kcnt, _LANES)] = zz
        nck = (kcnt + _LANES - 1) // _LANES

        @plsc.parallel_loop(0, nck * _LANES, _LANES, unroll=2)
        def gath(bs):
            iv = cidx[pl.ds(bs, _LANES)]
            cx1[pl.ds(bs, _LANES)] = plsc.load_gather(boxes_v, [zz, iv])
            cy1[pl.ds(bs, _LANES)] = plsc.load_gather(boxes_v, [zz + 1, iv])
            gx2 = plsc.load_gather(boxes_v, [zz + 2, iv])
            gy2 = plsc.load_gather(boxes_v, [zz + 3, iv])
            cx2[pl.ds(bs, _LANES)] = gx2
            cy2[pl.ds(bs, _LANES)] = gy2
            gx1 = cx1[pl.ds(bs, _LANES)]
            gy1 = cy1[pl.ds(bs, _LANES)]
            carea[pl.ds(bs, _LANES)] = (gx2 - gx1) * (gy2 - gy1)

        def cond(stt):
            return stt[0] & (stt[1] < MAXD)

        def body(stt):
            alive, t, pthr, px1, py1, px2, py2 = stt
            parea = (px2 - px1) * (py2 - py1)
            zf = jnp.zeros((_LANES,), jnp.float32)
            neg1 = jnp.full((_LANES,), -1.0, jnp.float32)

            @plsc.parallel_loop(0, nck * _LANES, _LANES, unroll=4,
                                carry=(neg1, jnp.zeros((_LANES,), jnp.int32)))
            def chunk(bs, carry2):
                vmax, vpos = carry2
                sv = csc[pl.ds(bs, _LANES)]
                x1 = cx1[pl.ds(bs, _LANES)]
                y1 = cy1[pl.ds(bs, _LANES)]
                x2 = cx2[pl.ds(bs, _LANES)]
                y2 = cy2[pl.ds(bs, _LANES)]
                iw = jnp.maximum(jnp.minimum(px2, x2) - jnp.maximum(px1, x1), zf)
                ih = jnp.maximum(jnp.minimum(py2, y2) - jnp.maximum(py1, y1), zf)
                inter = iw * ih
                ar = carea[pl.ds(bs, _LANES)]
                iou = inter / (parea + ar - inter + 1e-9)
                sv = jnp.where(iou > pthr, neg1, sv)
                csc[pl.ds(bs, _LANES)] = sv
                take = sv > vmax
                posv = iot + jnp.full((_LANES,), bs, jnp.int32)
                return (jnp.where(take, sv, vmax),
                        jnp.where(take, posv, vpos))

            vmax, vpos = chunk
            m = jnp.max(vmax)
            valid = m > 0.0
            m_v = jnp.full((_LANES,), m, jnp.float32)
            pos = jnp.min(jnp.where(vmax == m_v, vpos,
                                    jnp.full((_LANES,), 1 << 30, jnp.int32)))
            pos_v = jnp.full((_LANES,), pos, jnp.int32)
            nx1 = plsc.load_gather(cx1, [pos_v])
            ny1 = plsc.load_gather(cy1, [pos_v])
            nx2 = plsc.load_gather(cx2, [pos_v])
            ny2 = plsc.load_gather(cy2, [pos_v])

            @pl.when(valid)
            def _():
                mv = jnp.full((_LANES,), m, jnp.float32)
                zf = jnp.zeros((_LANES,), jnp.float32)
                dv = jnp.where(iot == 0, nx1,
                     jnp.where(iot == 1, ny1,
                     jnp.where(iot == 2, nx2,
                     jnp.where(iot == 3, ny2,
                     jnp.where(iot == 4, mv, zf)))))
                det[pl.ds(d * DETW + t * 5, _LANES)] = dv

            thr_v = jnp.full((_LANES,), TH_IOU, jnp.float32)
            return (valid, t + 1, thr_v, nx1, ny1, nx2, ny2)

        zf16 = jnp.zeros((_LANES,), jnp.float32)
        big16 = jnp.full((_LANES,), 3.4e38, jnp.float32)
        lax.while_loop(cond, body, (
            jnp.bool_(True), jnp.int32(0), big16,
            zf16, zf16, zf16, zf16))

        pltpu.async_copy(det.at[pl.ds(d * DETW, DETW)],
                         out_hbm.at[b * NCLS + cc], sem_out)
        return carry

    lax.fori_loop(c_lo, c_hi, per_class, 0)

    def drain(cc, carry):
        pltpu.make_async_copy(
            det.at[pl.ds((cc - c_lo) * DETW, DETW)],
            out_hbm.at[b * NCLS + cc], sem_out).wait()
        return carry

    lax.fori_loop(c_lo, c_hi, drain, 0)


def kernel(conf, loc, anchors):
    conf_t = jnp.pad(jnp.transpose(conf, (0, 2, 1)),
                     ((0, 0), (0, 0), (0, NPAD - N)))
    loc_t = jnp.pad(jnp.transpose(loc, (0, 2, 1)),
                    ((0, 0), (0, 0), (0, NPAD - N)))
    anch_t = jnp.pad(jnp.transpose(anchors, (1, 0)), ((0, 0), (0, NPAD - N)))
    st, boxes = _prep(conf_t, loc_t, anch_t)
    dets = _nms_sc(st, boxes)
    return dets[:, :MAXD * 5].reshape(B, NCLS, MAXD, 5)

# --- scband reference (transcript-rebuilt; emitter-appended) ---
"""Pipeline reference for scband-detect-post-process-19722489823451 (READ-ONLY COPY).

The authoritative reference and input builder live on the scoring server;
editing this copy changes nothing except your own understanding.
"""

import jax, jax.numpy as jnp
import numpy as np

BATCH = 4
N_ANCHORS = 5000
NUM_CLS = 21
MAX_DET = 100
TH_IOU = 0.5
TH_CONF = 0.5
VAR_CENTER = 0.1
VAR_SIZE = 0.2


def setup_inputs(seed: int = 0) -> dict:
    key = jax.random.key(seed)
    k1, k2, k3, k4 = jax.random.split(key, 4)
    # scale logits so a reasonable fraction of anchors clear th_conf after softmax
    conf = jax.random.normal(k1, (BATCH, N_ANCHORS, NUM_CLS), dtype=jnp.float32) * 2.0
    loc = jax.random.normal(k2, (BATCH, N_ANCHORS, 4), dtype=jnp.float32)
    # anchor priors in (cx, cy, w, h) form, materialized from the Anchor init arg
    cxcy = jax.random.uniform(k3, (N_ANCHORS, 2), minval=0.05, maxval=0.95, dtype=jnp.float32)
    wh = jax.random.uniform(k4, (N_ANCHORS, 2), minval=0.05, maxval=0.4, dtype=jnp.float32)
    anchors = jnp.concatenate([cxcy, wh], axis=1)
    return {"conf": conf, "loc": loc, "anchors": anchors}


def _decode(anchors, loc):
    # standard SSD decode: loc offsets -> (xmin, ymin, xmax, ymax)
    cxcy = anchors[:, :2] + loc[:, :2] * VAR_CENTER * anchors[:, 2:]
    wh = anchors[:, 2:] * jnp.exp(loc[:, 2:] * VAR_SIZE)
    return jnp.concatenate([cxcy - wh / 2.0, cxcy + wh / 2.0], axis=1)


def _iou(box, boxes):
    lt = jnp.maximum(box[:2], boxes[:, :2])
    rb = jnp.minimum(box[2:], boxes[:, 2:])
    wh = jnp.clip(rb - lt, 0.0, None)
    inter = wh[:, 0] * wh[:, 1]
    a1 = (box[2] - box[0]) * (box[3] - box[1])
    a2 = (boxes[:, 2] - boxes[:, 0]) * (boxes[:, 3] - boxes[:, 1])
    return inter / (a1 + a2 - inter + 1e-9)


def _nms_single(boxes, scores):
    # iterative greedy NMS, fixed MAX_DET steps, padded output [MAX_DET, 5]
    def step(sc, _):
        idx = jnp.argmax(sc)
        best = sc[idx]
        bbox = boxes[idx]
        keep_valid = best > 0.0
        ious = _iou(bbox, boxes)
        suppress = (ious > TH_IOU) & keep_valid
        sc2 = jnp.where(suppress, -1.0, sc)
        sc2 = sc2.at[idx].set(-1.0)
        det = jnp.concatenate([bbox, best[None]]) * keep_valid
        return sc2, det

    _, dets = jax.lax.scan(step, scores, None, length=MAX_DET)
    return dets


def reference(conf, loc, anchors):
    # softmax over classes (dim=2), matching nn.Softmax(dim=2)
    score = jax.nn.softmax(conf, axis=2)            # [B, N, C]
    box = jax.vmap(lambda l: _decode(anchors, l))(loc)  # [B, N, 4]
    # classes 1..C-1 (skip background), threshold at th_conf like the mask
    cls_scores = jnp.transpose(score[:, :, 1:], (0, 2, 1))  # [B, C-1, N]
    cls_scores = jnp.where(cls_scores >= TH_CONF, cls_scores, 0.0)

    def per_batch(bx, sc):
        return jax.vmap(lambda s: _nms_single(bx, s))(sc)

    dets = jax.vmap(per_batch)(box, cls_scores)  # [B, C-1, MAX_DET, 5] = (x1,y1,x2,y2,score)
    return dets

if __name__ == "__main__":
    import jax
    _d = setup_inputs()
    print(jax.jit(kernel)(*tuple(_d.values())))

</pallas_src>

<mosaic_0001>
#map = affine_map<(d0, d1) -> (0, 0, 0)>
#map1 = affine_map<(d0, d1) -> (0, 0)>
module attributes {stable_mosaic.version = 14 : i64} {
  func.func @_nms_sc(%arg0: i32, %arg1: i32, %arg2: memref<4x21x5120xf32, #tpu.memory_space<hbm>>, %arg3: memref<4x4x5120xf32, #tpu.memory_space<hbm>>, %arg4: memref<80x512xf32, #tpu.memory_space<hbm>>, %arg5: memref<15360xf32, #tpu.memory_space<vmem>>, %arg6: memref<4x5120xf32, #tpu.memory_space<vmem>>, %arg7: memref<5136xi32, #tpu.memory_space<vmem>>, %arg8: memref<5136xf32, #tpu.memory_space<vmem>>, %arg9: memref<5136xf32, #tpu.memory_space<vmem>>, %arg10: memref<5136xf32, #tpu.memory_space<vmem>>, %arg11: memref<5136xf32, #tpu.memory_space<vmem>>, %arg12: memref<5136xf32, #tpu.memory_space<vmem>>, %arg13: memref<5136xf32, #tpu.memory_space<vmem>>, %arg14: memref<1536xf32, #tpu.memory_space<vmem>>, %arg15: memref<!tpu.dma_semaphore, #tpu.memory_space<semaphore_mem>>, %arg16: memref<!tpu.dma_semaphore, #tpu.memory_space<semaphore_mem>>, %arg17: memref<!tpu.dma_semaphore, #tpu.memory_space<semaphore_mem>>) attributes {dimension_semantics = [#tpu.dimension_semantics<core_parallel>, #tpu.dimension_semantics<subcore_parallel>], iteration_bounds = array<i64: 2, 16>, scalar_prefetch = 0 : i64, scratch_operands = 13 : i64, tpu.core_type = #tpu.core_type<sc_vector_subcore>, window_params = [{transform_indices = #map}, {transform_indices = #map}, {transform_indices = #map1}]} {
    %mul3A = arith.constant 2 : i32
    %mul3A_0 = arith.muli %arg1, %mul3A : i32
    %add3A = arith.addi %mul3A_0, %arg0 : i32
    %jit3A = arith.constant 8 : i32
    %div3A = arith.divsi %add3A, %jit3A : i32
    %sign3A = arith.constant 0 : i32
    %sign3A_1 = arith.cmpi sgt, %add3A, %sign3A : i32
    %sign3A_2 = arith.extui %sign3A_1 : i1 to i32
    %sign3A_3 = arith.constant 0 : i32
    %sign3A_4 = arith.cmpi slt, %add3A, %sign3A_3 : i32
    %sign3A_5 = arith.extui %sign3A_4 : i1 to i32
    %sign3A_6 = arith.subi %sign3A_2, %sign3A_5 : i32
    %sign3A_7 = arith.constant 0 : i32
    %sign3A_8 = arith.cmpi sgt, %jit3A, %sign3A_7 : i32
    %sign3A_9 = arith.extui %sign3A_8 : i1 to i32
    %sign3A_10 = arith.constant 0 : i32
    %sign3A_11 = arith.cmpi slt, %jit3A, %sign3A_10 : i32
    %sign3A_12 = arith.extui %sign3A_11 : i1 to i32
    %sign3A_13 = arith.subi %sign3A_9, %sign3A_12 : i32
    %ne3A = arith.cmpi ne, %sign3A_6, %sign3A_13 : i32
    %rem3A = arith.remsi %add3A, %jit3A : i32
    %ne3A_14 = arith.constant 0 : i32
    %ne3A_15 = arith.cmpi ne, %rem3A, %ne3A_14 : i32
    %and3A = arith.andi %ne3A, %ne3A_15 : i1
    %sub3A = arith.constant 1 : i32
    %sub3A_16 = arith.subi %div3A, %sub3A : i32
    %select_n3A = arith.select %and3A, %sub3A_16, %div3A : i32
    %jit3A_17 = arith.constant 8 : i32
    %eq3A = arith.constant 0 : i32
    %eq3A_18 = arith.cmpi eq, %jit3A_17, %eq3A : i32
    %jit3A_19 = arith.constant 1 : i32
    %select_n3A_20 = arith.select %eq3A_18, %jit3A_19, %jit3A_17 : i32
    %rem3A_21 = arith.remsi %add3A, %select_n3A_20 : i32
    %ne3A_22 = arith.constant 0 : i32
    %ne3A_23 = arith.cmpi ne, %rem3A_21, %ne3A_22 : i32
    %lt3A = arith.constant 0 : i32
    %lt3A_24 = arith.cmpi slt, %rem3A_21, %lt3A : i32
    %lt3A_25 = arith.constant 0 : i32
    %lt3A_26 = arith.cmpi slt, %select_n3A_20, %lt3A_25 : i32
    %ne3A_27 = arith.xori %lt3A_24, %lt3A_26 : i1
    %and3A_28 = arith.andi %ne3A_27, %ne3A_23 : i1
    %add3A_29 = arith.addi %rem3A_21, %select_n3A_20 : i32
    %select_n3A_30 = arith.select %and3A_28, %add3A_29, %rem3A_21 : i32
    %mul3A_31 = arith.constant 20 : i32
    %mul3A_32 = arith.muli %select_n3A_30, %mul3A_31 : i32
    %jit3A_33 = arith.constant 8 : i32
    %div3A_34 = arith.divsi %mul3A_32, %jit3A_33 : i32
    %sign3A_35 = arith.constant 0 : i32
    %sign3A_36 = arith.cmpi sgt, %mul3A_32, %sign3A_35 : i32
    %sign3A_37 = arith.extui %sign3A_36 : i1 to i32
    %sign3A_38 = arith.constant 0 : i32
    %sign3A_39 = arith.cmpi slt, %mul3A_32, %sign3A_38 : i32
    %sign3A_40 = arith.extui %sign3A_39 : i1 to i32
    %sign3A_41 = arith.subi %sign3A_37, %sign3A_40 : i32
    %sign3A_42 = arith.constant 0 : i32
    %sign3A_43 = arith.cmpi sgt, %jit3A_33, %sign3A_42 : i32
    %sign3A_44 = arith.extui %sign3A_43 : i1 to i32
    %sign3A_45 = arith.constant 0 : i32
    %sign3A_46 = arith.cmpi slt, %jit3A_33, %sign3A_45 : i32
    %sign3A_47 = arith.extui %sign3A_46 : i1 to i32
    %sign3A_48 = arith.subi %sign3A_44, %sign3A_47 : i32
    %ne3A_49 = arith.cmpi ne, %sign3A_41, %sign3A_48 : i32
    %rem3A_50 = arith.remsi %mul3A_32, %jit3A_33 : i32
    %ne3A_51 = arith.constant 0 : i32
    %ne3A_52 = arith.cmpi ne, %rem3A_50, %ne3A_51 : i32
    %and3A_53 = arith.andi %ne3A_49, %ne3A_52 : i1
    %sub3A_54 = arith.constant 1 : i32
    %sub3A_55 = arith.subi %div3A_34, %sub3A_54 : i32
    %select_n3A_56 = arith.select %and3A_53, %sub3A_55, %div3A_34 : i32
    %add3A_57 = arith.constant 1 : i32
    %add3A_58 = arith.addi %select_n3A_30, %add3A_57 : i32
    %mul3A_59 = arith.constant 20 : i32
    %mul3A_60 = arith.muli %add3A_58, %mul3A_59 : i32
    %jit3A_61 = arith.constant 8 : i32
    %div3A_62 = arith.divsi %mul3A_60, %jit3A_61 : i32
    %sign3A_63 = arith.constant 0 : i32
    %sign3A_64 = arith.cmpi sgt, %mul3A_60, %sign3A_63 : i32
    %sign3A_65 = arith.extui %sign3A_64 : i1 to i32
    %sign3A_66 = arith.constant 0 : i32
    %sign3A_67 = arith.cmpi slt, %mul3A_60, %sign3A_66 : i32
    %sign3A_68 = arith.extui %sign3A_67 : i1 to i32
    %sign3A_69 = arith.subi %sign3A_65, %sign3A_68 : i32
    %sign3A_70 = arith.constant 0 : i32
    %sign3A_71 = arith.cmpi sgt, %jit3A_61, %sign3A_70 : i32
    %sign3A_72 = arith.extui %sign3A_71 : i1 to i32
    %sign3A_73 = arith.constant 0 : i32
    %sign3A_74 = arith.cmpi slt, %jit3A_61, %sign3A_73 : i32
    %sign3A_75 = arith.extui %sign3A_74 : i1 to i32
    %sign3A_76 = arith.subi %sign3A_72, %sign3A_75 : i32
    %ne3A_77 = arith.cmpi ne, %sign3A_69, %sign3A_76 : i32
    %rem3A_78 = arith.remsi %mul3A_60, %jit3A_61 : i32
    %ne3A_79 = arith.constant 0 : i32
    %ne3A_80 = arith.cmpi ne, %rem3A_78, %ne3A_79 : i32
    %and3A_81 = arith.andi %ne3A_77, %ne3A_80 : i1
    %sub3A_82 = arith.constant 1 : i32
    %sub3A_83 = arith.subi %div3A_62, %sub3A_82 : i32
    %select_n3A_84 = arith.select %and3A_81, %sub3A_83, %div3A_62 : i32
    %dma_start3A = arith.constant 0 : i32
    %dma_start3A_85 = arith.constant 0 : i32
    %dma_start3A_86 = tpu.memref_slice %arg3[%select_n3A, %dma_start3A, %dma_start3A_85] : memref<4x4x5120xf32, #tpu.memory_space<hbm>> -> memref<1x4x5120xf32, #tpu.memory_space<hbm>>
    %dma_start3A_87 = tpu.memref_squeeze %dma_start3A_86 : memref<1x4x5120xf32, #tpu.memory_space<hbm>> -> memref<4x5120xf32, #tpu.memory_space<hbm>>
    %dma_start3A_88 = arith.constant 0 : i32
    %dma_start3A_89 = arith.constant 0 : i32
    %dma_start3A_90 = tpu.memref_slice %arg3[%select_n3A, %dma_start3A_88, %dma_start3A_89] : memref<4x4x5120xf32, #tpu.memory_space<hbm>> -> memref<1x4x5120xf32, #tpu.memory_space<hbm>>
    %dma_start3A_91 = tpu.memref_squeeze %dma_start3A_90 : memref<1x4x5120xf32, #tpu.memory_space<hbm>> -> memref<4x5120xf32, #tpu.memory_space<hbm>>
    tpu.enqueue_dma source(%dma_start3A_91 : memref<4x5120xf32, #tpu.memory_space<hbm>>) target(%arg6 : memref<4x5120xf32, #tpu.memory_space<vmem>>) target_semaphore(%arg15 : memref<!tpu.dma_semaphore, #tpu.memory_space<semaphore_mem>>)
    %while3A = arith.constant 0 : i32
    %while3A_92 = arith.subi %select_n3A_84, %select_n3A_56 : i32
    %while3A_93 = arith.addi %select_n3A_56, %while3A_92 : i32
    %while3A_94 = arith.constant 1 : i32
    %while3A_95 = arith.divsi %while3A_92, %while3A_94 : i32
    %while3A_96 = arith.muli %while3A_95, %while3A_94 : i32
    %while3A_97 = arith.addi %select_n3A_56, %while3A_96 : i32
    %while3A_98 = arith.constant 1 : i32
    scf.for %while3A_135 = %select_n3A_56 to %while3A_97 step %while3A_98  : i32 {
      %add3A_136 = arith.constant 1 : i32
      %add3A_137 = arith.addi %while3A_135, %add3A_136 : i32
      %sub3A_138 = arith.subi %while3A_135, %select_n3A_56 : i32
      %mul3A_139 = arith.constant 5120 : i32
      %mul3A_140 = arith.muli %sub3A_138, %mul3A_139 : i32
      %dma_start3A_141 = tpu.memref_slice %arg5[%mul3A_140] : memref<15360xf32, #tpu.memory_space<vmem>> -> memref<5120xf32, #tpu.memory_space<vmem>>
      %dma_start3A_142 = arith.constant 0 : i32
      %dma_start3A_143 = tpu.memref_slice %arg2[%select_n3A, %add3A_137, %dma_start3A_142] : memref<4x21x5120xf32, #tpu.memory_space<hbm>> -> memref<1x1x5120xf32, #tpu.memory_space<hbm>>
      %dma_start3A_144 = tpu.memref_squeeze %dma_start3A_143 : memref<1x1x5120xf32, #tpu.memory_space<hbm>> -> memref<5120xf32, #tpu.memory_space<hbm>>
      %dma_start3A_145 = tpu.memref_slice %arg5[%mul3A_140] : memref<15360xf32, #tpu.memory_space<vmem>> -> memref<5120xf32, #tpu.memory_space<vmem>>
      %dma_start3A_146 = arith.constant 0 : i32
      %dma_start3A_147 = tpu.memref_slice %arg2[%select_n3A, %add3A_137, %dma_start3A_146] : memref<4x21x5120xf32, #tpu.memory_space<hbm>> -> memref<1x1x5120xf32, #tpu.memory_space<hbm>>
      %dma_start3A_148 = tpu.memref_squeeze %dma_start3A_147 : memref<1x1x5120xf32, #tpu.memory_space<hbm>> -> memref<5120xf32, #tpu.memory_space<hbm>>
      tpu.enqueue_dma source(%dma_start3A_148 : memref<5120xf32, #tpu.memory_space<hbm>>) target(%dma_start3A_145 : memref<5120xf32, #tpu.memory_space<vmem>>) target_semaphore(%arg16 : memref<!tpu.dma_semaphore, #tpu.memory_space<semaphore_mem>>)
    }
    %while3A_99 = arith.constant 1 : i32
    scf.for %while3A_135 = %while3A_97 to %while3A_93 step %while3A_99  : i32 {
      %add3A_136 = arith.constant 1 : i32
      %add3A_137 = arith.addi %while3A_135, %add3A_136 : i32
      %sub3A_138 = arith.subi %while3A_135, %select_n3A_56 : i32
      %mul3A_139 = arith.constant 5120 : i32
      %mul3A_140 = arith.muli %sub3A_138, %mul3A_139 : i32
      %dma_start3A_141 = tpu.memref_slice %arg5[%mul3A_140] : memref<15360xf32, #tpu.memory_space<vmem>> -> memref<5120xf32, #tpu.memory_space<vmem>>
      %dma_start3A_142 = arith.constant 0 : i32
      %dma_start3A_143 = tpu.memref_slice %arg2[%select_n3A, %add3A_137, %dma_start3A_142] : memref<4x21x5120xf32, #tpu.memory_space<hbm>> -> memref<1x1x5120xf32, #tpu.memory_space<hbm>>
      %dma_start3A_144 = tpu.memref_squeeze %dma_start3A_143 : memref<1x1x5120xf32, #tpu.memory_space<hbm>> -> memref<5120xf32, #tpu.memory_space<hbm>>
      %dma_start3A_145 = tpu.memref_slice %arg5[%mul3A_140] : memref<15360xf32, #tpu.memory_space<vmem>> -> memref<5120xf32, #tpu.memory_space<vmem>>
      %dma_start3A_146 = arith.constant 0 : i32
      %dma_start3A_147 = tpu.memref_slice %arg2[%select_n3A, %add3A_137, %dma_start3A_146] : memref<4x21x5120xf32, #tpu.memory_space<hbm>> -> memref<1x1x5120xf32, #tpu.memory_space<hbm>>
      %dma_start3A_148 = tpu.memref_squeeze %dma_start3A_147 : memref<1x1x5120xf32, #tpu.memory_space<hbm>> -> memref<5120xf32, #tpu.memory_space<hbm>>
      tpu.enqueue_dma source(%dma_start3A_148 : memref<5120xf32, #tpu.memory_space<hbm>>) target(%dma_start3A_145 : memref<5120xf32, #tpu.memory_space<vmem>>) target_semaphore(%arg16 : memref<!tpu.dma_semaphore, #tpu.memory_space<semaphore_mem>>)
    }
    %dma_wait3A = arith.constant 0 : i32
    %dma_wait3A_100 = arith.constant 0 : i32
    %dma_wait3A_101 = tpu.memref_slice %arg3[%select_n3A, %dma_wait3A, %dma_wait3A_100] : memref<4x4x5120xf32, #tpu.memory_space<hbm>> -> memref<1x4x5120xf32, #tpu.memory_space<hbm>>
    %dma_wait3A_102 = tpu.memref_squeeze %dma_wait3A_101 : memref<1x4x5120xf32, #tpu.memory_space<hbm>> -> memref<4x5120xf32, #tpu.memory_space<hbm>>
    %dma_wait3A_103 = arith.constant 0 : i32
    %dma_wait3A_104 = arith.constant 0 : i32
    %dma_wait3A_105 = tpu.memref_slice %arg3[%select_n3A, %dma_wait3A_103, %dma_wait3A_104] : memref<4x4x5120xf32, #tpu.memory_space<hbm>> -> memref<1x4x5120xf32, #tpu.memory_space<hbm>>
    %dma_wait3A_106 = tpu.memref_squeeze %dma_wait3A_105 : memref<1x4x5120xf32, #tpu.memory_space<hbm>> -> memref<4x5120xf32, #tpu.memory_space<hbm>>
    tpu.wait_dma2 semaphore(%arg15 : memref<!tpu.dma_semaphore, #tpu.memory_space<semaphore_mem>>) src(%dma_wait3A_106 : memref<4x5120xf32, #tpu.memory_space<hbm>>) dst(%arg6 : memref<4x5120xf32, #tpu.memory_space<vmem>>)
    %while3A_107 = arith.constant 0 : i32
    %while3A_108 = arith.subi %select_n3A_84, %select_n3A_56 : i32
    %while3A_109 = arith.addi %select_n3A_56, %while3A_108 : i32
    %while3A_110 = arith.constant 1 : i32
    %while3A_111 = arith.divsi %while3A_108, %while3A_110 : i32
    %while3A_112 = arith.muli %while3A_111, %while3A_110 : i32
    %while3A_113 = arith.addi %select_n3A_56, %while3A_112 : i32
    %while3A_114 = arith.constant 1 : i32
    scf.for %while3A_135 = %select_n3A_56 to %while3A_113 step %while3A_114  : i32 {
      %add3A_136 = arith.constant 1 : i32
      %add3A_137 = arith.addi %while3A_135, %add3A_136 : i32
      %sub3A_138 = arith.subi %while3A_135, %select_n3A_56 : i32
      %mul3A_139 = arith.constant 5120 : i32
      %mul3A_140 = arith.muli %sub3A_138, %mul3A_139 : i32
      %dma_wait3A_141 = tpu.memref_slice %arg5[%mul3A_140] : memref<15360xf32, #tpu.memory_space<vmem>> -> memref<5120xf32, #tpu.memory_space<vmem>>
      %dma_wait3A_142 = arith.constant 0 : i32
      %dma_wait3A_143 = tpu.memref_slice %arg2[%select_n3A, %add3A_137, %dma_wait3A_142] : memref<4x21x5120xf32, #tpu.memory_space<hbm>> -> memref<1x1x5120xf32, #tpu.memory_space<hbm>>
      %dma_wait3A_144 = tpu.memref_squeeze %dma_wait3A_143 : memref<1x1x5120xf32, #tpu.memory_space<hbm>> -> memref<5120xf32, #tpu.memory_space<hbm>>
      %dma_wait3A_145 = tpu.memref_slice %arg5[%mul3A_140] : memref<15360xf32, #tpu.memory_space<vmem>> -> memref<5120xf32, #tpu.memory_space<vmem>>
      %dma_wait3A_146 = arith.constant 0 : i32
      %dma_wait3A_147 = tpu.memref_slice %arg2[%select_n3A, %add3A_137, %dma_wait3A_146] : memref<4x21x5120xf32, #tpu.memory_space<hbm>> -> memref<1x1x5120xf32, #tpu.memory_space<hbm>>
      %dma_wait3A_148 = tpu.memref_squeeze %dma_wait3A_147 : memref<1x1x5120xf32, #tpu.memory_space<hbm>> -> memref<5120xf32, #tpu.memory_space<hbm>>
      tpu.wait_dma2 semaphore(%arg16 : memref<!tpu.dma_semaphore, #tpu.memory_space<semaphore_mem>>) src(%dma_wait3A_148 : memref<5120xf32, #tpu.memory_space<hbm>>) dst(%dma_wait3A_145 : memref<5120xf32, #tpu.memory_space<vmem>>)
    }
    %while3A_115 = arith.constant 1 : i32
    scf.for %while3A_135 = %while3A_113 to %while3A_109 step %while3A_115  : i32 {
      %add3A_136 = arith.constant 1 : i32
      %add3A_137 = arith.addi %while3A_135, %add3A_136 : i32
      %sub3A_138 = arith.subi %while3A_135, %select_n3A_56 : i32
      %mul3A_139 = arith.constant 5120 : i32
      %mul3A_140 = arith.muli %sub3A_138, %mul3A_139 : i32
      %dma_wait3A_141 = tpu.memref_slice %arg5[%mul3A_140] : memref<15360xf32, #tpu.memory_space<vmem>> -> memref<5120xf32, #tpu.memory_space<vmem>>
      %dma_wait3A_142 = arith.constant 0 : i32
      %dma_wait3A_143 = tpu.memref_slice %arg2[%select_n3A, %add3A_137, %dma_wait3A_142] : memref<4x21x5120xf32, #tpu.memory_space<hbm>> -> memref<1x1x5120xf32, #tpu.memory_space<hbm>>
      %dma_wait3A_144 = tpu.memref_squeeze %dma_wait3A_143 : memref<1x1x5120xf32, #tpu.memory_space<hbm>> -> memref<5120xf32, #tpu.memory_space<hbm>>
      %dma_wait3A_145 = tpu.memref_slice %arg5[%mul3A_140] : memref<15360xf32, #tpu.memory_space<vmem>> -> memref<5120xf32, #tpu.memory_space<vmem>>
      %dma_wait3A_146 = arith.constant 0 : i32
      %dma_wait3A_147 = tpu.memref_slice %arg2[%select_n3A, %add3A_137, %dma_wait3A_146] : memref<4x21x5120xf32, #tpu.memory_space<hbm>> -> memref<1x1x5120xf32, #tpu.memory_space<hbm>>
      %dma_wait3A_148 = tpu.memref_squeeze %dma_wait3A_147 : memref<1x1x5120xf32, #tpu.memory_space<hbm>> -> memref<5120xf32, #tpu.memory_space<hbm>>
      tpu.wait_dma2 semaphore(%arg16 : memref<!tpu.dma_semaphore, #tpu.memory_space<semaphore_mem>>) src(%dma_wait3A_148 : memref<5120xf32, #tpu.memory_space<hbm>>) dst(%dma_wait3A_145 : memref<5120xf32, #tpu.memory_space<vmem>>)
    }
    %iota3A = tpu.iota {dimensions = array<i32: 0>} : vector<16xi32>
    %broadcast_in_dim3A = arith.constant 0 : i32
    %broadcast_in_dim3A_116 = vector.broadcast %broadcast_in_dim3A : i32 to vector<16xi32>
    %while3A_117 = arith.constant 0 : i32
    %while3A_118 = arith.subi %select_n3A_84, %select_n3A_56 : i32
    %while3A_119 = arith.addi %select_n3A_56, %while3A_118 : i32
    %while3A_120 = arith.constant 1 : i32
    %while3A_121 = arith.divsi %while3A_118, %while3A_120 : i32
    %while3A_122 = arith.muli %while3A_121, %while3A_120 : i32
    %while3A_123 = arith.addi %select_n3A_56, %while3A_122 : i32
    %while3A_124 = arith.constant 1 : i32
    scf.for %while3A_135 = %select_n3A_56 to %while3A_123 step %while3A_124  : i32 {
      %sub3A_136 = arith.subi %while3A_135, %select_n3A_56 : i32
      %broadcast_in_dim3A_137 = arith.constant 0.000000e+00 : f32
      %broadcast_in_dim3A_138 = vector.broadcast %broadcast_in_dim3A_137 : f32 to vector<16xf32>
      %mul3A_139 = arith.constant 512 : i32
      %mul3A_140 = arith.muli %sub3A_136, %mul3A_139 : i32
      %add3A_141 = arith.constant 0 : i32
      %add3A_142 = arith.addi %mul3A_140, %add3A_141 : i32
      %swap3A = arith.index_cast %add3A_142 : i32 to index
      %swap3A_143 = tpu.vector_load %arg14[%swap3A] {strides = array<i32>} : memref<1536xf32, #tpu.memory_space<vmem>>, vector<16xf32>,
      tpu.vector_store %arg14[%swap3A], %broadcast_in_dim3A_138 {strides = array<i32>} : memref<1536xf32, #tpu.memory_space<vmem>>, vector<16xf32>,
      %broadcast_in_dim3A_144 = arith.constant 0.000000e+00 : f32
      %broadcast_in_dim3A_145 = vector.broadcast %broadcast_in_dim3A_144 : f32 to vector<16xf32>
      %mul3A_146 = arith.constant 512 : i32
      %mul3A_147 = arith.muli %sub3A_136, %mul3A_146 : i32
      %add3A_148 = arith.constant 16 : i32
      %add3A_149 = arith.addi %mul3A_147, %add3A_148 : i32
      %swap3A_150 = arith.index_cast %add3A_149 : i32 to index
      %swap3A_151 = tpu.vector_load %arg14[%swap3A_150] {strides = array<i32>} : memref<1536xf32, #tpu.memory_space<vmem>>, vector<16xf32>,
      tpu.vector_store %arg14[%swap3A_150], %broadcast_in_dim3A_145 {strides = array<i32>} : memref<1536xf32, #tpu.memory_space<vmem>>, vector<16xf32>,
      %broadcast_in_dim3A_152 = arith.constant 0.000000e+00 : f32
      %broadcast_in_dim3A_153 = vector.broadcast %broadcast_in_dim3A_152 : f32 to vector<16xf32>
      %mul3A_154 = arith.constant 512 : i32
      %mul3A_155 = arith.muli %sub3A_136, %mul3A_154 : i32
      %add3A_156 = arith.constant 32 : i32
      %add3A_157 = arith.addi %mul3A_155, %add3A_156 : i32
      %swap3A_158 = arith.index_cast %add3A_157 : i32 to index
      %swap3A_159 = tpu.vector_load %arg14[%swap3A_158] {strides = array<i32>} : memref<1536xf32, #tpu.memory_space<vmem>>, vector<16xf32>,
      tpu.vector_store %arg14[%swap3A_158], %broadcast_in_dim3A_153 {strides = array<i32>} : memref<1536xf32, #tpu.memory_space<vmem>>, vector<16xf32>,
      %broadcast_in_dim3A_160 = arith.constant 0.000000e+00 : f32
      %broadcast_in_dim3A_161 = vector.broadcast %broadcast_in_dim3A_160 : f32 to vector<16xf32>
      %mul3A_162 = arith.constant 512 : i32
      %mul3A_163 = arith.muli %sub3A_136, %mul3A_162 : i32
      %add3A_164 = arith.constant 48 : i32
      %add3A_165 = arith.addi %mul3A_163, %add3A_164 : i32
      %swap3A_166 = arith.index_cast %add3A_165 : i32 to index
      %swap3A_167 = tpu.vector_load %arg14[%swap3A_166] {strides = array<i32>} : memref<1536xf32, #tpu.memory_space<vmem>>, vector<16xf32>,
      tpu.vector_store %arg14[%swap3A_166], %broadcast_in_dim3A_161 {strides = array<i32>} : memref<1536xf32, #tpu.memory_space<vmem>>, vector<16xf32>,
      %broadcast_in_dim3A_168 = arith.constant 0.000000e+00 : f32
      %broadcast_in_dim3A_169 = vector.broadcast %broadcast_in_dim3A_168 : f32 to vector<16xf32>
      %mul3A_170 = arith.constant 512 : i32
      %mul3A_171 = arith.muli %sub3A_136, %mul3A_170 : i32
      %add3A_172 = arith.constant 64 : i32
      %add3A_173 = arith.addi %mul3A_171, %add3A_172 : i32
      %swap3A_174 = arith.index_cast %add3A_173 : i32 to index
      %swap3A_175 = tpu.vector_load %arg14[%swap3A_174] {strides = array<i32>} : memref<1536xf32, #tpu.memory_space<vmem>>, vector<16xf32>,
      tpu.vector_store %arg14[%swap3A_174], %broadcast_in_dim3A_169 {strides = array<i32>} : memref<1536xf32, #tpu.memory_space<vmem>>, vector<16xf32>,
      %broadcast_in_dim3A_176 = arith.constant 0.000000e+00 : f32
      %broadcast_in_dim3A_177 = vector.broadcast %broadcast_in_dim3A_176 : f32 to vector<16xf32>
      %mul3A_178 = arith.constant 512 : i32
      %mul3A_179 = arith.muli %sub3A_136, %mul3A_178 : i32
      %add3A_180 = arith.constant 80 : i32
      %add3A_181 = arith.addi %mul3A_179, %add3A_180 : i32
      %swap3A_182 = arith.index_cast %add3A_181 : i32 to index
      %swap3A_183 = tpu.vector_load %arg14[%swap3A_182] {strides = array<i32>} : memref<1536xf32, #tpu.memory_space<vmem>>, vector<16xf32>,
      tpu.vector_store %arg14[%swap3A_182], %broadcast_in_dim3A_177 {strides = array<i32>} : memref<1536xf32, #tpu.memory_space<vmem>>, vector<16xf32>,
      %broadcast_in_dim3A_184 = arith.constant 0.000000e+00 : f32
      %broadcast_in_dim3A_185 = vector.broadcast %broadcast_in_dim3A_184 : f32 to vector<16xf32>
      %mul3A_186 = arith.constant 512 : i32
      %mul3A_187 = arith.muli %sub3A_136, %mul3A_186 : i32
      %add3A_188 = arith.constant 96 : i32
      %add3A_189 = arith.addi %mul3A_187, %add3A_188 : i32
      %swap3A_190 = arith.index_cast %add3A_189 : i32 to index
      %swap3A_191 = tpu.vector_load %arg14[%swap3A_190] {strides = array<i32>} : memref<1536xf32, #tpu.memory_space<vmem>>, vector<16xf32>,
      tpu.vector_store %arg14[%swap3A_190], %broadcast_in_dim3A_185 {strides = array<i32>} : memref<1536xf32, #tpu.memory_space<vmem>>, vector<16xf32>,
      %broadcast_in_dim3A_192 = arith.constant 0.000000e+00 : f32
      %broadcast_in_dim3A_193 = vector.broadcast %broadcast_in_dim3A_192 : f32 to vector<16xf32>
      %mul3A_194 = arith.constant 512 : i32
      %mul3A_195 = arith.muli %sub3A_136, %mul3A_194 : i32
      %add3A_196 = arith.constant 112 : i32
      %add3A_197 = arith.addi %mul3A_195, %add3A_196 : i32
      %swap3A_198 = arith.index_cast %add3A_197 : i32 to index
      %swap3A_199 = tpu.vector_load %arg14[%swap3A_198] {strides = array<i32>} : memref<1536xf32, #tpu.memory_space<vmem>>, vector<16xf32>,
      tpu.vector_store %arg14[%swap3A_198], %broadcast_in_dim3A_193 {strides = array<i32>} : memref<1536xf32, #tpu.memory_space<vmem>>, vector<16xf32>,
      %broadcast_in_dim3A_200 = arith.constant 0.000000e+00 : f32
      %broadcast_in_dim3A_201 = vector.broadcast %broadcast_in_dim3A_200 : f32 to vector<16xf32>
      %mul3A_202 = arith.constant 512 : i32
      %mul3A_203 = arith.muli %sub3A_136, %mul3A_202 : i32
      %add3A_204 = arith.constant 128 : i32
      %add3A_205 = arith.addi %mul3A_203, %add3A_204 : i32
      %swap3A_206 = arith.index_cast %add3A_205 : i32 to index
      %swap3A_207 = tpu.vector_load %arg14[%swap3A_206] {strides = array<i32>} : memref<1536xf32, #tpu.memory_space<vmem>>, vector<16xf32>,
      tpu.vector_store %arg14[%swap3A_206], %broadcast_in_dim3A_201 {strides = array<i32>} : memref<1536xf32, #tpu.memory_space<vmem>>, vector<16xf32>,
      %broadcast_in_dim3A_208 = arith.constant 0.000000e+00 : f32
      %broadcast_in_dim3A_209 = vector.broadcast %broadcast_in_dim3A_208 : f32 to vector<16xf32>
      %mul3A_210 = arith.constant 512 : i32
      %mul3A_211 = arith.muli %sub3A_136, %mul3A_210 : i32
      %add3A_212 = arith.constant 144 : i32
      %add3A_213 = arith.addi %mul3A_211, %add3A_212 : i32
      %swap3A_214 = arith.index_cast %add3A_213 : i32 to index
      %swap3A_215 = tpu.vector_load %arg14[%swap3A_214] {strides = array<i32>} : memref<1536xf32, #tpu.memory_space<vmem>>, vector<16xf32>,
      tpu.vector_store %arg14[%swap3A_214], %broadcast_in_dim3A_209 {strides = array<i32>} : memref<1536xf32, #tpu.memory_space<vmem>>, vector<16xf32>,
      %broadcast_in_dim3A_216 = arith.constant 0.000000e+00 : f32
      %broadcast_in_dim3A_217 = vector.broadcast %broadcast_in_dim3A_216 : f32 to vector<16xf32>
      %mul3A_218 = arith.constant 512 : i32
      %mul3A_219 = arith.muli %sub3A_136, %mul3A_218 : i32
      %add3A_220 = arith.constant 160 : i32
      %add3A_221 = arith.addi %mul3A_219, %add3A_220 : i32
      %swap3A_222 = arith.index_cast %add3A_221 : i32 to index
      %swap3A_223 = tpu.vector_load %arg14[%swap3A_222] {strides = array<i32>} : memref<1536xf32, #tpu.memory_space<vmem>>, vector<16xf32>,
      tpu.vector_store %arg14[%swap3A_222], %broadcast_in_dim3A_217 {strides = array<i32>} : memref<1536xf32, #tpu.memory_space<vmem>>, vector<16xf32>,
      %broadcast_in_dim3A_224 = arith.constant 0.000000e+00 : f32
      %broadcast_in_dim3A_225 = vector.broadcast %broadcast_in_dim3A_224 : f32 to vector<16xf32>
      %mul3A_226 = arith.constant 512 : i32
      %mul3A_227 = arith.muli %sub3A_136, %mul3A_226 : i32
      %add3A_228 = arith.constant 176 : i32
      %add3A_229 = arith.addi %mul3A_227, %add3A_228 : i32
      %swap3A_230 = arith.index_cast %add3A_229 : i32 to index
      %swap3A_231 = tpu.vector_load %arg14[%swap3A_230] {strides = array<i32>} : memref<1536xf32, #tpu.memory_space<vmem>>, vector<16xf32>,
      tpu.vector_store %arg14[%swap3A_230], %broadcast_in_dim3A_225 {strides = array<i32>} : memref<1536xf32, #tpu.memory_space<vmem>>, vector<16xf32>,
      %broadcast_in_dim3A_232 = arith.constant 0.000000e+00 : f32
      %broadcast_in_dim3A_233 = vector.broadcast %broadcast_in_dim3A_232 : f32 to vector<16xf32>
      %mul3A_234 = arith.constant 512 : i32
      %mul3A_235 = arith.muli %sub3A_136, %mul3A_234 : i32
      %add3A_236 = arith.constant 192 : i32
      %add3A_237 = arith.addi %mul3A_235, %add3A_236 : i32
      %swap3A_238 = arith.index_cast %add3A_237 : i32 to index
      %swap3A_239 = tpu.vector_load %arg14[%swap3A_238] {strides = array<i32>} : memref<1536xf32, #tpu.memory_space<vmem>>, vector<16xf32>,
      tpu.vector_store %arg14[%swap3A_238], %broadcast_in_dim3A_233 {strides = array<i32>} : memref<1536xf32, #tpu.memory_space<vmem>>, vector<16xf32>,
      %broadcast_in_dim3A_240 = arith.constant 0.000000e+00 : f32
      %broadcast_in_dim3A_241 = vector.broadcast %broadcast_in_dim3A_240 : f32 to vector<16xf32>
      %mul3A_242 = arith.constant 512 : i32
      %mul3A_243 = arith.muli %sub3A_136, %mul3A_242 : i32
      %add3A_244 = arith.constant 208 : i32
      %add3A_245 = arith.addi %mul3A_243, %add3A_244 : i32
      %swap3A_246 = arith.index_cast %add3A_245 : i32 to index
      %swap3A_247 = tpu.vector_load %arg14[%swap3A_246] {strides = array<i32>} : memref<1536xf32, #tpu.memory_space<vmem>>, vector<16xf32>,
      tpu.vector_store %arg14[%swap3A_246], %broadcast_in_dim3A_241 {strides = array<i32>} : memref<1536xf32, #tpu.memory_space<vmem>>, vector<16xf32>,
      %broadcast_in_dim3A_248 = arith.constant 0.000000e+00 : f32
      %broadcast_in_dim3A_249 = vector.broadcast %broadcast_in_dim3A_248 : f32 to vector<16xf32>
      %mul3A_250 = arith.constant 512 : i32
      %mul3A_251 = arith.muli %sub3A_136, %mul3A_250 : i32
      %add3A_252 = arith.constant 224 : i32
      %add3A_253 = arith.addi %mul3A_251, %add3A_252 : i32
      %swap3A_254 = arith.index_cast %add3A_253 : i32 to index
      %swap3A_255 = tpu.vector_load %arg14[%swap3A_254] {strides = array<i32>} : memref<1536xf32, #tpu.memory_space<vmem>>, vector<16xf32>,
      tpu.vector_store %arg14[%swap3A_254], %broadcast_in_dim3A_249 {strides = array<i32>} : memref<1536xf32, #tpu.memory_space<vmem>>, vector<16xf32>,
      %broadcast_in_dim3A_256 = arith.constant 0.000000e+00 : f32
      %broadcast_in_dim3A_257 = vector.broadcast %broadcast_in_dim3A_256 : f32 to vector<16xf32>
      %mul3A_258 = arith.constant 512 : i32
      %mul3A_259 = arith.muli %sub3A_136, %mul3A_258 : i32
      %add3A_260 = arith.constant 240 : i32
      %add3A_261 = arith.addi %mul3A_259, %add3A_260 : i32
      %swap3A_262 = arith.index_cast %add3A_261 : i32 to index
      %swap3A_263 = tpu.vector_load %arg14[%swap3A_262] {strides = array<i32>} : memref<1536xf32, #tpu.memory_space<vmem>>, vector<16xf32>,
      tpu.vector_store %arg14[%swap3A_262], %broadcast_in_dim3A_257 {strides = array<i32>} : memref<1536xf32, #tpu.memory_space<vmem>>, vector<16xf32>,
      %broadcast_in_dim3A_264 = arith.constant 0.000000e+00 : f32
      %broadcast_in_dim3A_265 = vector.broadcast %broadcast_in_dim3A_264 : f32 to vector<16xf32>
      %mul3A_266 = arith.constant 512 : i32
      %mul3A_267 = arith.muli %sub3A_136, %mul3A_266 : i32
      %add3A_268 = arith.constant 256 : i32
      %add3A_269 = arith.addi %mul3A_267, %add3A_268 : i32
      %swap3A_270 = arith.index_cast %add3A_269 : i32 to index
      %swap3A_271 = tpu.vector_load %arg14[%swap3A_270] {strides = array<i32>} : memref<1536xf32, #tpu.memory_space<vmem>>, vector<16xf32>,
      tpu.vector_store %arg14[%swap3A_270], %broadcast_in_dim3A_265 {strides = array<i32>} : memref<1536xf32, #tpu.memory_space<vmem>>, vector<16xf32>,
      %broadcast_in_dim3A_272 = arith.constant 0.000000e+00 : f32
      %broadcast_in_dim3A_273 = vector.broadcast %broadcast_in_dim3A_272 : f32 to vector<16xf32>
      %mul3A_274 = arith.constant 512 : i32
      %mul3A_275 = arith.muli %sub3A_136, %mul3A_274 : i32
      %add3A_276 = arith.constant 272 : i32
      %add3A_277 = arith.addi %mul3A_275, %add3A_276 : i32
      %swap3A_278 = arith.index_cast %add3A_277 : i32 to index
      %swap3A_279 = tpu.vector_load %arg14[%swap3A_278] {strides = array<i32>} : memref<1536xf32, #tpu.memory_space<vmem>>, vector<16xf32>,
      tpu.vector_store %arg14[%swap3A_278], %broadcast_in_dim3A_273 {strides = array<i32>} : memref<1536xf32, #tpu.memory_space<vmem>>, vector<16xf32>,
      %broadcast_in_dim3A_280 = arith.constant 0.000000e+00 : f32
      %broadcast_in_dim3A_281 = vector.broadcast %broadcast_in_dim3A_280 : f32 to vector<16xf32>
      %mul3A_282 = arith.constant 512 : i32
      %mul3A_283 = arith.muli %sub3A_136, %mul3A_282 : i32
      %add3A_284 = arith.constant 288 : i32
      %add3A_285 = arith.addi %mul3A_283, %add3A_284 : i32
      %swap3A_286 = arith.index_cast %add3A_285 : i32 to index
      %swap3A_287 = tpu.vector_load %arg14[%swap3A_286] {strides = array<i32>} : memref<1536xf32, #tpu.memory_space<vmem>>, vector<16xf32>,
      tpu.vector_store %arg14[%swap3A_286], %broadcast_in_dim3A_281 {strides = array<i32>} : memref<1536xf32, #tpu.memory_space<vmem>>, vector<16xf32>,
      %broadcast_in_dim3A_288 = arith.constant 0.000000e+00 : f32
      %broadcast_in_dim3A_289 = vector.broadcast %broadcast_in_dim3A_288 : f32 to vector<16xf32>
      %mul3A_290 = arith.constant 512 : i32
      %mul3A_291 = arith.muli %sub3A_136, %mul3A_290 : i32
      %add3A_292 = arith.constant 304 : i32
      %add3A_293 = arith.addi %mul3A_291, %add3A_292 : i32
      %swap3A_294 = arith.index_cast %add3A_293 : i32 to index
      %swap3A_295 = tpu.vector_load %arg14[%swap3A_294] {strides = array<i32>} : memref<1536xf32, #tpu.memory_space<vmem>>, vector<16xf32>,
      tpu.vector_store %arg14[%swap3A_294], %broadcast_in_dim3A_289 {strides = array<i32>} : memref<1536xf32, #tpu.memory_space<vmem>>, vector<16xf32>,
      %broadcast_in_dim3A_296 = arith.constant 0.000000e+00 : f32
      %broadcast_in_dim3A_297 = vector.broadcast %broadcast_in_dim3A_296 : f32 to vector<16xf32>
      %mul3A_298 = arith.constant 512 : i32
      %mul3A_299 = arith.muli %sub3A_136, %mul3A_298 : i32
      %add3A_300 = arith.constant 320 : i32
      %add3A_301 = arith.addi %mul3A_299, %add3A_300 : i32
      %swap3A_302 = arith.index_cast %add3A_301 : i32 to index
      %swap3A_303 = tpu.vector_load %arg14[%swap3A_302] {strides = array<i32>} : memref<1536xf32, #tpu.memory_space<vmem>>, vector<16xf32>,
      tpu.vector_store %arg14[%swap3A_302], %broadcast_in_dim3A_297 {strides = array<i32>} : memref<1536xf32, #tpu.memory_space<vmem>>, vector<16xf32>,
      %broadcast_in_dim3A_304 = arith.constant 0.000000e+00 : f32
      %broadcast_in_dim3A_305 = vector.broadcast %broadcast_in_dim3A_304 : f32 to vector<16xf32>
      %mul3A_306 = arith.constant 512 : i32
      %mul3A_307 = arith.muli %sub3A_136, %mul3A_306 : i32
      %add3A_308 = arith.constant 336 : i32
      %add3A_309 = arith.addi %mul3A_307, %add3A_308 : i32
      %swap3A_310 = arith.index_cast %add3A_309 : i32 to index
      %swap3A_311 = tpu.vector_load %arg14[%swap3A_310] {strides = array<i32>} : memref<1536xf32, #tpu.memory_space<vmem>>, vector<16xf32>,
      tpu.vector_store %arg14[%swap3A_310], %broadcast_in_dim3A_305 {strides = array<i32>} : memref<1536xf32, #tpu.memory_space<vmem>>, vector<16xf32>,
      %broadcast_in_dim3A_312 = arith.constant 0.000000e+00 : f32
      %broadcast_in_dim3A_313 = vector.broadcast %broadcast_in_dim3A_312 : f32 to vector<16xf32>
      %mul3A_314 = arith.constant 512 : i32
      %mul3A_315 = arith.muli %sub3A_136, %mul3A_314 : i32
      %add3A_316 = arith.constant 352 : i32
      %add3A_317 = arith.addi %mul3A_315, %add3A_316 : i32
      %swap3A_318 = arith.index_cast %add3A_317 : i32 to index
      %swap3A_319 = tpu.vector_load %arg14[%swap3A_318] {strides = array<i32>} : memref<1536xf32, #tpu.memory_space<vmem>>, vector<16xf32>,
      tpu.vector_store %arg14[%swap3A_318], %broadcast_in_dim3A_313 {strides = array<i32>} : memref<1536xf32, #tpu.memory_space<vmem>>, vector<16xf32>,
      %broadcast_in_dim3A_320 = arith.constant 0.000000e+00 : f32
      %broadcast_in_dim3A_321 = vector.broadcast %broadcast_in_dim3A_320 : f32 to vector<16xf32>
      %mul3A_322 = arith.constant 512 : i32
      %mul3A_323 = arith.muli %sub3A_136, %mul3A_322 : i32
      %add3A_324 = arith.constant 368 : i32
      %add3A_325 = arith.addi %mul3A_323, %add3A_324 : i32
      %swap3A_326 = arith.index_cast %add3A_325 : i32 to index
      %swap3A_327 = tpu.vector_load %arg14[%swap3A_326] {strides = array<i32>} : memref<1536xf32, #tpu.memory_space<vmem>>, vector<16xf32>,
      tpu.vector_store %arg14[%swap3A_326], %broadcast_in_dim3A_321 {strides = array<i32>} : memref<1536xf32, #tpu.memory_space<vmem>>, vector<16xf32>,
      %broadcast_in_dim3A_328 = arith.constant 0.000000e+00 : f32
      %broadcast_in_dim3A_329 = vector.broadcast %broadcast_in_dim3A_328 : f32 to vector<16xf32>
      %mul3A_330 = arith.constant 512 : i32
      %mul3A_331 = arith.muli %sub3A_136, %mul3A_330 : i32
      %add3A_332 = arith.constant 384 : i32
      %add3A_333 = arith.addi %mul3A_331, %add3A_332 : i32
      %swap3A_334 = arith.index_cast %add3A_333 : i32 to index
      %swap3A_335 = tpu.vector_load %arg14[%swap3A_334] {strides = array<i32>} : memref<1536xf32, #tpu.memory_space<vmem>>, vector<16xf32>,
      tpu.vector_store %arg14[%swap3A_334], %broadcast_in_dim3A_329 {strides = array<i32>} : memref<1536xf32, #tpu.memory_space<vmem>>, vector<16xf32>,
      %broadcast_in_dim3A_336 = arith.constant 0.000000e+00 : f32
      %broadcast_in_dim3A_337 = vector.broadcast %broadcast_in_dim3A_336 : f32 to vector<16xf32>
      %mul3A_338 = arith.constant 512 : i32
      %mul3A_339 = arith.muli %sub3A_136, %mul3A_338 : i32
      %add3A_340 = arith.constant 400 : i32
      %add3A_341 = arith.addi %mul3A_339, %add3A_340 : i32
      %swap3A_342 = arith.index_cast %add3A_341 : i32 to index
      %swap3A_343 = tpu.vector_load %arg14[%swap3A_342] {strides = array<i32>} : memref<1536xf32, #tpu.memory_space<vmem>>, vector<16xf32>,
      tpu.vector_store %arg14[%swap3A_342], %broadcast_in_dim3A_337 {strides = array<i32>} : memref<1536xf32, #tpu.memory_space<vmem>>, vector<16xf32>,
      %broadcast_in_dim3A_344 = arith.constant 0.000000e+00 : f32
      %broadcast_in_dim3A_345 = vector.broadcast %broadcast_in_dim3A_344 : f32 to vector<16xf32>
      %mul3A_346 = arith.constant 512 : i32
      %mul3A_347 = arith.muli %sub3A_136, %mul3A_346 : i32
      %add3A_348 = arith.constant 416 : i32
      %add3A_349 = arith.addi %mul3A_347, %add3A_348 : i32
      %swap3A_350 = arith.index_cast %add3A_349 : i32 to index
      %swap3A_351 = tpu.vector_load %arg14[%swap3A_350] {strides = array<i32>} : memref<1536xf32, #tpu.memory_space<vmem>>, vector<16xf32>,
      tpu.vector_store %arg14[%swap3A_350], %broadcast_in_dim3A_345 {strides = array<i32>} : memref<1536xf32, #tpu.memory_space<vmem>>, vector<16xf32>,
      %broadcast_in_dim3A_352 = arith.constant 0.000000e+00 : f32
      %broadcast_in_dim3A_353 = vector.broadcast %broadcast_in_dim3A_352 : f32 to vector<16xf32>
      %mul3A_354 = arith.constant 512 : i32
      %mul3A_355 = arith.muli %sub3A_136, %mul3A_354 : i32
      %add3A_356 = arith.constant 432 : i32
      %add3A_357 = arith.addi %mul3A_355, %add3A_356 : i32
      %swap3A_358 = arith.index_cast %add3A_357 : i32 to index
      %swap3A_359 = tpu.vector_load %arg14[%swap3A_358] {strides = array<i32>} : memref<1536xf32, #tpu.memory_space<vmem>>, vector<16xf32>,
      tpu.vector_store %arg14[%swap3A_358], %broadcast_in_dim3A_353 {strides = array<i32>} : memref<1536xf32, #tpu.memory_space<vmem>>, vector<16xf32>,
      %broadcast_in_dim3A_360 = arith.constant 0.000000e+00 : f32
      %broadcast_in_dim3A_361 = vector.broadcast %broadcast_in_dim3A_360 : f32 to vector<16xf32>
      %mul3A_362 = arith.constant 512 : i32
      %mul3A_363 = arith.muli %sub3A_136, %mul3A_362 : i32
      %add3A_364 = arith.constant 448 : i32
      %add3A_365 = arith.addi %mul3A_363, %add3A_364 : i32
      %swap3A_366 = arith.index_cast %add3A_365 : i32 to index
      %swap3A_367 = tpu.vector_load %arg14[%swap3A_366] {strides = array<i32>} : memref<1536xf32, #tpu.memory_space<vmem>>, vector<16xf32>,
      tpu.vector_store %arg14[%swap3A_366], %broadcast_in_dim3A_361 {strides = array<i32>} : memref<1536xf32, #tpu.memory_space<vmem>>, vector<16xf32>,
      %broadcast_in_dim3A_368 = arith.constant 0.000000e+00 : f32
      %broadcast_in_dim3A_369 = vector.broadcast %broadcast_in_dim3A_368 : f32 to vector<16xf32>
      %mul3A_370 = arith.constant 512 : i32
      %mul3A_371 = arith.muli %sub3A_136, %mul3A_370 : i32
      %add3A_372 = arith.constant 464 : i32
      %add3A_373 = arith.addi %mul3A_371, %add3A_372 : i32
      %swap3A_374 = arith.index_cast %add3A_373 : i32 to index
      %swap3A_375 = tpu.vector_load %arg14[%swap3A_374] {strides = array<i32>} : memref<1536xf32, #tpu.memory_space<vmem>>, vector<16xf32>,
      tpu.vector_store %arg14[%swap3A_374], %broadcast_in_dim3A_369 {strides = array<i32>} : memref<1536xf32, #tpu.memory_space<vmem>>, vector<16xf32>,
      %broadcast_in_dim3A_376 = arith.constant 0.000000e+00 : f32
      %broadcast_in_dim3A_377 = vector.broadcast %broadcast_in_dim3A_376 : f32 to vector<16xf32>
      %mul3A_378 = arith.constant 512 : i32
      %mul3A_379 = arith.muli %sub3A_136, %mul3A_378 : i32
      %add3A_380 = arith.constant 480 : i32
      %add3A_381 = arith.addi %mul3A_379, %add3A_380 : i32
      %swap3A_382 = arith.index_cast %add3A_381 : i32 to index
      %swap3A_383 = tpu.vector_load %arg14[%swap3A_382] {strides = array<i32>} : memref<1536xf32, #tpu.memory_space<vmem>>, vector<16xf32>,
      tpu.vector_store %arg14[%swap3A_382], %broadcast_in_dim3A_377 {strides = array<i32>} : memref<1536xf32, #tpu.memory_space<vmem>>, vector<16xf32>,
      %broadcast_in_dim3A_384 = arith.constant 0.000000e+00 : f32
      %broadcast_in_dim3A_385 = vector.broadcast %broadcast_in_dim3A_384 : f32 to vector<16xf32>
      %mul3A_386 = arith.constant 512 : i32
      %mul3A_387 = arith.muli %sub3A_136, %mul3A_386 : i32
      %add3A_388 = arith.constant 496 : i32
      %add3A_389 = arith.addi %mul3A_387, %add3A_388 : i32
      %swap3A_390 = arith.index_cast %add3A_389 : i32 to index
      %swap3A_391 = tpu.vector_load %arg14[%swap3A_390] {strides = array<i32>} : memref<1536xf32, #tpu.memory_space<vmem>>, vector<16xf32>,
      tpu.vector_store %arg14[%swap3A_390], %broadcast_in_dim3A_385 {strides = array<i32>} : memref<1536xf32, #tpu.memory_space<vmem>>, vector<16xf32>,
      %parallel_loop3A = arith.constant 0 : i32
      %parallel_loop3A_392 = arith.constant 5120 : i32
      %parallel_loop3A_393 = arith.constant 16 : i32
      %parallel_loop3A_394 = arith.constant 0 : i32
      %parallel_loop3A_395 = scf.for %parallel_loop3A_454 = %parallel_loop3A to %parallel_loop3A_392 step %parallel_loop3A_393 iter_args(%parallel_loop3A_455 = %parallel_loop3A_394) -> (i32)  : i32 {
        %parallel_loop3A_456 = arith.constant 5120 : i32
        %parallel_loop3A_457 = arith.muli %sub3A_136, %parallel_loop3A_456 : i32
        %parallel_loop3A_458 = arith.addi %parallel_loop3A_457, %parallel_loop3A_454 : i32
        %parallel_loop3A_459 = arith.index_cast %parallel_loop3A_458 : i32 to index
        %parallel_loop3A_460 = tpu.vector_load %arg5[%parallel_loop3A_459] {strides = array<i32>} : memref<15360xf32, #tpu.memory_space<vmem>>, vector<16xf32>,
        %parallel_loop3A_461 = arith.constant 0.000000e+00 : f32
        %parallel_loop3A_462 = vector.broadcast %parallel_loop3A_461 : f32 to vector<16xf32>
        %parallel_loop3A_463 = arith.cmpf ogt, %parallel_loop3A_460, %parallel_loop3A_462 : vector<16xf32>
        %parallel_loop3A_464 = tpu.all_reduce %parallel_loop3A_463 {dim = 0 : i64, kind = #tpu.reduction_kind<sum>} : vector<16xi1> -> vector<16xi32>
        %parallel_loop3A_465 = vector.extract_strided_slice %parallel_loop3A_464 {offsets = [0], sizes = [1], strides = [1]} : vector<16xi32> to vector<1xi32>
        %parallel_loop3A_466 = vector.extract %parallel_loop3A_465[0] : i32 from vector<1xi32>
        %parallel_loop3A_467 = arith.constant 0 : i32
        %parallel_loop3A_468 = arith.cmpi sgt, %parallel_loop3A_466, %parallel_loop3A_467 : i32
        %parallel_loop3A_469 = arith.extui %parallel_loop3A_468 : i1 to i32
        %parallel_loop3A_470 = arith.constant 0 : i32
        %parallel_loop3A_471 = arith.cmpi ne, %parallel_loop3A_469, %parallel_loop3A_470 : i32
        scf.if %parallel_loop3A_471 {
          %parallel_loop3A_473 = arith.extui %parallel_loop3A_463 : vector<16xi1> to vector<16xi32>
          %parallel_loop3A_474 = arith.constant true
          %parallel_loop3A_475 = vector.broadcast %parallel_loop3A_474 : i1 to vector<16xi1>
          %parallel_loop3A_476 = tpu.scan <sum>, %parallel_loop3A_473 masked %parallel_loop3A_475 : vector<16xi32>, vector<16xi1> -> vector<16xi32>
          %parallel_loop3A_477 = arith.constant 1 : i32
          %parallel_loop3A_478 = arith.subi %parallel_loop3A_455, %parallel_loop3A_477 : i32
          %parallel_loop3A_479 = vector.broadcast %parallel_loop3A_478 : i32 to vector<16xi32>
          %parallel_loop3A_480 = arith.addi %parallel_loop3A_476, %parallel_loop3A_479 : vector<16xi32>
          tpu.vector_store_idx %arg8[%parallel_loop3A_480], %parallel_loop3A_460 masked %parallel_loop3A_463 : memref<5136xf32, #tpu.memory_space<vmem>>[vector<16xi32>], vector<16xf32>, vector<16xi1>
          %parallel_loop3A_481 = vector.broadcast %parallel_loop3A_454 : i32 to vector<16xi32>
          %parallel_loop3A_482 = arith.addi %iota3A, %parallel_loop3A_481 : vector<16xi32>
          tpu.vector_store_idx %arg7[%parallel_loop3A_480], %parallel_loop3A_482 masked %parallel_loop3A_463 : memref<5136xi32, #tpu.memory_space<vmem>>[vector<16xi32>], vector<16xi32>, vector<16xi1>
        } else {
        }
        %parallel_loop3A_472 = arith.addi %parallel_loop3A_455, %parallel_loop3A_466 : i32
        scf.yield %parallel_loop3A_472 : i32
      } {sc.loop_unroll_factor = 4 : i64, sc.parallel_access}
      %broadcast_in_dim3A_396 = arith.constant -1.000000e+00 : f32
      %broadcast_in_dim3A_397 = vector.broadcast %broadcast_in_dim3A_396 : f32 to vector<16xf32>
      %swap3A_398 = arith.index_cast %parallel_loop3A_395 : i32 to index
      %swap3A_399 = tpu.vector_load %arg8[%swap3A_398] {strides = array<i32>} : memref<5136xf32, #tpu.memory_space<vmem>>, vector<16xf32>,
      tpu.vector_store %arg8[%swap3A_398], %broadcast_in_dim3A_397 {strides = array<i32>} : memref<5136xf32, #tpu.memory_space<vmem>>, vector<16xf32>,
      %swap3A_400 = arith.index_cast %parallel_loop3A_395 : i32 to index
      %swap3A_401 = tpu.vector_load %arg7[%swap3A_400] {strides = array<i32>} : memref<5136xi32, #tpu.memory_space<vmem>>, vector<16xi32>,
      tpu.vector_store %arg7[%swap3A_400], %broadcast_in_dim3A_116 {strides = array<i32>} : memref<5136xi32, #tpu.memory_space<vmem>>, vector<16xi32>,
      %add3A_402 = arith.constant 16 : i32
      %add3A_403 = arith.addi %parallel_loop3A_395, %add3A_402 : i32
      %sub3A_404 = arith.constant 1 : i32
      %sub3A_405 = arith.subi %add3A_403, %sub3A_404 : i32
      %jit3A_406 = arith.constant 16 : i32
      %div3A_407 = arith.divsi %sub3A_405, %jit3A_406 : i32
      %sign3A_408 = arith.constant 0 : i32
      %sign3A_409 = arith.cmpi sgt, %sub3A_405, %sign3A_408 : i32
      %sign3A_410 = arith.extui %sign3A_409 : i1 to i32
      %sign3A_411 = arith.constant 0 : i32
      %sign3A_412 = arith.cmpi slt, %sub3A_405, %sign3A_411 : i32
      %sign3A_413 = arith.extui %sign3A_412 : i1 to i32
      %sign3A_414 = arith.subi %sign3A_410, %sign3A_413 : i32
      %sign3A_415 = arith.constant 0 : i32
      %sign3A_416 = arith.cmpi sgt, %jit3A_406, %sign3A_415 : i32
      %sign3A_417 = arith.extui %sign3A_416 : i1 to i32
      %sign3A_418 = arith.constant 0 : i32
      %sign3A_419 = arith.cmpi slt, %jit3A_406, %sign3A_418 : i32
      %sign3A_420 = arith.extui %sign3A_419 : i1 to i32
      %sign3A_421 = arith.subi %sign3A_417, %sign3A_420 : i32
      %ne3A_422 = arith.cmpi ne, %sign3A_414, %sign3A_421 : i32
      %rem3A_423 = arith.remsi %sub3A_405, %jit3A_406 : i32
      %ne3A_424 = arith.constant 0 : i32
      %ne3A_425 = arith.cmpi ne, %rem3A_423, %ne3A_424 : i32
      %and3A_426 = arith.andi %ne3A_422, %ne3A_425 : i1
      %sub3A_427 = arith.constant 1 : i32
      %sub3A_428 = arith.subi %div3A_407, %sub3A_427 : i32
      %select_n3A_429 = arith.select %and3A_426, %sub3A_428, %div3A_407 : i32
      %mul3A_430 = arith.constant 16 : i32
      %mul3A_431 = arith.muli %select_n3A_429, %mul3A_430 : i32
      %parallel_loop3A_432 = arith.constant 0 : i32
      %parallel_loop3A_433 = arith.constant 16 : i32
      scf.for %parallel_loop3A_454 = %parallel_loop3A_432 to %mul3A_431 step %parallel_loop3A_433  : i32 {
        %parallel_loop3A_455 = arith.index_cast %parallel_loop3A_454 : i32 to index
        %parallel_loop3A_456 = tpu.vector_load %arg7[%parallel_loop3A_455] {strides = array<i32>} : memref<5136xi32, #tpu.memory_space<vmem>>, vector<16xi32>,
        %parallel_loop3A_457 = tpu.vector_load_idx %arg6[%broadcast_in_dim3A_116, %parallel_loop3A_456] : memref<4x5120xf32, #tpu.memory_space<vmem>>[vector<16xi32>, vector<16xi32>], vector<16xf32>,
        %parallel_loop3A_458 = arith.index_cast %parallel_loop3A_454 : i32 to index
        %parallel_loop3A_459 = tpu.vector_load %arg9[%parallel_loop3A_458] {strides = array<i32>} : memref<5136xf32, #tpu.memory_space<vmem>>, vector<16xf32>,
        tpu.vector_store %arg9[%parallel_loop3A_458], %parallel_loop3A_457 {strides = array<i32>} : memref<5136xf32, #tpu.memory_space<vmem>>, vector<16xf32>,
        %parallel_loop3A_460 = arith.constant 1 : i32
        %parallel_loop3A_461 = vector.broadcast %parallel_loop3A_460 : i32 to vector<16xi32>
        %parallel_loop3A_462 = arith.addi %broadcast_in_dim3A_116, %parallel_loop3A_461 : vector<16xi32>
        %parallel_loop3A_463 = tpu.vector_load_idx %arg6[%parallel_loop3A_462, %parallel_loop3A_456] : memref<4x5120xf32, #tpu.memory_space<vmem>>[vector<16xi32>, vector<16xi32>], vector<16xf32>,
        %parallel_loop3A_464 = arith.index_cast %parallel_loop3A_454 : i32 to index
        %parallel_loop3A_465 = tpu.vector_load %arg10[%parallel_loop3A_464] {strides = array<i32>} : memref<5136xf32, #tpu.memory_space<vmem>>, vector<16xf32>,
        tpu.vector_store %arg10[%parallel_loop3A_464], %parallel_loop3A_463 {strides = array<i32>} : memref<5136xf32, #tpu.memory_space<vmem>>, vector<16xf32>,
        %parallel_loop3A_466 = arith.constant 2 : i32
        %parallel_loop3A_467 = vector.broadcast %parallel_loop3A_466 : i32 to vector<16xi32>
        %parallel_loop3A_468 = arith.addi %broadcast_in_dim3A_116, %parallel_loop3A_467 : vector<16xi32>
        %parallel_loop3A_469 = tpu.vector_load_idx %arg6[%parallel_loop3A_468, %parallel_loop3A_456] : memref<4x5120xf32, #tpu.memory_space<vmem>>[vector<16xi32>, vector<16xi32>], vector<16xf32>,
        %parallel_loop3A_470 = arith.constant 3 : i32
        %parallel_loop3A_471 = vector.broadcast %parallel_loop3A_470 : i32 to vector<16xi32>
        %parallel_loop3A_472 = arith.addi %broadcast_in_dim3A_116, %parallel_loop3A_471 : vector<16xi32>
        %parallel_loop3A_473 = tpu.vector_load_idx %arg6[%parallel_loop3A_472, %parallel_loop3A_456] : memref<4x5120xf32, #tpu.memory_space<vmem>>[vector<16xi32>, vector<16xi32>], vector<16xf32>,
        %parallel_loop3A_474 = arith.index_cast %parallel_loop3A_454 : i32 to index
        %parallel_loop3A_475 = tpu.vector_load %arg11[%parallel_loop3A_474] {strides = array<i32>} : memref<5136xf32, #tpu.memory_space<vmem>>, vector<16xf32>,
        tpu.vector_store %arg11[%parallel_loop3A_474], %parallel_loop3A_469 {strides = array<i32>} : memref<5136xf32, #tpu.memory_space<vmem>>, vector<16xf32>,
        %parallel_loop3A_476 = arith.index_cast %parallel_loop3A_454 : i32 to index
        %parallel_loop3A_477 = tpu.vector_load %arg12[%parallel_loop3A_476] {strides = array<i32>} : memref<5136xf32, #tpu.memory_space<vmem>>, vector<16xf32>,
        tpu.vector_store %arg12[%parallel_loop3A_476], %parallel_loop3A_473 {strides = array<i32>} : memref<5136xf32, #tpu.memory_space<vmem>>, vector<16xf32>,
        %parallel_loop3A_478 = arith.index_cast %parallel_loop3A_454 : i32 to index
        %parallel_loop3A_479 = tpu.vector_load %arg9[%parallel_loop3A_478] {strides = array<i32>} : memref<5136xf32, #tpu.memory_space<vmem>>, vector<16xf32>,
        %parallel_loop3A_480 = arith.index_cast %parallel_loop3A_454 : i32 to index
        %parallel_loop3A_481 = tpu.vector_load %arg10[%parallel_loop3A_480] {strides = array<i32>} : memref<5136xf32, #tpu.memory_space<vmem>>, vector<16xf32>,
        %parallel_loop3A_482 = arith.subf %parallel_loop3A_469, %parallel_loop3A_479 : vector<16xf32>
        %parallel_loop3A_483 = arith.subf %parallel_loop3A_473, %parallel_loop3A_481 : vector<16xf32>
        %parallel_loop3A_484 = arith.mulf %parallel_loop3A_482, %parallel_loop3A_483 : vector<16xf32>
        %parallel_loop3A_485 = arith.index_cast %parallel_loop3A_454 : i32 to index
        %parallel_loop3A_486 = tpu.vector_load %arg13[%parallel_loop3A_485] {strides = array<i32>} : memref<5136xf32, #tpu.memory_space<vmem>>, vector<16xf32>,
        tpu.vector_store %arg13[%parallel_loop3A_485], %parallel_loop3A_484 {strides = array<i32>} : memref<5136xf32, #tpu.memory_space<vmem>>, vector<16xf32>,
      } {sc.loop_unroll_factor = 2 : i64, sc.parallel_access}
      %broadcast_in_dim3A_434 = arith.constant 0.000000e+00 : f32
      %broadcast_in_dim3A_435 = vector.broadcast %broadcast_in_dim3A_434 : f32 to vector<16xf32>
      %broadcast_in_dim3A_436 = arith.constant 3.400000e+38 : f32
      %broadcast_in_dim3A_437 = vector.broadcast %broadcast_in_dim3A_436 : f32 to vector<16xf32>
      %while3A_438 = arith.constant true
      %while3A_439 = arith.constant 0 : i32
      %while3A_440:7 = scf.while (%while3A_454 = %while3A_438, %while3A_455 = %while3A_439, %while3A_456 = %broadcast_in_dim3A_437, %while3A_457 = %broadcast_in_dim3A_435, %while3A_458 = %broadcast_in_dim3A_435, %while3A_459 = %broadcast_in_dim3A_435, %while3A_460 = %broadcast_in_dim3A_435) : (i1, i32, vector<16xf32>, vector<16xf32>, vector<16xf32>, vector<16xf32>, vector<16xf32>) -> (i1, i32, vector<16xf32>, vector<16xf32>, vector<16xf32>, vector<16xf32>, vector<16xf32>) {
        %lt3A_461 = arith.constant 100 : i32
        %lt3A_462 = arith.cmpi slt, %while3A_455, %lt3A_461 : i32
        %and3A_463 = arith.andi %while3A_454, %lt3A_462 : i1
        scf.condition(%and3A_463) %while3A_454, %while3A_455, %while3A_456, %while3A_457, %while3A_458, %while3A_459, %while3A_460 : i1, i32, vector<16xf32>, vector<16xf32>, vector<16xf32>, vector<16xf32>, vector<16xf32>
      } do {
      ^bb0(%while3A_454: i1, %while3A_455: i32, %while3A_456: vector<16xf32>, %while3A_457: vector<16xf32>, %while3A_458: vector<16xf32>, %while3A_459: vector<16xf32>, %while3A_460: vector<16xf32>):
        %sub3A_461 = arith.subf %while3A_459, %while3A_457 : vector<16xf32>
        %sub3A_462 = arith.subf %while3A_460, %while3A_458 : vector<16xf32>
        %mul3A_463 = arith.mulf %sub3A_461, %sub3A_462 : vector<16xf32>
        %broadcast_in_dim3A_464 = arith.constant 0.000000e+00 : f32
        %broadcast_in_dim3A_465 = vector.broadcast %broadcast_in_dim3A_464 : f32 to vector<16xf32>
        %broadcast_in_dim3A_466 = arith.constant -1.000000e+00 : f32
        %broadcast_in_dim3A_467 = vector.broadcast %broadcast_in_dim3A_466 : f32 to vector<16xf32>
        %mul3A_468 = arith.constant 16 : i32
        %mul3A_469 = arith.muli %select_n3A_429, %mul3A_468 : i32
        %broadcast_in_dim3A_470 = arith.constant 0 : i32
        %broadcast_in_dim3A_471 = vector.broadcast %broadcast_in_dim3A_470 : i32 to vector<16xi32>
        %parallel_loop3A_472 = arith.constant 0 : i32
        %parallel_loop3A_473 = arith.constant 16 : i32
        %parallel_loop3A_474:2 = scf.for %parallel_loop3A_500 = %parallel_loop3A_472 to %mul3A_469 step %parallel_loop3A_473 iter_args(%parallel_loop3A_501 = %broadcast_in_dim3A_467, %parallel_loop3A_502 = %broadcast_in_dim3A_471) -> (vector<16xf32>, vector<16xi32>)  : i32 {
          %parallel_loop3A_503 = arith.index_cast %parallel_loop3A_500 : i32 to index
          %parallel_loop3A_504 = tpu.vector_load %arg8[%parallel_loop3A_503] {strides = array<i32>} : memref<5136xf32, #tpu.memory_space<vmem>>, vector<16xf32>,
          %parallel_loop3A_505 = arith.index_cast %parallel_loop3A_500 : i32 to index
          %parallel_loop3A_506 = tpu.vector_load %arg9[%parallel_loop3A_505] {strides = array<i32>} : memref<5136xf32, #tpu.memory_space<vmem>>, vector<16xf32>,
          %parallel_loop3A_507 = arith.index_cast %parallel_loop3A_500 : i32 to index
          %parallel_loop3A_508 = tpu.vector_load %arg10[%parallel_loop3A_507] {strides = array<i32>} : memref<5136xf32, #tpu.memory_space<vmem>>, vector<16xf32>,
          %parallel_loop3A_509 = arith.index_cast %parallel_loop3A_500 : i32 to index
          %parallel_loop3A_510 = tpu.vector_load %arg11[%parallel_loop3A_509] {strides = array<i32>} : memref<5136xf32, #tpu.memory_space<vmem>>, vector<16xf32>,
          %parallel_loop3A_511 = arith.index_cast %parallel_loop3A_500 : i32 to index
          %parallel_loop3A_512 = tpu.vector_load %arg12[%parallel_loop3A_511] {strides = array<i32>} : memref<5136xf32, #tpu.memory_space<vmem>>, vector<16xf32>,
          %parallel_loop3A_513 = arith.minimumf %while3A_459, %parallel_loop3A_510 : vector<16xf32>
          %parallel_loop3A_514 = arith.maximumf %while3A_457, %parallel_loop3A_506 : vector<16xf32>
          %parallel_loop3A_515 = arith.subf %parallel_loop3A_513, %parallel_loop3A_514 : vector<16xf32>
          %parallel_loop3A_516 = arith.maximumf %parallel_loop3A_515, %broadcast_in_dim3A_465 : vector<16xf32>
          %parallel_loop3A_517 = arith.minimumf %while3A_460, %parallel_loop3A_512 : vector<16xf32>
          %parallel_loop3A_518 = arith.maximumf %while3A_458, %parallel_loop3A_508 : vector<16xf32>
          %parallel_loop3A_519 = arith.subf %parallel_loop3A_517, %parallel_loop3A_518 : vector<16xf32>
          %parallel_loop3A_520 = arith.maximumf %parallel_loop3A_519, %broadcast_in_dim3A_465 : vector<16xf32>
          %parallel_loop3A_521 = arith.mulf %parallel_loop3A_516, %parallel_loop3A_520 : vector<16xf32>
          %parallel_loop3A_522 = arith.index_cast %parallel_loop3A_500 : i32 to index
          %parallel_loop3A_523 = tpu.vector_load %arg13[%parallel_loop3A_522] {strides = array<i32>} : memref<5136xf32, #tpu.memory_space<vmem>>, vector<16xf32>,
          %parallel_loop3A_524 = arith.addf %mul3A_463, %parallel_loop3A_523 : vector<16xf32>
          %parallel_loop3A_525 = arith.subf %parallel_loop3A_524, %parallel_loop3A_521 : vector<16xf32>
          %parallel_loop3A_526 = arith.constant 9.99999971E-10 : f32
          %parallel_loop3A_527 = vector.broadcast %parallel_loop3A_526 : f32 to vector<16xf32>
          %parallel_loop3A_528 = arith.addf %parallel_loop3A_525, %parallel_loop3A_527 : vector<16xf32>
          %parallel_loop3A_529 = arith.divf %parallel_loop3A_521, %parallel_loop3A_528 : vector<16xf32>
          %parallel_loop3A_530 = arith.cmpf ogt, %parallel_loop3A_529, %while3A_456 : vector<16xf32>
          %parallel_loop3A_531 = arith.select %parallel_loop3A_530, %broadcast_in_dim3A_467, %parallel_loop3A_504 : vector<16xi1>, vector<16xf32>
          %parallel_loop3A_532 = arith.index_cast %parallel_loop3A_500 : i32 to index
          %parallel_loop3A_533 = tpu.vector_load %arg8[%parallel_loop3A_532] {strides = array<i32>} : memref<5136xf32, #tpu.memory_space<vmem>>, vector<16xf32>,
          tpu.vector_store %arg8[%parallel_loop3A_532], %parallel_loop3A_531 {strides = array<i32>} : memref<5136xf32, #tpu.memory_space<vmem>>, vector<16xf32>,
          %parallel_loop3A_534 = arith.cmpf ogt, %parallel_loop3A_531, %parallel_loop3A_501 : vector<16xf32>
          %parallel_loop3A_535 = vector.broadcast %parallel_loop3A_500 : i32 to vector<16xi32>
          %parallel_loop3A_536 = arith.addi %iota3A, %parallel_loop3A_535 : vector<16xi32>
          %parallel_loop3A_537 = arith.select %parallel_loop3A_534, %parallel_loop3A_531, %parallel_loop3A_501 : vector<16xi1>, vector<16xf32>
          %parallel_loop3A_538 = arith.select %parallel_loop3A_534, %parallel_loop3A_536, %parallel_loop3A_502 : vector<16xi1>, vector<16xi32>
          scf.yield %parallel_loop3A_537, %parallel_loop3A_538 : vector<16xf32>, vector<16xi32>
        } {sc.loop_unroll_factor = 4 : i64, sc.parallel_access}
        %reduce_max3A = arith.constant true
        %reduce_max3A_475 = vector.broadcast %reduce_max3A : i1 to vector<16xi1>
        %reduce_max3A_476 = tpu.scan <max>, %parallel_loop3A_474#0 masked %reduce_max3A_475 : vector<16xf32>, vector<16xi1> -> vector<16xf32>
        %reduce_max3A_477 = vector.extract %reduce_max3A_476[15] : f32 from vector<16xf32>
        %gt3A = arith.constant 0.000000e+00 : f32
        %gt3A_478 = arith.cmpf ogt, %reduce_max3A_477, %gt3A : f32
        %broadcast_in_dim3A_479 = vector.broadcast %reduce_max3A_477 : f32 to vector<16xf32>
        %eq3A_480 = arith.cmpf oeq, %parallel_loop3A_474#0, %broadcast_in_dim3A_479 : vector<16xf32>
        %broadcast_in_dim3A_481 = arith.constant 1073741824 : i32
        %broadcast_in_dim3A_482 = vector.broadcast %broadcast_in_dim3A_481 : i32 to vector<16xi32>
        %select_n3A_483 = arith.select %eq3A_480, %parallel_loop3A_474#1, %broadcast_in_dim3A_482 : vector<16xi1>, vector<16xi32>
        %reduce_min3A = arith.constant true
        %reduce_min3A_484 = vector.broadcast %reduce_min3A : i1 to vector<16xi1>
        %reduce_min3A_485 = arith.constant -2147483648 : i32
        %reduce_min3A_486 = vector.broadcast %reduce_min3A_485 : i32 to vector<16xi32>
        %reduce_min3A_487 = arith.xori %select_n3A_483, %reduce_min3A_486 : vector<16xi32>
        %reduce_min3A_488 = tpu.scan <min>, %reduce_min3A_487 masked %reduce_min3A_484 : vector<16xi32>, vector<16xi1> -> vector<16xi32>
        %reduce_min3A_489 = arith.xori %reduce_min3A_488, %reduce_min3A_486 : vector<16xi32>
        %reduce_min3A_490 = vector.extract %reduce_min3A_489[15] : i32 from vector<16xi32>
        %broadcast_in_dim3A_491 = vector.broadcast %reduce_min3A_490 : i32 to vector<16xi32>
        %gather3A = tpu.vector_load_idx %arg9[%broadcast_in_dim3A_491] : memref<5136xf32, #tpu.memory_space<vmem>>[vector<16xi32>], vector<16xf32>,
        %gather3A_492 = tpu.vector_load_idx %arg10[%broadcast_in_dim3A_491] : memref<5136xf32, #tpu.memory_space<vmem>>[vector<16xi32>], vector<16xf32>,
        %gather3A_493 = tpu.vector_load_idx %arg11[%broadcast_in_dim3A_491] : memref<5136xf32, #tpu.memory_space<vmem>>[vector<16xi32>], vector<16xf32>,
        %gather3A_494 = tpu.vector_load_idx %arg12[%broadcast_in_dim3A_491] : memref<5136xf32, #tpu.memory_space<vmem>>[vector<16xi32>], vector<16xf32>,
        %convert_element_type3A = arith.extui %gt3A_478 : i1 to i32
        %cond3A = arith.constant 0 : i32
        %cond3A_495 = arith.cmpi ne, %convert_element_type3A, %cond3A : i32
        scf.if %cond3A_495 {
          %broadcast_in_dim3A_500 = vector.broadcast %reduce_max3A_477 : f32 to vector<16xf32>
          %broadcast_in_dim3A_501 = arith.constant 0.000000e+00 : f32
          %broadcast_in_dim3A_502 = vector.broadcast %broadcast_in_dim3A_501 : f32 to vector<16xf32>
          %eq3A_503 = arith.constant 0 : i32
          %eq3A_504 = vector.broadcast %eq3A_503 : i32 to vector<16xi32>
          %eq3A_505 = arith.cmpi eq, %iota3A, %eq3A_504 : vector<16xi32>
          %eq3A_506 = arith.constant 1 : i32
          %eq3A_507 = vector.broadcast %eq3A_506 : i32 to vector<16xi32>
          %eq3A_508 = arith.cmpi eq, %iota3A, %eq3A_507 : vector<16xi32>
          %eq3A_509 = arith.constant 2 : i32
          %eq3A_510 = vector.broadcast %eq3A_509 : i32 to vector<16xi32>
          %eq3A_511 = arith.cmpi eq, %iota3A, %eq3A_510 : vector<16xi32>
          %eq3A_512 = arith.constant 3 : i32
          %eq3A_513 = vector.broadcast %eq3A_512 : i32 to vector<16xi32>
          %eq3A_514 = arith.cmpi eq, %iota3A, %eq3A_513 : vector<16xi32>
          %eq3A_515 = arith.constant 4 : i32
          %eq3A_516 = vector.broadcast %eq3A_515 : i32 to vector<16xi32>
          %eq3A_517 = arith.cmpi eq, %iota3A, %eq3A_516 : vector<16xi32>
          %select_n3A_518 = arith.select %eq3A_517, %broadcast_in_dim3A_500, %broadcast_in_dim3A_502 : vector<16xi1>, vector<16xf32>
          %select_n3A_519 = arith.select %eq3A_514, %gather3A_494, %select_n3A_518 : vector<16xi1>, vector<16xf32>
          %select_n3A_520 = arith.select %eq3A_511, %gather3A_493, %select_n3A_519 : vector<16xi1>, vector<16xf32>
          %select_n3A_521 = arith.select %eq3A_508, %gather3A_492, %select_n3A_520 : vector<16xi1>, vector<16xf32>
          %select_n3A_522 = arith.select %eq3A_505, %gather3A, %select_n3A_521 : vector<16xi1>, vector<16xf32>
          %mul3A_523 = arith.constant 512 : i32
          %mul3A_524 = arith.muli %sub3A_136, %mul3A_523 : i32
          %mul3A_525 = arith.constant 5 : i32
          %mul3A_526 = arith.muli %while3A_455, %mul3A_525 : i32
          %add3A_527 = arith.addi %mul3A_524, %mul3A_526 : i32
          %swap3A_528 = arith.index_cast %add3A_527 : i32 to index
          %swap3A_529 = tpu.vector_load %arg14[%swap3A_528] {strides = array<i32>} : memref<1536xf32, #tpu.memory_space<vmem>>, vector<16xf32>,
          tpu.vector_store %arg14[%swap3A_528], %select_n3A_522 {strides = array<i32>} : memref<1536xf32, #tpu.memory_space<vmem>>, vector<16xf32>,
        } else {
        }
        %broadcast_in_dim3A_496 = arith.constant 5.000000e-01 : f32
        %broadcast_in_dim3A_497 = vector.broadcast %broadcast_in_dim3A_496 : f32 to vector<16xf32>
        %add3A_498 = arith.constant 1 : i32
        %add3A_499 = arith.addi %while3A_455, %add3A_498 : i32
        scf.yield %gt3A_478, %add3A_499, %broadcast_in_dim3A_497, %gather3A, %gather3A_492, %gather3A_493, %gather3A_494 : i1, i32, vector<16xf32>, vector<16xf32>, vector<16xf32>, vector<16xf32>, vector<16xf32>
      }
      %mul3A_441 = arith.constant 512 : i32
      %mul3A_442 = arith.muli %sub3A_136, %mul3A_441 : i32
      %mul3A_443 = arith.constant 20 : i32
      %mul3A_444 = arith.muli %select_n3A, %mul3A_443 : i32
      %add3A_445 = arith.addi %mul3A_444, %while3A_135 : i32
      %dma_start3A_446 = tpu.memref_slice %arg14[%mul3A_442] : memref<1536xf32, #tpu.memory_space<vmem>> -> memref<512xf32, #tpu.memory_space<vmem>>
      %dma_start3A_447 = arith.constant 0 : i32
      %dma_start3A_448 = tpu.memref_slice %arg4[%add3A_445, %dma_start3A_447] : memref<80x512xf32, #tpu.memory_space<hbm>> -> memref<1x512xf32, #tpu.memory_space<hbm>>
      %dma_start3A_449 = tpu.memref_squeeze %dma_start3A_448 : memref<1x512xf32, #tpu.memory_space<hbm>> -> memref<512xf32, #tpu.memory_space<hbm>>
      %dma_start3A_450 = arith.constant 0 : i32
      %dma_start3A_451 = tpu.memref_slice %arg4[%add3A_445, %dma_start3A_450] : memref<80x512xf32, #tpu.memory_space<hbm>> -> memref<1x512xf32, #tpu.memory_space<hbm>>
      %dma_start3A_452 = tpu.memref_squeeze %dma_start3A_451 : memref<1x512xf32, #tpu.memory_space<hbm>> -> memref<512xf32, #tpu.memory_space<hbm>>
      %dma_start3A_453 = tpu.memref_slice %arg14[%mul3A_442] : memref<1536xf32, #tpu.memory_space<vmem>> -> memref<512xf32, #tpu.memory_space<vmem>>
      tpu.enqueue_dma source(%dma_start3A_453 : memref<512xf32, #tpu.memory_space<vmem>>) target(%dma_start3A_452 : memref<512xf32, #tpu.memory_space<hbm>>) target_semaphore(%arg17 : memref<!tpu.dma_semaphore, #tpu.memory_space<semaphore_mem>>)
    }
    %while3A_125 = arith.constant 1 : i32
    scf.for %while3A_135 = %while3A_123 to %while3A_119 step %while3A_125  : i32 {
      %sub3A_136 = arith.subi %while3A_135, %select_n3A_56 : i32
      %broadcast_in_dim3A_137 = arith.constant 0.000000e+00 : f32
      %broadcast_in_dim3A_138 = vector.broadcast %broadcast_in_dim3A_137 : f32 to vector<16xf32>
      %mul3A_139 = arith.constant 512 : i32
      %mul3A_140 = arith.muli %sub3A_136, %mul3A_139 : i32
      %add3A_141 = arith.constant 0 : i32
      %add3A_142 = arith.addi %mul3A_140, %add3A_141 : i32
      %swap3A = arith.index_cast %add3A_142 : i32 to index
      %swap3A_143 = tpu.vector_load %arg14[%swap3A] {strides = array<i32>} : memref<1536xf32, #tpu.memory_space<vmem>>, vector<16xf32>,
      tpu.vector_store %arg14[%swap3A], %broadcast_in_dim3A_138 {strides = array<i32>} : memref<1536xf32, #tpu.memory_space<vmem>>, vector<16xf32>,
      %broadcast_in_dim3A_144 = arith.constant 0.000000e+00 : f32
      %broadcast_in_dim3A_145 = vector.broadcast %broadcast_in_dim3A_144 : f32 to vector<16xf32>
      %mul3A_146 = arith.constant 512 : i32
      %mul3A_147 = arith.muli %sub3A_136, %mul3A_146 : i32
      %add3A_148 = arith.constant 16 : i32
      %add3A_149 = arith.addi %mul3A_147, %add3A_148 : i32
      %swap3A_150 = arith.index_cast %add3A_149 : i32 to index
      %swap3A_151 = tpu.vector_load %arg14[%swap3A_150] {strides = array<i32>} : memref<1536xf32, #tpu.memory_space<vmem>>, vector<16xf32>,
      tpu.vector_store %arg14[%swap3A_150], %broadcast_in_dim3A_145 {strides = array<i32>} : memref<1536xf32, #tpu.memory_space<vmem>>, vector<16xf32>,
      %broadcast_in_dim3A_152 = arith.constant 0.000000e+00 : f32
      %broadcast_in_dim3A_153 = vector.broadcast %broadcast_in_dim3A_152 : f32 to vector<16xf32>
      %mul3A_154 = arith.constant 512 : i32
      %mul3A_155 = arith.muli %sub3A_136, %mul3A_154 : i32
      %add3A_156 = arith.constant 32 : i32
      %add3A_157 = arith.addi %mul3A_155, %add3A_156 : i32
      %swap3A_158 = arith.index_cast %add3A_157 : i32 to index
      %swap3A_159 = tpu.vector_load %arg14[%swap3A_158] {strides = array<i32>} : memref<1536xf32, #tpu.memory_space<vmem>>, vector<16xf32>,
      tpu.vector_store %arg14[%swap3A_158], %broadcast_in_dim3A_153 {strides = array<i32>} : memref<1536xf32, #tpu.memory_space<vmem>>, vector<16xf32>,
      %broadcast_in_dim3A_160 = arith.constant 0.000000e+00 : f32
      %broadcast_in_dim3A_161 = vector.broadcast %broadcast_in_dim3A_160 : f32 to vector<16xf32>
      %mul3A_162 = arith.constant 512 : i32
      %mul3A_163 = arith.muli %sub3A_136, %mul3A_162 : i32
      %add3A_164 = arith.constant 48 : i32
      %add3A_165 = arith.addi %mul3A_163, %add3A_164 : i32
      %swap3A_166 = arith.index_cast %add3A_165 : i32 to index
      %swap3A_167 = tpu.vector_load %arg14[%swap3A_166] {strides = array<i32>} : memref<1536xf32, #tpu.memory_space<vmem>>, vector<16xf32>,
      tpu.vector_store %arg14[%swap3A_166], %broadcast_in_dim3A_161 {strides = array<i32>} : memref<1536xf32, #tpu.memory_space<vmem>>, vector<16xf32>,
      %broadcast_in_dim3A_168 = arith.constant 0.000000e+00 : f32
      %broadcast_in_dim3A_169 = vector.broadcast %broadcast_in_dim3A_168 : f32 to vector<16xf32>
      %mul3A_170 = arith.constant 512 : i32
      %mul3A_171 = arith.muli %sub3A_136, %mul3A_170 : i32
      %add3A_172 = arith.constant 64 : i32
      %add3A_173 = arith.addi %mul3A_171, %add3A_172 : i32
      %swap3A_174 = arith.index_cast %add3A_173 : i32 to index
      %swap3A_175 = tpu.vector_load %arg14[%swap3A_174] {strides = array<i32>} : memref<1536xf32, #tpu.memory_space<vmem>>, vector<16xf32>,
      tpu.vector_store %arg14[%swap3A_174], %broadcast_in_dim3A_169 {strides = array<i32>} : memref<1536xf32, #tpu.memory_space<vmem>>, vector<16xf32>,
      %broadcast_in_dim3A_176 = arith.constant 0.000000e+00 : f32
      %broadcast_in_dim3A_177 = vector.broadcast %broadcast_in_dim3A_176 : f32 to vector<16xf32>
      %mul3A_178 = arith.constant 512 : i32
      %mul3A_179 = arith.muli %sub3A_136, %mul3A_178 : i32
      %add3A_180 = arith.constant 80 : i32
      %add3A_181 = arith.addi %mul3A_179, %add3A_180 : i32
      %swap3A_182 = arith.index_cast %add3A_181 : i32 to index
      %swap3A_183 = tpu.vector_load %arg14[%swap3A_182] {strides = array<i32>} : memref<1536xf32, #tpu.memory_space<vmem>>, vector<16xf32>,
      tpu.vector_store %arg14[%swap3A_182], %broadcast_in_dim3A_177 {strides = array<i32>} : memref<1536xf32, #tpu.memory_space<vmem>>, vector<16xf32>,
      %broadcast_in_dim3A_184 = arith.constant 0.000000e+00 : f32
      %broadcast_in_dim3A_185 = vector.broadcast %broadcast_in_dim3A_184 : f32 to vector<16xf32>
      %mul3A_186 = arith.constant 512 : i32
      %mul3A_187 = arith.muli %sub3A_136, %mul3A_186 : i32
      %add3A_188 = arith.constant 96 : i32
      %add3A_189 = arith.addi %mul3A_187, %add3A_188 : i32
      %swap3A_190 = arith.index_cast %add3A_189 : i32 to index
      %swap3A_191 = tpu.vector_load %arg14[%swap3A_190] {strides = array<i32>} : memref<1536xf32, #tpu.memory_space<vmem>>, vector<16xf32>,
      tpu.vector_store %arg14[%swap3A_190], %broadcast_in_dim3A_185 {strides = array<i32>} : memref<1536xf32, #tpu.memory_space<vmem>>, vector<16xf32>,
      %broadcast_in_dim3A_192 = arith.constant 0.000000e+00 : f32
      %broadcast_in_dim3A_193 = vector.broadcast %broadcast_in_dim3A_192 : f32 to vector<16xf32>
      %mul3A_194 = arith.constant 512 : i32
      %mul3A_195 = arith.muli %sub3A_136, %mul3A_194 : i32
      %add3A_196 = arith.constant 112 : i32
      %add3A_197 = arith.addi %mul3A_195, %add3A_196 : i32
      %swap3A_198 = arith.index_cast %add3A_197 : i32 to index
      %swap3A_199 = tpu.vector_load %arg14[%swap3A_198] {strides = array<i32>} : memref<1536xf32, #tpu.memory_space<vmem>>, vector<16xf32>,
      tpu.vector_store %arg14[%swap3A_198], %broadcast_in_dim3A_193 {strides = array<i32>} : memref<1536xf32, #tpu.memory_space<vmem>>, vector<16xf32>,
      %broadcast_in_dim3A_200 = arith.constant 0.000000e+00 : f32
      %broadcast_in_dim3A_201 = vector.broadcast %broadcast_in_dim3A_200 : f32 to vector<16xf32>
      %mul3A_202 = arith.constant 512 : i32
      %mul3A_203 = arith.muli %sub3A_136, %mul3A_202 : i32
      %add3A_204 = arith.constant 128 : i32
      %add3A_205 = arith.addi %mul3A_203, %add3A_204 : i32
      %swap3A_206 = arith.index_cast %add3A_205 : i32 to index
      %swap3A_207 = tpu.vector_load %arg14[%swap3A_206] {strides = array<i32>} : memref<1536xf32, #tpu.memory_space<vmem>>, vector<16xf32>,
      tpu.vector_store %arg14[%swap3A_206], %broadcast_in_dim3A_201 {strides = array<i32>} : memref<1536xf32, #tpu.memory_space<vmem>>, vector<16xf32>,
      %broadcast_in_dim3A_208 = arith.constant 0.000000e+00 : f32
      %broadcast_in_dim3A_209 = vector.broadcast %broadcast_in_dim3A_208 : f32 to vector<16xf32>
      %mul3A_210 = arith.constant 512 : i32
      %mul3A_211 = arith.muli %sub3A_136, %mul3A_210 : i32
      %add3A_212 = arith.constant 144 : i32
      %add3A_213 = arith.addi %mul3A_211, %add3A_212 : i32
      %swap3A_214 = arith.index_cast %add3A_213 : i32 to index
      %swap3A_215 = tpu.vector_load %arg14[%swap3A_214] {strides = array<i32>} : memref<1536xf32, #tpu.memory_space<vmem>>, vector<16xf32>,
      tpu.vector_store %arg14[%swap3A_214], %broadcast_in_dim3A_209 {strides = array<i32>} : memref<1536xf32, #tpu.memory_space<vmem>>, vector<16xf32>,
      %broadcast_in_dim3A_216 = arith.constant 0.000000e+00 : f32
      %broadcast_in_dim3A_217 = vector.broadcast %broadcast_in_dim3A_216 : f32 to vector<16xf32>
      %mul3A_218 = arith.constant 512 : i32
      %mul3A_219 = arith.muli %sub3A_136, %mul3A_218 : i32
      %add3A_220 = arith.constant 160 : i32
      %add3A_221 = arith.addi %mul3A_219, %add3A_220 : i32
      %swap3A_222 = arith.index_cast %add3A_221 : i32 to index
      %swap3A_223 = tpu.vector_load %arg14[%swap3A_222] {strides = array<i32>} : memref<1536xf32, #tpu.memory_space<vmem>>, vector<16xf32>,
      tpu.vector_store %arg14[%swap3A_222], %broadcast_in_dim3A_217 {strides = array<i32>} : memref<1536xf32, #tpu.memory_space<vmem>>, vector<16xf32>,
      %broadcast_in_dim3A_224 = arith.constant 0.000000e+00 : f32
      %broadcast_in_dim3A_225 = vector.broadcast %broadcast_in_dim3A_224 : f32 to vector<16xf32>
      %mul3A_226 = arith.constant 512 : i32
      %mul3A_227 = arith.muli %sub3A_136, %mul3A_226 : i32
      %add3A_228 = arith.constant 176 : i32
      %add3A_229 = arith.addi %mul3A_227, %add3A_228 : i32
      %swap3A_230 = arith.index_cast %add3A_229 : i32 to index
      %swap3A_231 = tpu.vector_load %arg14[%swap3A_230] {strides = array<i32>} : memref<1536xf32, #tpu.memory_space<vmem>>, vector<16xf32>,
      tpu.vector_store %arg14[%swap3A_230], %broadcast_in_dim3A_225 {strides = array<i32>} : memref<1536xf32, #tpu.memory_space<vmem>>, vector<16xf32>,
      %broadcast_in_dim3A_232 = arith.constant 0.000000e+00 : f32
      %broadcast_in_dim3A_233 = vector.broadcast %broadcast_in_dim3A_232 : f32 to vector<16xf32>
      %mul3A_234 = arith.constant 512 : i32
      %mul3A_235 = arith.muli %sub3A_136, %mul3A_234 : i32
      %add3A_236 = arith.constant 192 : i32
      %add3A_237 = arith.addi %mul3A_235, %add3A_236 : i32
      %swap3A_238 = arith.index_cast %add3A_237 : i32 to index
      %swap3A_239 = tpu.vector_load %arg14[%swap3A_238] {strides = array<i32>} : memref<1536xf32, #tpu.memory_space<vmem>>, vector<16xf32>,
      tpu.vector_store %arg14[%swap3A_238], %broadcast_in_dim3A_233 {strides = array<i32>} : memref<1536xf32, #tpu.memory_space<vmem>>, vector<16xf32>,
      %broadcast_in_dim3A_240 = arith.constant 0.000000e+00 : f32
      %broadcast_in_dim3A_241 = vector.broadcast %broadcast_in_dim3A_240 : f32 to vector<16xf32>
      %mul3A_242 = arith.constant 512 : i32
      %mul3A_243 = arith.muli %sub3A_136, %mul3A_242 : i32
      %add3A_244 = arith.constant 208 : i32
      %add3A_245 = arith.addi %mul3A_243, %add3A_244 : i32
      %swap3A_246 = arith.index_cast %add3A_245 : i32 to index
      %swap3A_247 = tpu.vector_load %arg14[%swap3A_246] {strides = array<i32>} : memref<1536xf32, #tpu.memory_space<vmem>>, vector<16xf32>,
      tpu.vector_store %arg14[%swap3A_246], %broadcast_in_dim3A_241 {strides = array<i32>} : memref<1536xf32, #tpu.memory_space<vmem>>, vector<16xf32>,
      %broadcast_in_dim3A_248 = arith.constant 0.000000e+00 : f32
      %broadcast_in_dim3A_249 = vector.broadcast %broadcast_in_dim3A_248 : f32 to vector<16xf32>
      %mul3A_250 = arith.constant 512 : i32
      %mul3A_251 = arith.muli %sub3A_136, %mul3A_250 : i32
      %add3A_252 = arith.constant 224 : i32
      %add3A_253 = arith.addi %mul3A_251, %add3A_252 : i32
      %swap3A_254 = arith.index_cast %add3A_253 : i32 to index
      %swap3A_255 = tpu.vector_load %arg14[%swap3A_254] {strides = array<i32>} : memref<1536xf32, #tpu.memory_space<vmem>>, vector<16xf32>,
      tpu.vector_store %arg14[%swap3A_254], %broadcast_in_dim3A_249 {strides = array<i32>} : memref<1536xf32, #tpu.memory_space<vmem>>, vector<16xf32>,
      %broadcast_in_dim3A_256 = arith.constant 0.000000e+00 : f32
      %broadcast_in_dim3A_257 = vector.broadcast %broadcast_in_dim3A_256 : f32 to vector<16xf32>
      %mul3A_258 = arith.constant 512 : i32
      %mul3A_259 = arith.muli %sub3A_136, %mul3A_258 : i32
      %add3A_260 = arith.constant 240 : i32
      %add3A_261 = arith.addi %mul3A_259, %add3A_260 : i32
      %swap3A_262 = arith.index_cast %add3A_261 : i32 to index
      %swap3A_263 = tpu.vector_load %arg14[%swap3A_262] {strides = array<i32>} : memref<1536xf32, #tpu.memory_space<vmem>>, vector<16xf32>,
      tpu.vector_store %arg14[%swap3A_262], %broadcast_in_dim3A_257 {strides = array<i32>} : memref<1536xf32, #tpu.memory_space<vmem>>, vector<16xf32>,
      %broadcast_in_dim3A_264 = arith.constant 0.000000e+00 : f32
      %broadcast_in_dim3A_265 = vector.broadcast %broadcast_in_dim3A_264 : f32 to vector<16xf32>
      %mul3A_266 = arith.constant 512 : i32
      %mul3A_267 = arith.muli %sub3A_136, %mul3A_266 : i32
      %add3A_268 = arith.constant 256 : i32
      %add3A_269 = arith.addi %mul3A_267, %add3A_268 : i32
      %swap3A_270 = arith.index_cast %add3A_269 : i32 to index
      %swap3A_271 = tpu.vector_load %arg14[%swap3A_270] {strides = array<i32>} : memref<1536xf32, #tpu.memory_space<vmem>>, vector<16xf32>,
      tpu.vector_store %arg14[%swap3A_270], %broadcast_in_dim3A_265 {strides = array<i32>} : memref<1536xf32, #tpu.memory_space<vmem>>, vector<16xf32>,
      %broadcast_in_dim3A_272 = arith.constant 0.000000e+00 : f32
      %broadcast_in_dim3A_273 = vector.broadcast %broadcast_in_dim3A_272 : f32 to vector<16xf32>
      %mul3A_274 = arith.constant 512 : i32
      %mul3A_275 = arith.muli %sub3A_136, %mul3A_274 : i32
      %add3A_276 = arith.constant 272 : i32
      %add3A_277 = arith.addi %mul3A_275, %add3A_276 : i32
      %swap3A_278 = arith.index_cast %add3A_277 : i32 to index
      %swap3A_279 = tpu.vector_load %arg14[%swap3A_278] {strides = array<i32>} : memref<1536xf32, #tpu.memory_space<vmem>>, vector<16xf32>,
      tpu.vector_store %arg14[%swap3A_278], %broadcast_in_dim3A_273 {strides = array<i32>} : memref<1536xf32, #tpu.memory_space<vmem>>, vector<16xf32>,
      %broadcast_in_dim3A_280 = arith.constant 0.000000e+00 : f32
      %broadcast_in_dim3A_281 = vector.broadcast %broadcast_in_dim3A_280 : f32 to vector<16xf32>
      %mul3A_282 = arith.constant 512 : i32
      %mul3A_283 = arith.muli %sub3A_136, %mul3A_282 : i32
      %add3A_284 = arith.constant 288 : i32
      %add3A_285 = arith.addi %mul3A_283, %add3A_284 : i32
      %swap3A_286 = arith.index_cast %add3A_285 : i32 to index
      %swap3A_287 = tpu.vector_load %arg14[%swap3A_286] {strides = array<i32>} : memref<1536xf32, #tpu.memory_space<vmem>>, vector<16xf32>,
      tpu.vector_store %arg14[%swap3A_286], %broadcast_in_dim3A_281 {strides = array<i32>} : memref<1536xf32, #tpu.memory_space<vmem>>, vector<16xf32>,
      %broadcast_in_dim3A_288 = arith.constant 0.000000e+00 : f32
      %broadcast_in_dim3A_289 = vector.broadcast %broadcast_in_dim3A_288 : f32 to vector<16xf32>
      %mul3A_290 = arith.constant 512 : i32
      %mul3A_291 = arith.muli %sub3A_136, %mul3A_290 : i32
      %add3A_292 = arith.constant 304 : i32
      %add3A_293 = arith.addi %mul3A_291, %add3A_292 : i32
      %swap3A_294 = arith.index_cast %add3A_293 : i32 to index
      %swap3A_295 = tpu.vector_load %arg14[%swap3A_294] {strides = array<i32>} : memref<1536xf32, #tpu.memory_space<vmem>>, vector<16xf32>,
      tpu.vector_store %arg14[%swap3A_294], %broadcast_in_dim3A_289 {strides = array<i32>} : memref<1536xf32, #tpu.memory_space<vmem>>, vector<16xf32>,
      %broadcast_in_dim3A_296 = arith.constant 0.000000e+00 : f32
      %broadcast_in_dim3A_297 = vector.broadcast %broadcast_in_dim3A_296 : f32 to vector<16xf32>
      %mul3A_298 = arith.constant 512 : i32
      %mul3A_299 = arith.muli %sub3A_136, %mul3A_298 : i32
      %add3A_300 = arith.constant 320 : i32
      %add3A_301 = arith.addi %mul3A_299, %add3A_300 : i32
      %swap3A_302 = arith.index_cast %add3A_301 : i32 to index
      %swap3A_303 = tpu.vector_load %arg14[%swap3A_302] {strides = array<i32>} : memref<1536xf32, #tpu.memory_space<vmem>>, vector<16xf32>,
      tpu.vector_store %arg14[%swap3A_302], %broadcast_in_dim3A_297 {strides = array<i32>} : memref<1536xf32, #tpu.memory_space<vmem>>, vector<16xf32>,
      %broadcast_in_dim3A_304 = arith.constant 0.000000e+00 : f32
      %broadcast_in_dim3A_305 = vector.broadcast %broadcast_in_dim3A_304 : f32 to vector<16xf32>
      %mul3A_306 = arith.constant 512 : i32
      %mul3A_307 = arith.muli %sub3A_136, %mul3A_306 : i32
      %add3A_308 = arith.constant 336 : i32
      %add3A_309 = arith.addi %mul3A_307, %add3A_308 : i32
      %swap3A_310 = arith.index_cast %add3A_309 : i32 to index
      %swap3A_311 = tpu.vector_load %arg14[%swap3A_310] {strides = array<i32>} : memref<1536xf32, #tpu.memory_space<vmem>>, vector<16xf32>,
      tpu.vector_store %arg14[%swap3A_310], %broadcast_in_dim3A_305 {strides = array<i32>} : memref<1536xf32, #tpu.memory_space<vmem>>, vector<16xf32>,
      %broadcast_in_dim3A_312 = arith.constant 0.000000e+00 : f32
      %broadcast_in_dim3A_313 = vector.broadcast %broadcast_in_dim3A_312 : f32 to vector<16xf32>
      %mul3A_314 = arith.constant 512 : i32
      %mul3A_315 = arith.muli %sub3A_136, %mul3A_314 : i32
      %add3A_316 = arith.constant 352 : i32
      %add3A_317 = arith.addi %mul3A_315, %add3A_316 : i32
      %swap3A_318 = arith.index_cast %add3A_317 : i32 to index
      %swap3A_319 = tpu.vector_load %arg14[%swap3A_318] {strides = array<i32>} : memref<1536xf32, #tpu.memory_space<vmem>>, vector<16xf32>,
      tpu.vector_store %arg14[%swap3A_318], %broadcast_in_dim3A_313 {strides = array<i32>} : memref<1536xf32, #tpu.memory_space<vmem>>, vector<16xf32>,
      %broadcast_in_dim3A_320 = arith.constant 0.000000e+00 : f32
      %broadcast_in_dim3A_321 = vector.broadcast %broadcast_in_dim3A_320 : f32 to vector<16xf32>
      %mul3A_322 = arith.constant 512 : i32
      %mul3A_323 = arith.muli %sub3A_136, %mul3A_322 : i32
      %add3A_324 = arith.constant 368 : i32
      %add3A_325 = arith.addi %mul3A_323, %add3A_324 : i32
      %swap3A_326 = arith.index_cast %add3A_325 : i32 to index
      %swap3A_327 = tpu.vector_load %arg14[%swap3A_326] {strides = array<i32>} : memref<1536xf32, #tpu.memory_space<vmem>>, vector<16xf32>,
      tpu.vector_store %arg14[%swap3A_326], %broadcast_in_dim3A_321 {strides = array<i32>} : memref<1536xf32, #tpu.memory_space<vmem>>, vector<16xf32>,
      %broadcast_in_dim3A_328 = arith.constant 0.000000e+00 : f32
      %broadcast_in_dim3A_329 = vector.broadcast %broadcast_in_dim3A_328 : f32 to vector<16xf32>
      %mul3A_330 = arith.constant 512 : i32
      %mul3A_331 = arith.muli %sub3A_136, %mul3A_330 : i32
      %add3A_332 = arith.constant 384 : i32
      %add3A_333 = arith.addi %mul3A_331, %add3A_332 : i32
      %swap3A_334 = arith.index_cast %add3A_333 : i32 to index
      %swap3A_335 = tpu.vector_load %arg14[%swap3A_334] {strides = array<i32>} : memref<1536xf32, #tpu.memory_space<vmem>>, vector<16xf32>,
      tpu.vector_store %arg14[%swap3A_334], %broadcast_in_dim3A_329 {strides = array<i32>} : memref<1536xf32, #tpu.memory_space<vmem>>, vector<16xf32>,
      %broadcast_in_dim3A_336 = arith.constant 0.000000e+00 : f32
      %broadcast_in_dim3A_337 = vector.broadcast %broadcast_in_dim3A_336 : f32 to vector<16xf32>
      %mul3A_338 = arith.constant 512 : i32
      %mul3A_339 = arith.muli %sub3A_136, %mul3A_338 : i32
      %add3A_340 = arith.constant 400 : i32
      %add3A_341 = arith.addi %mul3A_339, %add3A_340 : i32
      %swap3A_342 = arith.index_cast %add3A_341 : i32 to index
      %swap3A_343 = tpu.vector_load %arg14[%swap3A_342] {strides = array<i32>} : memref<1536xf32, #tpu.memory_space<vmem>>, vector<16xf32>,
      tpu.vector_store %arg14[%swap3A_342], %broadcast_in_dim3A_337 {strides = array<i32>} : memref<1536xf32, #tpu.memory_space<vmem>>, vector<16xf32>,
      %broadcast_in_dim3A_344 = arith.constant 0.000000e+00 : f32
      %broadcast_in_dim3A_345 = vector.broadcast %broadcast_in_dim3A_344 : f32 to vector<16xf32>
      %mul3A_346 = arith.constant 512 : i32
      %mul3A_347 = arith.muli %sub3A_136, %mul3A_346 : i32
      %add3A_348 = arith.constant 416 : i32
      %add3A_349 = arith.addi %mul3A_347, %add3A_348 : i32
      %swap3A_350 = arith.index_cast %add3A_349 : i32 to index
      %swap3A_351 = tpu.vector_load %arg14[%swap3A_350] {strides = array<i32>} : memref<1536xf32, #tpu.memory_space<vmem>>, vector<16xf32>,
      tpu.vector_store %arg14[%swap3A_350], %broadcast_in_dim3A_345 {strides = array<i32>} : memref<1536xf32, #tpu.memory_space<vmem>>, vector<16xf32>,
      %broadcast_in_dim3A_352 = arith.constant 0.000000e+00 : f32
      %broadcast_in_dim3A_353 = vector.broadcast %broadcast_in_dim3A_352 : f32 to vector<16xf32>
      %mul3A_354 = arith.constant 512 : i32
      %mul3A_355 = arith.muli %sub3A_136, %mul3A_354 : i32
      %add3A_356 = arith.constant 432 : i32
      %add3A_357 = arith.addi %mul3A_355, %add3A_356 : i32
      %swap3A_358 = arith.index_cast %add3A_357 : i32 to index
      %swap3A_359 = tpu.vector_load %arg14[%swap3A_358] {strides = array<i32>} : memref<1536xf32, #tpu.memory_space<vmem>>, vector<16xf32>,
      tpu.vector_store %arg14[%swap3A_358], %broadcast_in_dim3A_353 {strides = array<i32>} : memref<1536xf32, #tpu.memory_space<vmem>>, vector<16xf32>,
      %broadcast_in_dim3A_360 = arith.constant 0.000000e+00 : f32
      %broadcast_in_dim3A_361 = vector.broadcast %broadcast_in_dim3A_360 : f32 to vector<16xf32>
      %mul3A_362 = arith.constant 512 : i32
      %mul3A_363 = arith.muli %sub3A_136, %mul3A_362 : i32
      %add3A_364 = arith.constant 448 : i32
      %add3A_365 = arith.addi %mul3A_363, %add3A_364 : i32
      %swap3A_366 = arith.index_cast %add3A_365 : i32 to index
      %swap3A_367 = tpu.vector_load %arg14[%swap3A_366] {strides = array<i32>} : memref<1536xf32, #tpu.memory_space<vmem>>, vector<16xf32>,
      tpu.vector_store %arg14[%swap3A_366], %broadcast_in_dim3A_361 {strides = array<i32>} : memref<1536xf32, #tpu.memory_space<vmem>>, vector<16xf32>,
      %broadcast_in_dim3A_368 = arith.constant 0.000000e+00 : f32
      %broadcast_in_dim3A_369 = vector.broadcast %broadcast_in_dim3A_368 : f32 to vector<16xf32>
      %mul3A_370 = arith.constant 512 : i32
      %mul3A_371 = arith.muli %sub3A_136, %mul3A_370 : i32
      %add3A_372 = arith.constant 464 : i32
      %add3A_373 = arith.addi %mul3A_371, %add3A_372 : i32
      %swap3A_374 = arith.index_cast %add3A_373 : i32 to index
      %swap3A_375 = tpu.vector_load %arg14[%swap3A_374] {strides = array<i32>} : memref<1536xf32, #tpu.memory_space<vmem>>, vector<16xf32>,
      tpu.vector_store %arg14[%swap3A_374], %broadcast_in_dim3A_369 {strides = array<i32>} : memref<1536xf32, #tpu.memory_space<vmem>>, vector<16xf32>,
      %broadcast_in_dim3A_376 = arith.constant 0.000000e+00 : f32
      %broadcast_in_dim3A_377 = vector.broadcast %broadcast_in_dim3A_376 : f32 to vector<16xf32>
      %mul3A_378 = arith.constant 512 : i32
      %mul3A_379 = arith.muli %sub3A_136, %mul3A_378 : i32
      %add3A_380 = arith.constant 480 : i32
      %add3A_381 = arith.addi %mul3A_379, %add3A_380 : i32
      %swap3A_382 = arith.index_cast %add3A_381 : i32 to index
      %swap3A_383 = tpu.vector_load %arg14[%swap3A_382] {strides = array<i32>} : memref<1536xf32, #tpu.memory_space<vmem>>, vector<16xf32>,
      tpu.vector_store %arg14[%swap3A_382], %broadcast_in_dim3A_377 {strides = array<i32>} : memref<1536xf32, #tpu.memory_space<vmem>>, vector<16xf32>,
      %broadcast_in_dim3A_384 = arith.constant 0.000000e+00 : f32
      %broadcast_in_dim3A_385 = vector.broadcast %broadcast_in_dim3A_384 : f32 to vector<16xf32>
      %mul3A_386 = arith.constant 512 : i32
      %mul3A_387 = arith.muli %sub3A_136, %mul3A_386 : i32
      %add3A_388 = arith.constant 496 : i32
      %add3A_389 = arith.addi %mul3A_387, %add3A_388 : i32
      %swap3A_390 = arith.index_cast %add3A_389 : i32 to index
      %swap3A_391 = tpu.vector_load %arg14[%swap3A_390] {strides = array<i32>} : memref<1536xf32, #tpu.memory_space<vmem>>, vector<16xf32>,
      tpu.vector_store %arg14[%swap3A_390], %broadcast_in_dim3A_385 {strides = array<i32>} : memref<1536xf32, #tpu.memory_space<vmem>>, vector<16xf32>,
      %parallel_loop3A = arith.constant 0 : i32
      %parallel_loop3A_392 = arith.constant 5120 : i32
      %parallel_loop3A_393 = arith.constant 16 : i32
      %parallel_loop3A_394 = arith.constant 0 : i32
      %parallel_loop3A_395 = scf.for %parallel_loop3A_454 = %parallel_loop3A to %parallel_loop3A_392 step %parallel_loop3A_393 iter_args(%parallel_loop3A_455 = %parallel_loop3A_394) -> (i32)  : i32 {
        %parallel_loop3A_456 = arith.constant 5120 : i32
        %parallel_loop3A_457 = arith.muli %sub3A_136, %parallel_loop3A_456 : i32
        %parallel_loop3A_458 = arith.addi %parallel_loop3A_457, %parallel_loop3A_454 : i32
        %parallel_loop3A_459 = arith.index_cast %parallel_loop3A_458 : i32 to index
        %parallel_loop3A_460 = tpu.vector_load %arg5[%parallel_loop3A_459] {strides = array<i32>} : memref<15360xf32, #tpu.memory_space<vmem>>, vector<16xf32>,
        %parallel_loop3A_461 = arith.constant 0.000000e+00 : f32
        %parallel_loop3A_462 = vector.broadcast %parallel_loop3A_461 : f32 to vector<16xf32>
        %parallel_loop3A_463 = arith.cmpf ogt, %parallel_loop3A_460, %parallel_loop3A_462 : vector<16xf32>
        %parallel_loop3A_464 = tpu.all_reduce %parallel_loop3A_463 {dim = 0 : i64, kind = #tpu.reduction_kind<sum>} : vector<16xi1> -> vector<16xi32>
        %parallel_loop3A_465 = vector.extract_strided_slice %parallel_loop3A_464 {offsets = [0], sizes = [1], strides = [1]} : vector<16xi32> to vector<1xi32>
        %parallel_loop3A_466 = vector.extract %parallel_loop3A_465[0] : i32 from vector<1xi32>
        %parallel_loop3A_467 = arith.constant 0 : i32
        %parallel_loop3A_468 = arith.cmpi sgt, %parallel_loop3A_466, %parallel_loop3A_467 : i32
        %parallel_loop3A_469 = arith.extui %parallel_loop3A_468 : i1 to i32
        %parallel_loop3A_470 = arith.constant 0 : i32
        %parallel_loop3A_471 = arith.cmpi ne, %parallel_loop3A_469, %parallel_loop3A_470 : i32
        scf.if %parallel_loop3A_471 {
          %parallel_loop3A_473 = arith.extui %parallel_loop3A_463 : vector<16xi1> to vector<16xi32>
          %parallel_loop3A_474 = arith.constant true
          %parallel_loop3A_475 = vector.broadcast %parallel_loop3A_474 : i1 to vector<16xi1>
          %parallel_loop3A_476 = tpu.scan <sum>, %parallel_loop3A_473 masked %parallel_loop3A_475 : vector<16xi32>, vector<16xi1> -> vector<16xi32>
          %parallel_loop3A_477 = arith.constant 1 : i32
          %parallel_loop3A_478 = arith.subi %parallel_loop3A_455, %parallel_loop3A_477 : i32
          %parallel_loop3A_479 = vector.broadcast %parallel_loop3A_478 : i32 to vector<16xi32>
          %parallel_loop3A_480 = arith.addi %parallel_loop3A_476, %parallel_loop3A_479 : vector<16xi32>
          tpu.vector_store_idx %arg8[%parallel_loop3A_480], %parallel_loop3A_460 masked %parallel_loop3A_463 : memref<5136xf32, #tpu.memory_space<vmem>>[vector<16xi32>], vector<16xf32>, vector<16xi1>
          %parallel_loop3A_481 = vector.broadcast %parallel_loop3A_454 : i32 to vector<16xi32>
          %parallel_loop3A_482 = arith.addi %iota3A, %parallel_loop3A_481 : vector<16xi32>
          tpu.vector_store_idx %arg7[%parallel_loop3A_480], %parallel_loop3A_482 masked %parallel_loop3A_463 : memref<5136xi32, #tpu.memory_space<vmem>>[vector<16xi32>], vector<16xi32>, vector<16xi1>
        } else {
        }
        %parallel_loop3A_472 = arith.addi %parallel_loop3A_455, %parallel_loop3A_466 : i32
        scf.yield %parallel_loop3A_472 : i32
      } {sc.loop_unroll_factor = 4 : i64, sc.parallel_access}
      %broadcast_in_dim3A_396 = arith.constant -1.000000e+00 : f32
      %broadcast_in_dim3A_397 = vector.broadcast %broadcast_in_dim3A_396 : f32 to vector<16xf32>
      %swap3A_398 = arith.index_cast %parallel_loop3A_395 : i32 to index
      %swap3A_399 = tpu.vector_load %arg8[%swap3A_398] {strides = array<i32>} : memref<5136xf32, #tpu.memory_space<vmem>>, vector<16xf32>,
      tpu.vector_store %arg8[%swap3A_398], %broadcast_in_dim3A_397 {strides = array<i32>} : memref<5136xf32, #tpu.memory_space<vmem>>, vector<16xf32>,
      %swap3A_400 = arith.index_cast %parallel_loop3A_395 : i32 to index
      %swap3A_401 = tpu.vector_load %arg7[%swap3A_400] {strides = array<i32>} : memref<5136xi32, #tpu.memory_space<vmem>>, vector<16xi32>,
      tpu.vector_store %arg7[%swap3A_400], %broadcast_in_dim3A_116 {strides = array<i32>} : memref<5136xi32, #tpu.memory_space<vmem>>, vector<16xi32>,
      %add3A_402 = arith.constant 16 : i32
      %add3A_403 = arith.addi %parallel_loop3A_395, %add3A_402 : i32
      %sub3A_404 = arith.constant 1 : i32
      %sub3A_405 = arith.subi %add3A_403, %sub3A_404 : i32
      %jit3A_406 = arith.constant 16 : i32
      %div3A_407 = arith.divsi %sub3A_405, %jit3A_406 : i32
      %sign3A_408 = arith.constant 0 : i32
      %sign3A_409 = arith.cmpi sgt, %sub3A_405, %sign3A_408 : i32
      %sign3A_410 = arith.extui %sign3A_409 : i1 to i32
      %sign3A_411 = arith.constant 0 : i32
      %sign3A_412 = arith.cmpi slt, %sub3A_405, %sign3A_411 : i32
      %sign3A_413 = arith.extui %sign3A_412 : i1 to i32
      %sign3A_414 = arith.subi %sign3A_410, %sign3A_413 : i32
      %sign3A_415 = arith.constant 0 : i32
      %sign3A_416 = arith.cmpi sgt, %jit3A_406, %sign3A_415 : i32
      %sign3A_417 = arith.extui %sign3A_416 : i1 to i32
      %sign3A_418 = arith.constant 0 : i32
      %sign3A_419 = arith.cmpi slt, %jit3A_406, %sign3A_418 : i32
      %sign3A_420 = arith.extui %sign3A_419 : i1 to i32
      %sign3A_421 = arith.subi %sign3A_417, %sign3A_420 : i32
      %ne3A_422 = arith.cmpi ne, %sign3A_414, %sign3A_421 : i32
      %rem3A_423 = arith.remsi %sub3A_405, %jit3A_406 : i32
      %ne3A_424 = arith.constant 0 : i32
      %ne3A_425 = arith.cmpi ne, %rem3A_423, %ne3A_424 : i32
      %and3A_426 = arith.andi %ne3A_422, %ne3A_425 : i1
      %sub3A_427 = arith.constant 1 : i32
      %sub3A_428 = arith.subi %div3A_407, %sub3A_427 : i32
      %select_n3A_429 = arith.select %and3A_426, %sub3A_428, %div3A_407 : i32
      %mul3A_430 = arith.constant 16 : i32
      %mul3A_431 = arith.muli %select_n3A_429, %mul3A_430 : i32
      %parallel_loop3A_432 = arith.constant 0 : i32
      %parallel_loop3A_433 = arith.constant 16 : i32
      scf.for %parallel_loop3A_454 = %parallel_loop3A_432 to %mul3A_431 step %parallel_loop3A_433  : i32 {
        %parallel_loop3A_455 = arith.index_cast %parallel_loop3A_454 : i32 to index
        %parallel_loop3A_456 = tpu.vector_load %arg7[%parallel_loop3A_455] {strides = array<i32>} : memref<5136xi32, #tpu.memory_space<vmem>>, vector<16xi32>,
        %parallel_loop3A_457 = tpu.vector_load_idx %arg6[%broadcast_in_dim3A_116, %parallel_loop3A_456] : memref<4x5120xf32, #tpu.memory_space<vmem>>[vector<16xi32>, vector<16xi32>], vector<16xf32>,
        %parallel_loop3A_458 = arith.index_cast %parallel_loop3A_454 : i32 to index
        %parallel_loop3A_459 = tpu.vector_load %arg9[%parallel_loop3A_458] {strides = array<i32>} : memref<5136xf32, #tpu.memory_space<vmem>>, vector<16xf32>,
        tpu.vector_store %arg9[%parallel_loop3A_458], %parallel_loop3A_457 {strides = array<i32>} : memref<5136xf32, #tpu.memory_space<vmem>>, vector<16xf32>,
        %parallel_loop3A_460 = arith.constant 1 : i32
        %parallel_loop3A_461 = vector.broadcast %parallel_loop3A_460 : i32 to vector<16xi32>
        %parallel_loop3A_462 = arith.addi %broadcast_in_dim3A_116, %parallel_loop3A_461 : vector<16xi32>
        %parallel_loop3A_463 = tpu.vector_load_idx %arg6[%parallel_loop3A_462, %parallel_loop3A_456] : memref<4x5120xf32, #tpu.memory_space<vmem>>[vector<16xi32>, vector<16xi32>], vector<16xf32>,
        %parallel_loop3A_464 = arith.index_cast %parallel_loop3A_454 : i32 to index
        %parallel_loop3A_465 = tpu.vector_load %arg10[%parallel_loop3A_464] {strides = array<i32>} : memref<5136xf32, #tpu.memory_space<vmem>>, vector<16xf32>,
        tpu.vector_store %arg10[%parallel_loop3A_464], %parallel_loop3A_463 {strides = array<i32>} : memref<5136xf32, #tpu.memory_space<vmem>>, vector<16xf32>,
        %parallel_loop3A_466 = arith.constant 2 : i32
        %parallel_loop3A_467 = vector.broadcast %parallel_loop3A_466 : i32 to vector<16xi32>
        %parallel_loop3A_468 = arith.addi %broadcast_in_dim3A_116, %parallel_loop3A_467 : vector<16xi32>
        %parallel_loop3A_469 = tpu.vector_load_idx %arg6[%parallel_loop3A_468, %parallel_loop3A_456] : memref<4x5120xf32, #tpu.memory_space<vmem>>[vector<16xi32>, vector<16xi32>], vector<16xf32>,
        %parallel_loop3A_470 = arith.constant 3 : i32
        %parallel_loop3A_471 = vector.broadcast %parallel_loop3A_470 : i32 to vector<16xi32>
        %parallel_loop3A_472 = arith.addi %broadcast_in_dim3A_116, %parallel_loop3A_471 : vector<16xi32>
        %parallel_loop3A_473 = tpu.vector_load_idx %arg6[%parallel_loop3A_472, %parallel_loop3A_456] : memref<4x5120xf32, #tpu.memory_space<vmem>>[vector<16xi32>, vector<16xi32>], vector<16xf32>,
        %parallel_loop3A_474 = arith.index_cast %parallel_loop3A_454 : i32 to index
        %parallel_loop3A_475 = tpu.vector_load %arg11[%parallel_loop3A_474] {strides = array<i32>} : memref<5136xf32, #tpu.memory_space<vmem>>, vector<16xf32>,
        tpu.vector_store %arg11[%parallel_loop3A_474], %parallel_loop3A_469 {strides = array<i32>} : memref<5136xf32, #tpu.memory_space<vmem>>, vector<16xf32>,
        %parallel_loop3A_476 = arith.index_cast %parallel_loop3A_454 : i32 to index
        %parallel_loop3A_477 = tpu.vector_load %arg12[%parallel_loop3A_476] {strides = array<i32>} : memref<5136xf32, #tpu.memory_space<vmem>>, vector<16xf32>,
        tpu.vector_store %arg12[%parallel_loop3A_476], %parallel_loop3A_473 {strides = array<i32>} : memref<5136xf32, #tpu.memory_space<vmem>>, vector<16xf32>,
        %parallel_loop3A_478 = arith.index_cast %parallel_loop3A_454 : i32 to index
        %parallel_loop3A_479 = tpu.vector_load %arg9[%parallel_loop3A_478] {strides = array<i32>} : memref<5136xf32, #tpu.memory_space<vmem>>, vector<16xf32>,
        %parallel_loop3A_480 = arith.index_cast %parallel_loop3A_454 : i32 to index
        %parallel_loop3A_481 = tpu.vector_load %arg10[%parallel_loop3A_480] {strides = array<i32>} : memref<5136xf32, #tpu.memory_space<vmem>>, vector<16xf32>,
        %parallel_loop3A_482 = arith.subf %parallel_loop3A_469, %parallel_loop3A_479 : vector<16xf32>
        %parallel_loop3A_483 = arith.subf %parallel_loop3A_473, %parallel_loop3A_481 : vector<16xf32>
        %parallel_loop3A_484 = arith.mulf %parallel_loop3A_482, %parallel_loop3A_483 : vector<16xf32>
        %parallel_loop3A_485 = arith.index_cast %parallel_loop3A_454 : i32 to index
        %parallel_loop3A_486 = tpu.vector_load %arg13[%parallel_loop3A_485] {strides = array<i32>} : memref<5136xf32, #tpu.memory_space<vmem>>, vector<16xf32>,
        tpu.vector_store %arg13[%parallel_loop3A_485], %parallel_loop3A_484 {strides = array<i32>} : memref<5136xf32, #tpu.memory_space<vmem>>, vector<16xf32>,
      } {sc.loop_unroll_factor = 2 : i64, sc.parallel_access}
      %broadcast_in_dim3A_434 = arith.constant 0.000000e+00 : f32
      %broadcast_in_dim3A_435 = vector.broadcast %broadcast_in_dim3A_434 : f32 to vector<16xf32>
      %broadcast_in_dim3A_436 = arith.constant 3.400000e+38 : f32
      %broadcast_in_dim3A_437 = vector.broadcast %broadcast_in_dim3A_436 : f32 to vector<16xf32>
      %while3A_438 = arith.constant true
      %while3A_439 = arith.constant 0 : i32
      %while3A_440:7 = scf.while (%while3A_454 = %while3A_438, %while3A_455 = %while3A_439, %while3A_456 = %broadcast_in_dim3A_437, %while3A_457 = %broadcast_in_dim3A_435, %while3A_458 = %broadcast_in_dim3A_435, %while3A_459 = %broadcast_in_dim3A_435, %while3A_460 = %broadcast_in_dim3A_435) : (i1, i32, vector<16xf32>, vector<16xf32>, vector<16xf32>, vector<16xf32>, vector<16xf32>) -> (i1, i32, vector<16xf32>, vector<16xf32>, vector<16xf32>, vector<16xf32>, vector<16xf32>) {
        %lt3A_461 = arith.constant 100 : i32
        %lt3A_462 = arith.cmpi slt, %while3A_455, %lt3A_461 : i32
        %and3A_463 = arith.andi %while3A_454, %lt3A_462 : i1
        scf.condition(%and3A_463) %while3A_454, %while3A_455, %while3A_456, %while3A_457, %while3A_458, %while3A_459, %while3A_460 : i1, i32, vector<16xf32>, vector<16xf32>, vector<16xf32>, vector<16xf32>, vector<16xf32>
      } do {
      ^bb0(%while3A_454: i1, %while3A_455: i32, %while3A_456: vector<16xf32>, %while3A_457: vector<16xf32>, %while3A_458: vector<16xf32>, %while3A_459: vector<16xf32>, %while3A_460: vector<16xf32>):
        %sub3A_461 = arith.subf %while3A_459, %while3A_457 : vector<16xf32>
        %sub3A_462 = arith.subf %while3A_460, %while3A_458 : vector<16xf32>
        %mul3A_463 = arith.mulf %sub3A_461, %sub3A_462 : vector<16xf32>
        %broadcast_in_dim3A_464 = arith.constant 0.000000e+00 : f32
        %broadcast_in_dim3A_465 = vector.broadcast %broadcast_in_dim3A_464 : f32 to vector<16xf32>
        %broadcast_in_dim3A_466 = arith.constant -1.000000e+00 : f32
        %broadcast_in_dim3A_467 = vector.broadcast %broadcast_in_dim3A_466 : f32 to vector<16xf32>
        %mul3A_468 = arith.constant 16 : i32
        %mul3A_469 = arith.muli %select_n3A_429, %mul3A_468 : i32
        %broadcast_in_dim3A_470 = arith.constant 0 : i32
        %broadcast_in_dim3A_471 = vector.broadcast %broadcast_in_dim3A_470 : i32 to vector<16xi32>
        %parallel_loop3A_472 = arith.constant 0 : i32
        %parallel_loop3A_473 = arith.constant 16 : i32
        %parallel_loop3A_474:2 = scf.for %parallel_loop3A_500 = %parallel_loop3A_472 to %mul3A_469 step %parallel_loop3A_473 iter_args(%parallel_loop3A_501 = %broadcast_in_dim3A_467, %parallel_loop3A_502 = %broadcast_in_dim3A_471) -> (vector<16xf32>, vector<16xi32>)  : i32 {
          %parallel_loop3A_503 = arith.index_cast %parallel_loop3A_500 : i32 to index
          %parallel_loop3A_504 = tpu.vector_load %arg8[%parallel_loop3A_503] {strides = array<i32>} : memref<5136xf32, #tpu.memory_space<vmem>>, vector<16xf32>,
          %parallel_loop3A_505 = arith.index_cast %parallel_loop3A_500 : i32 to index
          %parallel_loop3A_506 = tpu.vector_load %arg9[%parallel_loop3A_505] {strides = array<i32>} : memref<5136xf32, #tpu.memory_space<vmem>>, vector<16xf32>,
          %parallel_loop3A_507 = arith.index_cast %parallel_loop3A_500 : i32 to index
          %parallel_loop3A_508 = tpu.vector_load %arg10[%parallel_loop3A_507] {strides = array<i32>} : memref<5136xf32, #tpu.memory_space<vmem>>, vector<16xf32>,
          %parallel_loop3A_509 = arith.index_cast %parallel_loop3A_500 : i32 to index
          %parallel_loop3A_510 = tpu.vector_load %arg11[%parallel_loop3A_509] {strides = array<i32>} : memref<5136xf32, #tpu.memory_space<vmem>>, vector<16xf32>,
          %parallel_loop3A_511 = arith.index_cast %parallel_loop3A_500 : i32 to index
          %parallel_loop3A_512 = tpu.vector_load %arg12[%parallel_loop3A_511] {strides = array<i32>} : memref<5136xf32, #tpu.memory_space<vmem>>, vector<16xf32>,
          %parallel_loop3A_513 = arith.minimumf %while3A_459, %parallel_loop3A_510 : vector<16xf32>
          %parallel_loop3A_514 = arith.maximumf %while3A_457, %parallel_loop3A_506 : vector<16xf32>
          %parallel_loop3A_515 = arith.subf %parallel_loop3A_513, %parallel_loop3A_514 : vector<16xf32>
          %parallel_loop3A_516 = arith.maximumf %parallel_loop3A_515, %broadcast_in_dim3A_465 : vector<16xf32>
          %parallel_loop3A_517 = arith.minimumf %while3A_460, %parallel_loop3A_512 : vector<16xf32>
          %parallel_loop3A_518 = arith.maximumf %while3A_458, %parallel_loop3A_508 : vector<16xf32>
          %parallel_loop3A_519 = arith.subf %parallel_loop3A_517, %parallel_loop3A_518 : vector<16xf32>
          %parallel_loop3A_520 = arith.maximumf %parallel_loop3A_519, %broadcast_in_dim3A_465 : vector<16xf32>
          %parallel_loop3A_521 = arith.mulf %parallel_loop3A_516, %parallel_loop3A_520 : vector<16xf32>
          %parallel_loop3A_522 = arith.index_cast %parallel_loop3A_500 : i32 to index
          %parallel_loop3A_523 = tpu.vector_load %arg13[%parallel_loop3A_522] {strides = array<i32>} : memref<5136xf32, #tpu.memory_space<vmem>>, vector<16xf32>,
          %parallel_loop3A_524 = arith.addf %mul3A_463, %parallel_loop3A_523 : vector<16xf32>
          %parallel_loop3A_525 = arith.subf %parallel_loop3A_524, %parallel_loop3A_521 : vector<16xf32>
          %parallel_loop3A_526 = arith.constant 9.99999971E-10 : f32
          %parallel_loop3A_527 = vector.broadcast %parallel_loop3A_526 : f32 to vector<16xf32>
          %parallel_loop3A_528 = arith.addf %parallel_loop3A_525, %parallel_loop3A_527 : vector<16xf32>
          %parallel_loop3A_529 = arith.divf %parallel_loop3A_521, %parallel_loop3A_528 : vector<16xf32>
          %parallel_loop3A_530 = arith.cmpf ogt, %parallel_loop3A_529, %while3A_456 : vector<16xf32>
          %parallel_loop3A_531 = arith.select %parallel_loop3A_530, %broadcast_in_dim3A_467, %parallel_loop3A_504 : vector<16xi1>, vector<16xf32>
          %parallel_loop3A_532 = arith.index_cast %parallel_loop3A_500 : i32 to index
          %parallel_loop3A_533 = tpu.vector_load %arg8[%parallel_loop3A_532] {strides = array<i32>} : memref<5136xf32, #tpu.memory_space<vmem>>, vector<16xf32>,
          tpu.vector_store %arg8[%parallel_loop3A_532], %parallel_loop3A_531 {strides = array<i32>} : memref<5136xf32, #tpu.memory_space<vmem>>, vector<16xf32>,
          %parallel_loop3A_534 = arith.cmpf ogt, %parallel_loop3A_531, %parallel_loop3A_501 : vector<16xf32>
          %parallel_loop3A_535 = vector.broadcast %parallel_loop3A_500 : i32 to vector<16xi32>
          %parallel_loop3A_536 = arith.addi %iota3A, %parallel_loop3A_535 : vector<16xi32>
          %parallel_loop3A_537 = arith.select %parallel_loop3A_534, %parallel_loop3A_531, %parallel_loop3A_501 : vector<16xi1>, vector<16xf32>
          %parallel_loop3A_538 = arith.select %parallel_loop3A_534, %parallel_loop3A_536, %parallel_loop3A_502 : vector<16xi1>, vector<16xi32>
          scf.yield %parallel_loop3A_537, %parallel_loop3A_538 : vector<16xf32>, vector<16xi32>
        } {sc.loop_unroll_factor = 4 : i64, sc.parallel_access}
        %reduce_max3A = arith.constant true
        %reduce_max3A_475 = vector.broadcast %reduce_max3A : i1 to vector<16xi1>
        %reduce_max3A_476 = tpu.scan <max>, %parallel_loop3A_474#0 masked %reduce_max3A_475 : vector<16xf32>, vector<16xi1> -> vector<16xf32>
        %reduce_max3A_477 = vector.extract %reduce_max3A_476[15] : f32 from vector<16xf32>
        %gt3A = arith.constant 0.000000e+00 : f32
        %gt3A_478 = arith.cmpf ogt, %reduce_max3A_477, %gt3A : f32
        %broadcast_in_dim3A_479 = vector.broadcast %reduce_max3A_477 : f32 to vector<16xf32>
        %eq3A_480 = arith.cmpf oeq, %parallel_loop3A_474#0, %broadcast_in_dim3A_479 : vector<16xf32>
        %broadcast_in_dim3A_481 = arith.constant 1073741824 : i32
        %broadcast_in_dim3A_482 = vector.broadcast %broadcast_in_dim3A_481 : i32 to vector<16xi32>
        %select_n3A_483 = arith.select %eq3A_480, %parallel_loop3A_474#1, %broadcast_in_dim3A_482 : vector<16xi1>, vector<16xi32>
        %reduce_min3A = arith.constant true
        %reduce_min3A_484 = vector.broadcast %reduce_min3A : i1 to vector<16xi1>
        %reduce_min3A_485 = arith.constant -2147483648 : i32
        %reduce_min3A_486 = vector.broadcast %reduce_min3A_485 : i32 to vector<16xi32>
        %reduce_min3A_487 = arith.xori %select_n3A_483, %reduce_min3A_486 : vector<16xi32>
        %reduce_min3A_488 = tpu.scan <min>, %reduce_min3A_487 masked %reduce_min3A_484 : vector<16xi32>, vector<16xi1> -> vector<16xi32>
        %reduce_min3A_489 = arith.xori %reduce_min3A_488, %reduce_min3A_486 : vector<16xi32>
        %reduce_min3A_490 = vector.extract %reduce_min3A_489[15] : i32 from vector<16xi32>
        %broadcast_in_dim3A_491 = vector.broadcast %reduce_min3A_490 : i32 to vector<16xi32>
        %gather3A = tpu.vector_load_idx %arg9[%broadcast_in_dim3A_491] : memref<5136xf32, #tpu.memory_space<vmem>>[vector<16xi32>], vector<16xf32>,
        %gather3A_492 = tpu.vector_load_idx %arg10[%broadcast_in_dim3A_491] : memref<5136xf32, #tpu.memory_space<vmem>>[vector<16xi32>], vector<16xf32>,
        %gather3A_493 = tpu.vector_load_idx %arg11[%broadcast_in_dim3A_491] : memref<5136xf32, #tpu.memory_space<vmem>>[vector<16xi32>], vector<16xf32>,
        %gather3A_494 = tpu.vector_load_idx %arg12[%broadcast_in_dim3A_491] : memref<5136xf32, #tpu.memory_space<vmem>>[vector<16xi32>], vector<16xf32>,
        %convert_element_type3A = arith.extui %gt3A_478 : i1 to i32
        %cond3A = arith.constant 0 : i32
        %cond3A_495 = arith.cmpi ne, %convert_element_type3A, %cond3A : i32
        scf.if %cond3A_495 {
          %broadcast_in_dim3A_500 = vector.broadcast %reduce_max3A_477 : f32 to vector<16xf32>
          %broadcast_in_dim3A_501 = arith.constant 0.000000e+00 : f32
          %broadcast_in_dim3A_502 = vector.broadcast %broadcast_in_dim3A_501 : f32 to vector<16xf32>
          %eq3A_503 = arith.constant 0 : i32
          %eq3A_504 = vector.broadcast %eq3A_503 : i32 to vector<16xi32>
          %eq3A_505 = arith.cmpi eq, %iota3A, %eq3A_504 : vector<16xi32>
          %eq3A_506 = arith.constant 1 : i32
          %eq3A_507 = vector.broadcast %eq3A_506 : i32 to vector<16xi32>
          %eq3A_508 = arith.cmpi eq, %iota3A, %eq3A_507 : vector<16xi32>
          %eq3A_509 = arith.constant 2 : i32
          %eq3A_510 = vector.broadcast %eq3A_509 : i32 to vector<16xi32>
          %eq3A_511 = arith.cmpi eq, %iota3A, %eq3A_510 : vector<16xi32>
          %eq3A_512 = arith.constant 3 : i32
          %eq3A_513 = vector.broadcast %eq3A_512 : i32 to vector<16xi32>
          %eq3A_514 = arith.cmpi eq, %iota3A, %eq3A_513 : vector<16xi32>
          %eq3A_515 = arith.constant 4 : i32
          %eq3A_516 = vector.broadcast %eq3A_515 : i32 to vector<16xi32>
          %eq3A_517 = arith.cmpi eq, %iota3A, %eq3A_516 : vector<16xi32>
          %select_n3A_518 = arith.select %eq3A_517, %broadcast_in_dim3A_500, %broadcast_in_dim3A_502 : vector<16xi1>, vector<16xf32>
          %select_n3A_519 = arith.select %eq3A_514, %gather3A_494, %select_n3A_518 : vector<16xi1>, vector<16xf32>
          %select_n3A_520 = arith.select %eq3A_511, %gather3A_493, %select_n3A_519 : vector<16xi1>, vector<16xf32>
          %select_n3A_521 = arith.select %eq3A_508, %gather3A_492, %select_n3A_520 : vector<16xi1>, vector<16xf32>
          %select_n3A_522 = arith.select %eq3A_505, %gather3A, %select_n3A_521 : vector<16xi1>, vector<16xf32>
          %mul3A_523 = arith.constant 512 : i32
          %mul3A_524 = arith.muli %sub3A_136, %mul3A_523 : i32
          %mul3A_525 = arith.constant 5 : i32
          %mul3A_526 = arith.muli %while3A_455, %mul3A_525 : i32
          %add3A_527 = arith.addi %mul3A_524, %mul3A_526 : i32
          %swap3A_528 = arith.index_cast %add3A_527 : i32 to index
          %swap3A_529 = tpu.vector_load %arg14[%swap3A_528] {strides = array<i32>} : memref<1536xf32, #tpu.memory_space<vmem>>, vector<16xf32>,
          tpu.vector_store %arg14[%swap3A_528], %select_n3A_522 {strides = array<i32>} : memref<1536xf32, #tpu.memory_space<vmem>>, vector<16xf32>,
        } else {
        }
        %broadcast_in_dim3A_496 = arith.constant 5.000000e-01 : f32
        %broadcast_in_dim3A_497 = vector.broadcast %broadcast_in_dim3A_496 : f32 to vector<16xf32>
        %add3A_498 = arith.constant 1 : i32
        %add3A_499 = arith.addi %while3A_455, %add3A_498 : i32
        scf.yield %gt3A_478, %add3A_499, %broadcast_in_dim3A_497, %gather3A, %gather3A_492, %gather3A_493, %gather3A_494 : i1, i32, vector<16xf32>, vector<16xf32>, vector<16xf32>, vector<16xf32>, vector<16xf32>
      }
      %mul3A_441 = arith.constant 512 : i32
      %mul3A_442 = arith.muli %sub3A_136, %mul3A_441 : i32
      %mul3A_443 = arith.constant 20 : i32
      %mul3A_444 = arith.muli %select_n3A, %mul3A_443 : i32
      %add3A_445 = arith.addi %mul3A_444, %while3A_135 : i32
      %dma_start3A_446 = tpu.memref_slice %arg14[%mul3A_442] : memref<1536xf32, #tpu.memory_space<vmem>> -> memref<512xf32, #tpu.memory_space<vmem>>
      %dma_start3A_447 = arith.constant 0 : i32
      %dma_start3A_448 = tpu.memref_slice %arg4[%add3A_445, %dma_start3A_447] : memref<80x512xf32, #tpu.memory_space<hbm>> -> memref<1x512xf32, #tpu.memory_space<hbm>>
      %dma_start3A_449 = tpu.memref_squeeze %dma_start3A_448 : memref<1x512xf32, #tpu.memory_space<hbm>> -> memref<512xf32, #tpu.memory_space<hbm>>
      %dma_start3A_450 = arith.constant 0 : i32
      %dma_start3A_451 = tpu.memref_slice %arg4[%add3A_445, %dma_start3A_450] : memref<80x512xf32, #tpu.memory_space<hbm>> -> memref<1x512xf32, #tpu.memory_space<hbm>>
      %dma_start3A_452 = tpu.memref_squeeze %dma_start3A_451 : memref<1x512xf32, #tpu.memory_space<hbm>> -> memref<512xf32, #tpu.memory_space<hbm>>
      %dma_start3A_453 = tpu.memref_slice %arg14[%mul3A_442] : memref<1536xf32, #tpu.memory_space<vmem>> -> memref<512xf32, #tpu.memory_space<vmem>>
      tpu.enqueue_dma source(%dma_start3A_453 : memref<512xf32, #tpu.memory_space<vmem>>) target(%dma_start3A_452 : memref<512xf32, #tpu.memory_space<hbm>>) target_semaphore(%arg17 : memref<!tpu.dma_semaphore, #tpu.memory_space<semaphore_mem>>)
    }
    %while3A_126 = arith.constant 0 : i32
    %while3A_127 = arith.subi %select_n3A_84, %select_n3A_56 : i32
    %while3A_128 = arith.addi %select_n3A_56, %while3A_127 : i32
    %while3A_129 = arith.constant 1 : i32
    %while3A_130 = arith.divsi %while3A_127, %while3A_129 : i32
    %while3A_131 = arith.muli %while3A_130, %while3A_129 : i32
    %while3A_132 = arith.addi %select_n3A_56, %while3A_131 : i32
    %while3A_133 = arith.constant 1 : i32
    scf.for %while3A_135 = %select_n3A_56 to %while3A_132 step %while3A_133  : i32 {
      %sub3A_136 = arith.subi %while3A_135, %select_n3A_56 : i32
      %mul3A_137 = arith.constant 512 : i32
      %mul3A_138 = arith.muli %sub3A_136, %mul3A_137 : i32
      %mul3A_139 = arith.constant 20 : i32
      %mul3A_140 = arith.muli %select_n3A, %mul3A_139 : i32
      %add3A_141 = arith.addi %mul3A_140, %while3A_135 : i32
      %dma_wait3A_142 = tpu.memref_slice %arg14[%mul3A_138] : memref<1536xf32, #tpu.memory_space<vmem>> -> memref<512xf32, #tpu.memory_space<vmem>>
      %dma_wait3A_143 = arith.constant 0 : i32
      %dma_wait3A_144 = tpu.memref_slice %arg4[%add3A_141, %dma_wait3A_143] : memref<80x512xf32, #tpu.memory_space<hbm>> -> memref<1x512xf32, #tpu.memory_space<hbm>>
      %dma_wait3A_145 = tpu.memref_squeeze %dma_wait3A_144 : memref<1x512xf32, #tpu.memory_space<hbm>> -> memref<512xf32, #tpu.memory_space<hbm>>
      %dma_wait3A_146 = arith.constant 0 : i32
      %dma_wait3A_147 = tpu.memref_slice %arg4[%add3A_141, %dma_wait3A_146] : memref<80x512xf32, #tpu.memory_space<hbm>> -> memref<1x512xf32, #tpu.memory_space<hbm>>
      %dma_wait3A_148 = tpu.memref_squeeze %dma_wait3A_147 : memref<1x512xf32, #tpu.memory_space<hbm>> -> memref<512xf32, #tpu.memory_space<hbm>>
      %dma_wait3A_149 = tpu.memref_slice %arg14[%mul3A_138] : memref<1536xf32, #tpu.memory_space<vmem>> -> memref<512xf32, #tpu.memory_space<vmem>>
      tpu.wait_dma2 semaphore(%arg17 : memref<!tpu.dma_semaphore, #tpu.memory_space<semaphore_mem>>) src(%dma_wait3A_149 : memref<512xf32, #tpu.memory_space<vmem>>) dst(%dma_wait3A_148 : memref<512xf32, #tpu.memory_space<hbm>>)
    }
    %while3A_134 = arith.constant 1 : i32
    scf.for %while3A_135 = %while3A_132 to %while3A_128 step %while3A_134  : i32 {
      %sub3A_136 = arith.subi %while3A_135, %select_n3A_56 : i32
      %mul3A_137 = arith.constant 512 : i32
      %mul3A_138 = arith.muli %sub3A_136, %mul3A_137 : i32
      %mul3A_139 = arith.constant 20 : i32
      %mul3A_140 = arith.muli %select_n3A, %mul3A_139 : i32
      %add3A_141 = arith.addi %mul3A_140, %while3A_135 : i32
      %dma_wait3A_142 = tpu.memref_slice %arg14[%mul3A_138] : memref<1536xf32, #tpu.memory_space<vmem>> -> memref<512xf32, #tpu.memory_space<vmem>>
      %dma_wait3A_143 = arith.constant 0 : i32
      %dma_wait3A_144 = tpu.memref_slice %arg4[%add3A_141, %dma_wait3A_143] : memref<80x512xf32, #tpu.memory_space<hbm>> -> memref<1x512xf32, #tpu.memory_space<hbm>>
      %dma_wait3A_145 = tpu.memref_squeeze %dma_wait3A_144 : memref<1x512xf32, #tpu.memory_space<hbm>> -> memref<512xf32, #tpu.memory_space<hbm>>
      %dma_wait3A_146 = arith.constant 0 : i32
      %dma_wait3A_147 = tpu.memref_slice %arg4[%add3A_141, %dma_wait3A_146] : memref<80x512xf32, #tpu.memory_space<hbm>> -> memref<1x512xf32, #tpu.memory_space<hbm>>
      %dma_wait3A_148 = tpu.memref_squeeze %dma_wait3A_147 : memref<1x512xf32, #tpu.memory_space<hbm>> -> memref<512xf32, #tpu.memory_space<hbm>>
      %dma_wait3A_149 = tpu.memref_slice %arg14[%mul3A_138] : memref<1536xf32, #tpu.memory_space<vmem>> -> memref<512xf32, #tpu.memory_space<vmem>>
      tpu.wait_dma2 semaphore(%arg17 : memref<!tpu.dma_semaphore, #tpu.memory_space<semaphore_mem>>) src(%dma_wait3A_149 : memref<512xf32, #tpu.memory_space<vmem>>) dst(%dma_wait3A_148 : memref<512xf32, #tpu.memory_space<hbm>>)
    }
    return
  }
}

module attributes {stable_mosaic.version = 14 : i64} {
  func.func @_prep_body(%arg0: i32, %arg1: memref<4x21x5120xf32, #tpu.memory_space<vmem>>, %arg2: memref<4x4x5120xf32, #tpu.memory_space<vmem>>, %arg3: memref<4x5120xf32, #tpu.memory_space<vmem>>, %arg4: memref<4x21x5120xf32, #tpu.memory_space<vmem>>, %arg5: memref<4x4x5120xf32, #tpu.memory_space<vmem>>) attributes {dimension_semantics = [#tpu.dimension_semantics<arbitrary>], iteration_bounds = array<i64: 1>, scalar_prefetch = 0 : i64, scratch_operands = 0 : i64, tpu.core_type = #tpu.core_type<tc>, window_params = [{pipeline_mode = #tpu.pipeline_mode<synchronous>, transform_indices = @transform_0, window_bounds = array<i64: 4, 21, 5120>}, {pipeline_mode = #tpu.pipeline_mode<synchronous>, transform_indices = @transform_1, window_bounds = array<i64: 4, 4, 5120>}, {pipeline_mode = #tpu.pipeline_mode<synchronous>, transform_indices = @transform_2, window_bounds = array<i64: 4, 5120>}, {pipeline_mode = #tpu.pipeline_mode<synchronous>, transform_indices = @transform_3, window_bounds = array<i64: 4, 21, 5120>}, {pipeline_mode = #tpu.pipeline_mode<synchronous>, transform_indices = @transform_4, window_bounds = array<i64: 4, 4, 5120>}]} {
    %get3A = arith.constant 0 : index
    %get3A_0 = arith.constant 0 : index
    %get3A_1 = arith.constant 0 : index
    %get3A_2 = vector.load %arg1[%get3A, %get3A_0, %get3A_1] : memref<4x21x5120xf32, #tpu.memory_space<vmem>>, vector<4x21x5120xf32>
    %reduce_max3A = arith.constant dense<0xFF800000> : vector<4x5120xf32>
    %reduce_max3A_3 = vector.multi_reduction <maximumf>, %get3A_2, %reduce_max3A [1] : vector<4x21x5120xf32> to vector<4x5120xf32>
    %broadcast_in_dim3A = vector.shape_cast %reduce_max3A_3 : vector<4x5120xf32> to vector<4x1x5120xf32>
    %sub3A = vector.broadcast %broadcast_in_dim3A : vector<4x1x5120xf32> to vector<4x21x5120xf32>
    %sub3A_4 = arith.subf %get3A_2, %sub3A : vector<4x21x5120xf32>
    %exp3A = math.exp %sub3A_4 : vector<4x21x5120xf32>
    %reduce_sum3A = arith.constant dense<0.000000e+00> : vector<4x5120xf32>
    %reduce_sum3A_5 = vector.multi_reduction <add>, %exp3A, %reduce_sum3A [1] : vector<4x21x5120xf32> to vector<4x5120xf32>
    %broadcast_in_dim3A_6 = vector.shape_cast %reduce_sum3A_5 : vector<4x5120xf32> to vector<4x1x5120xf32>
    %div3A = vector.broadcast %broadcast_in_dim3A_6 : vector<4x1x5120xf32> to vector<4x21x5120xf32>
    %div3A_7 = arith.divf %exp3A, %div3A : vector<4x21x5120xf32>
    %ge3A = arith.constant 5.000000e-01 : f32
    %ge3A_8 = vector.broadcast %ge3A : f32 to vector<4x21x5120xf32>
    %ge3A_9 = arith.cmpf oge, %div3A_7, %ge3A_8 : vector<4x21x5120xf32>
    %jit3A = arith.constant 0.000000e+00 : f32
    %broadcast_in_dim3A_10 = vector.broadcast %jit3A : f32 to vector<4x21x5120xf32>
    %select_n3A = arith.select %ge3A_9, %div3A_7, %broadcast_in_dim3A_10 : vector<4x21x5120xi1>, vector<4x21x5120xf32>
    %swap3A = arith.constant 0 : index
    %swap3A_11 = arith.constant 0 : index
    %swap3A_12 = arith.constant 0 : index
    %swap3A_13 = vector.load %arg4[%swap3A, %swap3A_11, %swap3A_12] : memref<4x21x5120xf32, #tpu.memory_space<vmem>>, vector<4x21x5120xf32>
    tpu.vector_store %arg4[%swap3A, %swap3A_11, %swap3A_12], %select_n3A {strides = array<i32>} : memref<4x21x5120xf32, #tpu.memory_space<vmem>>, vector<4x21x5120xf32>,
    %get3A_14 = arith.constant 0 : index
    %get3A_15 = arith.constant 0 : index
    %get3A_16 = arith.constant 0 : index
    %get3A_17 = vector.load %arg2[%get3A_14, %get3A_15, %get3A_16] : memref<4x4x5120xf32, #tpu.memory_space<vmem>>, vector<4x1x5120xf32>
    %get3A_18 = arith.constant 0 : index
    %get3A_19 = arith.constant 1 : index
    %get3A_20 = arith.constant 0 : index
    %get3A_21 = vector.load %arg2[%get3A_18, %get3A_19, %get3A_20] : memref<4x4x5120xf32, #tpu.memory_space<vmem>>, vector<4x1x5120xf32>
    %get3A_22 = arith.constant 0 : index
    %get3A_23 = arith.constant 2 : index
    %get3A_24 = arith.constant 0 : index
    %get3A_25 = vector.load %arg2[%get3A_22, %get3A_23, %get3A_24] : memref<4x4x5120xf32, #tpu.memory_space<vmem>>, vector<4x1x5120xf32>
    %get3A_26 = arith.constant 0 : index
    %get3A_27 = arith.constant 3 : index
    %get3A_28 = arith.constant 0 : index
    %get3A_29 = vector.load %arg2[%get3A_26, %get3A_27, %get3A_28] : memref<4x4x5120xf32, #tpu.memory_space<vmem>>, vector<4x1x5120xf32>
    %get3A_30 = arith.constant 0 : index
    %get3A_31 = arith.constant 0 : index
    %get3A_32 = vector.load %arg3[%get3A_30, %get3A_31] : memref<4x5120xf32, #tpu.memory_space<vmem>>, vector<1x5120xf32>
    %broadcast_in_dim3A_33 = vector.shape_cast %get3A_32 : vector<1x5120xf32> to vector<1x1x5120xf32>
    %get3A_34 = arith.constant 1 : index
    %get3A_35 = arith.constant 0 : index
    %get3A_36 = vector.load %arg3[%get3A_34, %get3A_35] : memref<4x5120xf32, #tpu.memory_space<vmem>>, vector<1x5120xf32>
    %broadcast_in_dim3A_37 = vector.shape_cast %get3A_36 : vector<1x5120xf32> to vector<1x1x5120xf32>
    %get3A_38 = arith.constant 2 : index
    %get3A_39 = arith.constant 0 : index
    %get3A_40 = vector.load %arg3[%get3A_38, %get3A_39] : memref<4x5120xf32, #tpu.memory_space<vmem>>, vector<1x5120xf32>
    %broadcast_in_dim3A_41 = vector.shape_cast %get3A_40 : vector<1x5120xf32> to vector<1x1x5120xf32>
    %get3A_42 = arith.constant 3 : index
    %get3A_43 = arith.constant 0 : index
    %get3A_44 = vector.load %arg3[%get3A_42, %get3A_43] : memref<4x5120xf32, #tpu.memory_space<vmem>>, vector<1x5120xf32>
    %broadcast_in_dim3A_45 = vector.shape_cast %get3A_44 : vector<1x5120xf32> to vector<1x1x5120xf32>
    %mul3A = arith.constant 1.000000e-01 : f32
    %mul3A_46 = vector.broadcast %mul3A : f32 to vector<4x1x5120xf32>
    %mul3A_47 = arith.mulf %get3A_17, %mul3A_46 : vector<4x1x5120xf32>
    %mul3A_48 = vector.broadcast %broadcast_in_dim3A_41 : vector<1x1x5120xf32> to vector<4x1x5120xf32>
    %mul3A_49 = arith.mulf %mul3A_47, %mul3A_48 : vector<4x1x5120xf32>
    %add3A = vector.broadcast %broadcast_in_dim3A_33 : vector<1x1x5120xf32> to vector<4x1x5120xf32>
    %add3A_50 = arith.addf %add3A, %mul3A_49 : vector<4x1x5120xf32>
    %mul3A_51 = arith.constant 1.000000e-01 : f32
    %mul3A_52 = vector.broadcast %mul3A_51 : f32 to vector<4x1x5120xf32>
    %mul3A_53 = arith.mulf %get3A_21, %mul3A_52 : vector<4x1x5120xf32>
    %mul3A_54 = vector.broadcast %broadcast_in_dim3A_45 : vector<1x1x5120xf32> to vector<4x1x5120xf32>
    %mul3A_55 = arith.mulf %mul3A_53, %mul3A_54 : vector<4x1x5120xf32>
    %add3A_56 = vector.broadcast %broadcast_in_dim3A_37 : vector<1x1x5120xf32> to vector<4x1x5120xf32>
    %add3A_57 = arith.addf %add3A_56, %mul3A_55 : vector<4x1x5120xf32>
    %mul3A_58 = arith.constant 2.000000e-01 : f32
    %mul3A_59 = vector.broadcast %mul3A_58 : f32 to vector<4x1x5120xf32>
    %mul3A_60 = arith.mulf %get3A_25, %mul3A_59 : vector<4x1x5120xf32>
    %exp3A_61 = math.exp %mul3A_60 : vector<4x1x5120xf32>
    %mul3A_62 = vector.broadcast %broadcast_in_dim3A_41 : vector<1x1x5120xf32> to vector<4x1x5120xf32>
    %mul3A_63 = arith.mulf %mul3A_62, %exp3A_61 : vector<4x1x5120xf32>
    %mul3A_64 = arith.constant 2.000000e-01 : f32
    %mul3A_65 = vector.broadcast %mul3A_64 : f32 to vector<4x1x5120xf32>
    %mul3A_66 = arith.mulf %get3A_29, %mul3A_65 : vector<4x1x5120xf32>
    %exp3A_67 = math.exp %mul3A_66 : vector<4x1x5120xf32>
    %mul3A_68 = vector.broadcast %broadcast_in_dim3A_45 : vector<1x1x5120xf32> to vector<4x1x5120xf32>
    %mul3A_69 = arith.mulf %mul3A_68, %exp3A_67 : vector<4x1x5120xf32>
    %div3A_70 = arith.constant 2.000000e+00 : f32
    %div3A_71 = vector.broadcast %div3A_70 : f32 to vector<4x1x5120xf32>
    %div3A_72 = arith.divf %mul3A_63, %div3A_71 : vector<4x1x5120xf32>
    %sub3A_73 = arith.subf %add3A_50, %div3A_72 : vector<4x1x5120xf32>
    %swap3A_74 = arith.constant 0 : index
    %swap3A_75 = arith.constant 0 : index
    %swap3A_76 = arith.constant 0 : index
    %swap3A_77 = vector.load %arg5[%swap3A_74, %swap3A_75, %swap3A_76] : memref<4x4x5120xf32, #tpu.memory_space<vmem>>, vector<4x1x5120xf32>
    tpu.vector_store %arg5[%swap3A_74, %swap3A_75, %swap3A_76], %sub3A_73 {strides = array<i32>} : memref<4x4x5120xf32, #tpu.memory_space<vmem>>, vector<4x1x5120xf32>,
    %div3A_78 = arith.constant 2.000000e+00 : f32
    %div3A_79 = vector.broadcast %div3A_78 : f32 to vector<4x1x5120xf32>
    %div3A_80 = arith.divf %mul3A_69, %div3A_79 : vector<4x1x5120xf32>
    %sub3A_81 = arith.subf %add3A_57, %div3A_80 : vector<4x1x5120xf32>
    %swap3A_82 = arith.constant 0 : index
    %swap3A_83 = arith.constant 1 : index
    %swap3A_84 = arith.constant 0 : index
    %swap3A_85 = vector.load %arg5[%swap3A_82, %swap3A_83, %swap3A_84] : memref<4x4x5120xf32, #tpu.memory_space<vmem>>, vector<4x1x5120xf32>
    tpu.vector_store %arg5[%swap3A_82, %swap3A_83, %swap3A_84], %sub3A_81 {strides = array<i32>} : memref<4x4x5120xf32, #tpu.memory_space<vmem>>, vector<4x1x5120xf32>,
    %div3A_86 = arith.constant 2.000000e+00 : f32
    %div3A_87 = vector.broadcast %div3A_86 : f32 to vector<4x1x5120xf32>
    %div3A_88 = arith.divf %mul3A_63, %div3A_87 : vector<4x1x5120xf32>
    %add3A_89 = arith.addf %add3A_50, %div3A_88 : vector<4x1x5120xf32>
    %swap3A_90 = arith.constant 0 : index
    %swap3A_91 = arith.constant 2 : index
    %swap3A_92 = arith.constant 0 : index
    %swap3A_93 = vector.load %arg5[%swap3A_90, %swap3A_91, %swap3A_92] : memref<4x4x5120xf32, #tpu.memory_space<vmem>>, vector<4x1x5120xf32>
    tpu.vector_store %arg5[%swap3A_90, %swap3A_91, %swap3A_92], %add3A_89 {strides = array<i32>} : memref<4x4x5120xf32, #tpu.memory_space<vmem>>, vector<4x1x5120xf32>,
    %div3A_94 = arith.constant 2.000000e+00 : f32
    %div3A_95 = vector.broadcast %div3A_94 : f32 to vector<4x1x5120xf32>
    %div3A_96 = arith.divf %mul3A_69, %div3A_95 : vector<4x1x5120xf32>
    %add3A_97 = arith.addf %add3A_57, %div3A_96 : vector<4x1x5120xf32>
    %swap3A_98 = arith.constant 0 : index
    %swap3A_99 = arith.constant 3 : index
    %swap3A_100 = arith.constant 0 : index
    %swap3A_101 = vector.load %arg5[%swap3A_98, %swap3A_99, %swap3A_100] : memref<4x4x5120xf32, #tpu.memory_space<vmem>>, vector<4x1x5120xf32>
    tpu.vector_store %arg5[%swap3A_98, %swap3A_99, %swap3A_100], %add3A_97 {strides = array<i32>} : memref<4x4x5120xf32, #tpu.memory_space<vmem>>, vector<4x1x5120xf32>,
    return
  }
  func.func @transform_0(%arg0: i32) -> (i32, i32, i32) {
    %c0_i32 = arith.constant 0 : i32
    %c0_i32_0 = arith.constant 0 : i32
    %c0_i32_1 = arith.constant 0 : i32
    %c0_i32_2 = arith.constant 0 : i32
    return %c0_i32, %c0_i32_0, %c0_i32_1 : i32, i32, i32
  }
  func.func @transform_1(%arg0: i32) -> (i32, i32, i32) {
    %c0_i32 = arith.constant 0 : i32
    %c0_i32_0 = arith.constant 0 : i32
    %c0_i32_1 = arith.constant 0 : i32
    %c0_i32_2 = arith.constant 0 : i32
    return %c0_i32, %c0_i32_0, %c0_i32_1 : i32, i32, i32
  }
  func.func @transform_2(%arg0: i32) -> (i32, i32) {
    %c0_i32 = arith.constant 0 : i32
    %c0_i32_0 = arith.constant 0 : i32
    %c0_i32_1 = arith.constant 0 : i32
    return %c0_i32, %c0_i32_0 : i32, i32
  }
  func.func @transform_3(%arg0: i32) -> (i32, i32, i32) {
    %c0_i32 = arith.constant 0 : i32
    %c0_i32_0 = arith.constant 0 : i32
    %c0_i32_1 = arith.constant 0 : i32
    %c0_i32_2 = arith.constant 0 : i32
    return %c0_i32, %c0_i32_0, %c0_i32_1 : i32, i32, i32
  }
  func.func @transform_4(%arg0: i32) -> (i32, i32, i32) {
    %c0_i32 = arith.constant 0 : i32
    %c0_i32_0 = arith.constant 0 : i32
    %c0_i32_1 = arith.constant 0 : i32
    %c0_i32_2 = arith.constant 0 : i32
    return %c0_i32, %c0_i32_0, %c0_i32_1 : i32, i32, i32
  }
}

</mosaic_0001>

<sc_bundles>
// kernel: kernel.4.cloned.1.call-start
scs
__scs_entry_jumppad:
0x0: {  	(pc) =	sbr.rel $0x88, $3  }
0x1: {  	(tag) =	ssettag $0x0;
	lr =	simm.s32 $0x1  }
0x2: {  	[smem:$0x3F9E] =	sst lr;
	_ =	strace $0xD0000000  }
0x3: {  	_ = 	snop  }
0x4: {  	_ = 	snop  }
0x5: {  	_ = 	snop  }
0x6: {  	_ = 	snop  }
0x7: {  	_ = 	snop  }
__scs_overlays_trampoline_lowered:
0x8: {  	[smem:$0x3FAD] =	sst s0  }
0x9: {  	[smem:$0x3FAE] =	sst s1  }
0xa: {  	[smem:$0x3FAF] =	sst s2  }
0xb: {  	[smem:$0x3FB0] =	sst s3  }
0xc: {  	[smem:$0x3FB1] =	sst s4  }
0xd: {  	[smem:$0x3FB2] =	sst s5  }
0xe: {  	[smem:$0x3FB3] =	sst s6  }
0xf: {  	[smem:$0x3FB4] =	sst s7  }
0x10: {  	[smem:$0x3FB5] =	sst s8  }
0x11: {  	[smem:$0x3FB6] =	sst s9;
	s0 =	simm.s32 @!p0 $0x0  }
0x12: {  	s1 =	sld [smem:$0x3F9C];
	s0 =	simm.s32 @p0 $0x1  }
0x13: {  	[smem:$0x3FB7] =	sst s0;
	s0 =	simm.s32 @!p1 $0x0  }
0x14: {  	s2 =	sld [smem:$0x3F9B];
	s0 =	simm.s32 @p1 $0x1  }
0x15: {  	[smem:$0x3FB8] =	sst s0;
	s0 =	simm.s32 @!p2 $0x0  }
0x16: {  	s3 =	sld [smem:$0x3FDB];
	s0 =	simm.s32 @p2 $0x1  }
0x17: {  	s4 =	simm.s32 $0x1BF5;
	[smem:$0x3FBA] =	sst s0  }
0x18: {  	s0 =	sld [smem:$0x3F9D];
	_ =	swait.ge [sflag:s4], $0x0  }
0x19: {  	s7 =	sld [smem:$0x3F9E]  }
0x1a: {  	s8 =	sadd.s32 $0xFFFFE003, lr  }
0x1b: {  	s9 =	sadd.s32 $0xFFFFFEF7, lr;
	s5 =	simm.s32 $0xFFFFFFFF;
	p2 =	slt.u32 s8, $0xFFFFF086  }
0x1c: {  	p1 =	slt.u32 s9, $0xF7A;
	s5 =	simm.s32 @!p2 $0x0  }
0x1d: {  	s5 =	simm.s32 @p1 $0x1;
	p0 =	seq.s32 s7, s2  }
0x1e: {  	s7 =	smul.u32 @!p0 $0xF7A, s2;
	p2 =	seq.s32 @!p0 s5, $0x0  }
0x1f: {  	s9 =	smul.u32 $0xF7A, s1;
	s8 =	simm.s32 @!p0 $0x1BF5;
	p2 =	por !p2, p0  }
0x20: {  	[sflag:s8] =	ssyncset.s32 @!p0 $0xFFFFF086;
	s6 =	sadd.s32 @!p0 s3, s7;
	s7 =	simm.s32 @!p0 $0x108  }
0x21: {  	s3 =	sadd.s32 s3, s9;
	s6 =	sadd.s32 @!p0 $0x88, s6;
	s7 =	simm.s32 @p2 $0x1082  }
0x22: {  	[simem:s7], [sflag:s8] =	dma.local @!p0 [hbm:s6], $0xF7A  }
0x23: {  	s9 =	sor.u32 $0xD0000000, s2;
	s6 =	simm.s32 $0x108;
	_ =	swait.ge @!p0 [sflag:s8], $0x0  }
0x24: {  	s3 =	sadd.s32 $0x88, s3;
	s6 =	simm.s32 @!p1 $0x1082;
	[sflag:s4] =	ssyncset.s32 $0xFFFFF086  }
0x25: {  	[simem:s6], [sflag:s4] =	dma.local [hbm:s3], $0xF7A  }
0x26: {  	[smem:$0x3F9E] =	sst s1;
	(tag) =	ssettag s2;
	_ =	strace s9  }
0x27: {  	s1 =	sld [smem:$0x3FAE]  }
0x28: {  	s2 =	sld [smem:$0x3FAF]  }
0x29: {  	s4 =	sld [smem:$0x3FB1]  }
0x2a: {  	p0 =	seq.s32 s5, $0x0;
	s5 =	sld [smem:$0x3FB2]  }
0x2b: {  	s6 =	sld [smem:$0x3FB3]  }
0x2c: {  	s7 =	sld [smem:$0x3FB4]  }
0x2d: {  	s3 =	simm.s32 $0x108;
	s8 =	sld [smem:$0x3FB5]  }
0x2e: {  	s3 =	simm.s32 @!p0 $0x1082;
	s9 =	sld [smem:$0x3FB6]  }
0x2f: {  	lr =	sadd.s32 s0, s3;
	s0 =	sld [smem:$0x3FAD]  }
0x30: {  	s3 =	sld [smem:$0x3FB0]  }
0x31: {  	[smem:$0x3FB9] =	sst s10  }
0x32: {  	s10 =	sld [smem:$0x3FB7];
	_ =	sdelay $0x3  }
0x33: {  	p0 =	seq.s32 s10, $0x1;
	s10 =	sld [smem:$0x3FB9];
	_ =	sdelay $0x3  }
0x34: {  	[smem:$0x3FB9] =	sst s10  }
0x35: {  	s10 =	sld [smem:$0x3FB8];
	_ =	sdelay $0x3  }
0x36: {  	p1 =	seq.s32 s10, $0x1;
	s10 =	sld [smem:$0x3FB9];
	_ =	sdelay $0x3  }
0x37: {  	[smem:$0x3FB9] =	sst s10  }
0x38: {  	s10 =	sld [smem:$0x3FBA]  }
0x39: {  	_ = 	snop;
	(pc) =	sbr.ind lr, $3  }
0x3a: {  	_ = 	snop  }
0x3b: {  	_ = 	snop  }
0x3c: {  	p2 =	seq.s32 s10, $0x1;
	s10 =	sld [smem:$0x3FB9]  }
0x3d: {  	_ =	shalt  }
0x3e: {  	_ =	shalt  }
0x3f: {  	_ =	shalt  }
0x40: {  	_ =	shalt  }
0x41: {  	_ =	shalt  }
0x42: {  	_ =	shalt  }
0x43: {  	_ =	shalt  }
0x44: {  	_ =	shalt  }
0x45: {  	_ =	shalt  }
0x46: {  	_ =	shalt  }
0x47: {  	_ =	shalt  }
0x48: {  	_ =	shalt  }
0x49: {  	_ =	shalt  }
0x4a: {  	_ =	shalt  }
0x4b: {  	_ =	shalt  }
0x4c: {  	_ =	shalt  }
0x4d: {  	_ =	shalt  }
0x4e: {  	_ =	shalt  }
0x4f: {  	_ =	shalt  }
0x50: {  	_ =	shalt  }
0x51: {  	_ =	shalt  }
0x52: {  	_ =	shalt  }
0x53: {  	_ =	shalt  }
0x54: {  	_ =	shalt  }
0x55: {  	_ =	shalt  }
0x56: {  	_ =	shalt  }
0x57: {  	_ =	shalt  }
0x58: {  	_ =	shalt  }
0x59: {  	_ =	shalt  }
0x5a: {  	_ =	shalt  }
0x5b: {  	_ =	shalt  }
0x5c: {  	_ =	shalt  }
0x5d: {  	_ =	shalt  }
0x5e: {  	_ =	shalt  }
0x5f: {  	_ =	shalt  }
0x60: {  	_ =	shalt  }
0x61: {  	_ =	shalt  }
0x62: {  	_ =	shalt  }
0x63: {  	_ =	shalt  }
0x64: {  	_ =	shalt  }
0x65: {  	_ =	shalt  }
0x66: {  	_ =	shalt  }
0x67: {  	_ =	shalt  }
0x68: {  	_ =	shalt  }
0x69: {  	_ =	shalt  }
0x6a: {  	_ =	shalt  }
0x6b: {  	_ =	shalt  }
0x6c: {  	_ =	shalt  }
0x6d: {  	_ =	shalt  }
0x6e: {  	_ =	shalt  }
0x6f: {  	_ =	shalt  }
0x70: {  	_ =	shalt  }
0x71: {  	_ =	shalt  }
0x72: {  	_ =	shalt  }
0x73: {  	_ =	shalt  }
0x74: {  	_ =	shalt  }
0x75: {  	_ =	shalt  }
0x76: {  	_ =	shalt  }
0x77: {  	_ =	shalt  }
0x78: {  	_ =	shalt  }
0x79: {  	_ =	shalt  }
0x7a: {  	_ =	shalt  }
0x7b: {  	_ =	shalt  }
0x7c: {  	_ =	shalt  }
0x7d: {  	_ =	shalt  }
0x7e: {  	_ =	shalt  }
0x7f: {  	_ =	shalt  }
0x80: {  	_ =	shalt  }
0x81: {  	_ =	shalt  }
0x82: {  	_ =	shalt  }
0x83: {  	_ =	shalt  }
0x84: {  	_ =	shalt  }
0x85: {  	_ =	shalt  }
0x86: {  	_ =	shalt  }
0x87: {  	_ =	shalt  }
.Lfunc_end0:
.L_simem_size_0:
called_computation_lowered:
.L_overlay_start_0:
0x88: {  	s2 =	sld [smem:$0x3FD9]  }
0x89: {  	s3 =	sld [smem:$0x3FFE];
	_ =	sdelay $0x1  }
0x8a: {  	s1 =	srdreg.scid  }
0x8b: {  	s0 =	sand.u32 $0x1, s1  }
0x8c: {  	s17 =	sshll.u32 s0, $0xA;
	s2 =	sadd.s32 s3, s2  }
0x8d: {  	s2 =	sadd.s32 s2, s17  }
0x8e: {  	[smem:$0x3FC5] =	sst s2  }
0x8f: {  	_ = 	snop  }
0x90: {  	s2 =	sld [smem:$0x3FD0];
	(tm) =	ssettm $0x1  }
0x91: {  	s18 =	sld [smem:$0x3FFB];
	_ =	sdelay $0x3  }
0x92: {  	_ =	strace s18  }
0x93: {  	s3 =	sld [smem:$0x3FFC];
	_ =	sdelay $0x3  }
0x94: {  	_ =	strace s3  }
0x95: {  	s3 =	sld [smem:$0x3FFD];
	_ =	sdelay $0x3  }
0x96: {  	_ =	strace s3  }
0x97: {  	_ =	strace $0x8FFFFFFF  }
0x98: {  	s19 =	sld [smem:$0x3FDB];
	_ =	sdelay $0x1  }
0x99: {  	s4 =	simm.s32 $_scs_section_size  }
0x9a: {  	s5 =	simm.s32 $_size__tile_overlayer_lowered;
	s6 =	simm.s32 $_tile_overlayer_lowered  }
0x9b: {  	s22 =	simm.s32 $0x1BFF;
	s21 =	sshll.u32 s6, $0x1;
	s3 =	sadd.s32 s4, s19  }
0x9c: {  	s7 =	simm.s32 $0x0;
	s20 =	sshll.u32 s5, $0x1;
	s5 =	sadd.s32 s21, s3  }
0x9d: {  	[timem:s7], [sflag:s22] =	dma.local [hbm:s5], s20  }
0x9e: {  	_ =	swait.ge [sflag:s22], s20  }
0x9f: {  	s4 =	ssub.s32 $0x0, s20;
	[sflag:s22] =	ssyncset.done $0x0  }
0xa0: {  	[sflag:s22] =	ssyncadd.s32 s4;
	_ =	sdelay $0x1  }
0xa1: {  	s23 =	simm.s32 $0x1B8B  }
0xa2: {  	_ =	swait.ge [sflag:s23], $0x1  }
0xa3: {  	[sflag:s23] =	ssyncset.done $0x0  }
0xa4: {  	s25 =	simm.s32 $0x1B8E;
	s24 =	sld [smem:$0x3FFE];
	[sflag:s23] =	ssyncadd.s32 $0xFFFFFFFF  }
0xa5: {  	s26 =	simm.s32 $execute0_lowered;
	[smem:$0x3FD2] =	sst s25  }
0xa6: {  	s5 =	sshll.u32 s26, $0x1;
	_ =	strace $0x80000046;
	[dreg:$0x1] =	wrdreg $0xFFFFFFFF  }
0xa7: {  	s28 =	simm.s32 $_size_execute0_lowered;
	s3 =	sadd.s32 s3, s5;
	[dreg:$0x0] =	wrdreg $0x0  }
0xa8: {  	s5 =	sshll.u32 s28, $0x1;
	[dreg:$0x2] =	wrdreg s3  }
0xa9: {  	[dreg:$0x3] =	wrdreg s5  }
0xaa: {  	[dreg:$0x4] =	wrdreg $0xC0  }
0xab: {  	_ =	task [dreg:s7], $0x5FFFF  }
0xac: {  	[dreg:$0x1] =	wrdreg $0xFFFFFFFF  }
0xad: {  	[dreg:$0x0] =	wrdreg $0x60  }
0xae: {  	[dreg:$0x2] =	wrdreg s24  }
0xaf: {  	[dreg:$0x3] =	wrdreg s2  }
0xb0: {  	[dreg:$0x4] =	wrdreg $0x9  }
0xb1: {  	_ =	task.clear_ibuf [dreg:s7], $0x5FFFF;
	_ =	strace $0x90000046  }
0xb2: {  	s29 =	simm.s32 $0x9;
	_ =	strace $0x80000048  }
0xb3: {  	_ =	swait.ge [sflag:s29], $0x1  }
0xb4: {  	[sflag:s29] =	ssyncadd.s32 $0xFFFFFFFF  }
0xb5: {  	_ =	strace $0x90000048  }
0xb6: {  	_ =	sfence  }
0xb7: {  	s30 =	sld [smem:$0x0];
	_ =	sdelay $0x2  }
0xb8: {  	s31 =	sshll.u32 s1, $0xD;
	s1 =	sshrl.u32 s1, $0x2  }
0xb9: {  	s3 =	sand.u32 $0x4000, s31;
	s1 =	sadd.s32 s1, s30  }
0xba: {  	s0 =	sor.u32 s3, s0;
	s1 =	sshll.u32 s1, $0x11  }
0xbb: {  	s0 =	sor.u32 s1, s0  }
0xbc: {  	s0 =	sadd.s32 $0x8F2B, s0  }
0xbd: {  	[sflag:s0] =	ssyncadd.remote.s32 $0x1  }
0xbe: {  	_ =	sfence.sel $0xFFFF  }
0xbf: {  	[dreg:$0x0] =	wrdreg $0xFFFFFFFF;
	(pc) =	sbr.abs _section_cstart, $3  }
0xc0: {  	[dreg:$0x1] =	wrdreg $0xFFFFFFFF  }
0xc1: {  	_ =	task.clear_ibuf [dreg:s7], $0x2FFFF;
	_ =	strace $0x9FFFFFFF  }
0xc2: {  	(tm) =	ssettm $0x7FFFFFFF  }
0xc3: {  	_ =	shalt  }
tec
execute0_lowered:
.L_overlay_start_1:
0x0: {  	(tag) =	ssettag $0x1  }
0x1: {  	s0 =	rddreg [dreg:$0x0]  }
0x2: {  	s5 =	stileid.u32;
	s1 =	srdreg.scid  }
0x3: {  	s7 =	simm.s32 $0x0;
	s12 =	simm.s32 $0x3C00;
	s11 =	simm.s32 $0x80  }
0x4: {  	s14 =	simm.s32 $0x400;
	s13 =	simm.s32 $0x1;
	s3 =	sshrl.u32 s5, $0x2  }
0x5: {  	s2 =	sshll.u32 s5, $0x1;
	s5 =	sand.u32 $0x3, s5;
	s4 =	smul.u32 $0xA00, s3  }
0x6: {  	s1 =	sand.u32 $0x1, s1;
	[smem:$0x7FF] =	sst s7;
	s5 =	smul.u32 $0x28, s5  }
0x7: {  	s8 =	sadd.s32 $0xA00, s0;
	s2 =	sand.u32 $0x6, s2;
	s9 =	smul.u32 $0x1E000, s3  }
0x8: {  	_ =	strace $0x80000047;
	s6 =	ssub.s32 $0x2, s1;
	s31 =	smul.u32 $0x14, s3  }
0x9: {  	[dreg:$0x3] =	wrdreg s8;
	s2 =	sor.u32 s1, s2;
	s1 =	smul.u32 $0x14, s1  }
0xa: {  	s28 =	sshrl.u32 s6, $0x1;
	s2 =	smul.u32 $0x14, s2;
	[dreg:$0x7] =	wrdreg s31  }
0xb: {  	s0 =	sadd.s32 s4, s0;
	s4 =	ssub.s32 s6, s28;
	[dreg:$0x6] =	wrdreg s9  }
0xc: {  	s1 =	sadd.s32 s1, s5;
	s5 =	sadd.s32 $0xFA00, s0;
	s29 =	sadd.s32 $0x14, s2  }
0xd: {  	s2 =	sshrl.u32 s2, $0x3;
	s1 =	sshll.u32 s1, $0x4;
	[dreg:$0x5] =	wrdreg s5  }
.Ltmp0:
0xe: {  	s6 =	sshrl.u32 s29, $0x3;
	s30 =	sand.u32 $0xF80, s1;
	(pc) =	sbr.rel .LBB2_1-.Ltmp0, $4  }
0xf: {  	s1 =	smax.u32 s4, $0x1;
	[dreg:$0x4] =	wrdreg s2;
	p1 =	sge.u32 s2, s6  }
0x10: {  	s10 =	sadd.s32 $0x80, s30;
	[dreg:$0x8] =	wrdreg s1;
	s2 =	simm.s32 @!p1 $0x0  }
0x11: {  	s16 =	simm.s32 $0x2;
	v0 =	vimm.f32 $0.0e+00;
	[dreg:$0x9] =	wrdreg s10;
	s2 =	simm.s32 @p1 $0x1  }
0x12: {  	v1 =	vimm.f32 $-1.000000000e+00;
	v2 =	vimm.s32 $0x0;
	v3 =	vlaneseq.u32;
	s21 =	simm.s32 $0x3;
	s0 =	simm.s32 $0x0;
	[smem:$0x7FD] =	sst s2  }
.LBB2_44:
0x13: {  	_ =	swait.ge [sflag:s13], $0x5000  }
0x14: {  	[sflag:s13] =	ssyncset.done $0x0  }
0x15: {  	[sflag:s13] =	ssyncadd.s32 $0xFFFFB000  }
.LBB2_45:
0x16: {  	s0 =	sadd.s32 $0x1, s0  }
0x17: {  	p0 =	sne.s32 s0, s1  }
.Ltmp1:
0x18: {  	_ = 	snop;
	(pc) =	sbr.rel @!p0 .LBB2_46-.Ltmp1, $1  }
0x19: {  	_ =	sdelay $0x3  }
.LBB2_1:
.Ltmp2:
0x1a: {  	(pc) =	sbr.rel @p1 .LBB2_44-.Ltmp2, $2  }
0x1b: {  	_ =	sdelay $0x2  }
0x1c: {  	[tilespmem:s12], [sflag:$0x1] =	stream.linear.gather [hbm4b:s5+s7], $0x5000, $0x38;
	[tilespmem:$0x12180] =	vst v63  }
0x1d: {  	s31 =	rddreg [dreg:$0x4]  }
0x1e: {  	[dreg:$0xa] =	wrdreg s0;
	s0 =	sadd.s32 $0x1, s31  }
0x1f: {  	p1 =	slt.u32 s0, s6  }
.Ltmp3:
0x20: {  	_ = 	snop;
	(pc) =	sbr.rel @!p1 .LBB2_3-.Ltmp3, $3  }
0x21: {  	s1 =	sshrl.u32 s0, $0x3  }
0x22: {  	s1 =	smul.u32 $0xA000, s1;
	_ =	sdelay $0x1  }
0x23: {  	s4 =	sand.u32 $0x380, s10;
	p0 =	por $0x0, $0x0;
	s3 =	sadd.s32 s9, s1  }
0x24: {  	s0 =	sadd.s32 $0x1, s0  }
0x25: {  	p1 =	slt.u32 s0, s6  }
.Ltmp4:
0x26: {  	s1 =	sor.u32 s4, s3;
	(pc) =	sbr.rel @!p1 .LBB2_5-.Ltmp4, $4  }
0x27: {  	p0 =	por $0x1, $0x1;
	s2 =	sshrl.u32 s0, $0x3;
	s1 =	sshrl.u32 s1, $0x3  }
0x28: {  	s31 =	smul.u32 $0xA000, s2;
	s1 =	sadd.s32 s8, s1;
	s2 =	sadd.s32 $0x80, s10  }
0x29: {  	[tilespmem:s7], [sflag:$0x2] =	stream.strided.gather [hbm4b:s1+s11], $0x1400, s14, s11, $0x38;
	[tilespmem:$0x12180] =	vst v63  }
0x2a: {  	s4 =	sand.u32 $0x380, s2;
	s1 =	simm.s32 $0x0;
	s3 =	sadd.s32 s9, s31  }
.LBB2_6:
0x2b: {  	s0 =	sadd.s32 $0x1, s0  }
0x2c: {  	s3 =	sor.u32 s4, s3;
	p1 =	slt.u32 s0, s6  }
.Ltmp5:
0x2d: {  	s4 =	sshrl.u32 s0, $0x3;
	s3 =	sshrl.u32 s3, $0x3;
	(pc) =	sbr.rel @p1 .LBB2_6-.Ltmp5, $4  }
0x2e: {  	s1 =	sadd.s32 $0x1400, s1;
	s4 =	smul.u32 $0xA000, s4;
	s3 =	sadd.s32 s8, s3  }
0x2f: {  	[tilespmem:s1], [sflag:$0x2] =	stream.strided.gather [hbm4b:s3+s11], $0x1400, s14, s11, $0x38;
	[tilespmem:$0x12180] =	vst v63  }
0x30: {  	s2 =	sadd.s32 $0x80, s2  }
0x31: {  	s3 =	sadd.s32 s9, s4;
	s4 =	sand.u32 $0x380, s2  }
.LBB2_7:
0x32: {  	s0 =	sor.u32 s4, s3  }
0x33: {  	s1 =	sadd.s32 @p0 $0x1400, s1;
	s2 =	simm.s32 $0x0;
	s0 =	sshrl.u32 s0, $0x3  }
0x34: {  	s2 =	smov.u32 @p0 s1;
	s0 =	sadd.s32 s8, s0  }
0x35: {  	[tilespmem:s2], [sflag:$0x2] =	stream.strided.gather [hbm4b:s0+s11], $0x1400, s14, s11, $0x38;
	[tilespmem:$0x12180] =	vst v63  }
0x36: {  	_ =	swait.ge [sflag:s13], $0x5000  }
0x37: {  	s31 =	rddreg [dreg:$0x4]  }
0x38: {  	s0 =	sadd.s32 $0x1, s31  }
0x39: {  	p0 =	slt.u32 s0, s6  }
.Ltmp6:
0x3a: {  	_ = 	snop;
	(pc) =	sbr.rel @!p0 .LBB2_9-.Ltmp6, $4  }
0x3b: {  	[sflag:s13] =	ssyncset.done $0x0  }
0x3c: {  	[sflag:s13] =	ssyncadd.s32 $0xFFFFB000  }
0x3d: {  	_ =	swait.ge [sflag:s16], $0x1400  }
0x3e: {  	[sflag:s16] =	ssyncset.done $0x0  }
.LBB2_8:
0x3f: {  	s0 =	sadd.s32 $0x1, s0  }
0x40: {  	[sflag:s16] =	ssyncadd.s32 $0xFFFFEC00;
	p0 =	slt.u32 s0, s6  }
.Ltmp7:
0x41: {  	(pc) =	sbr.rel @p0 .LBB2_8-.Ltmp7, $3  }
0x42: {  	_ =	sdelay $0x1  }
0x43: {  	_ =	swait.ge [sflag:s16], $0x1400  }
0x44: {  	[sflag:s16] =	ssyncset.done $0x0  }
.LBB2_9:
.Ltmp8:
0x45: {  	(pc) =	sbr.rel .LBB2_10-.Ltmp8, $2  }
0x46: {  	_ =	sdelay $0x2  }
0x47: {  	[sflag:s16] =	ssyncadd.s32 $0xFFFFEC00;
	s24 =	simm.s32 $0x0;
	s2 =	rddreg [dreg:$0x4]  }
.LBB2_24:
0x48: {  	s0 =	rddreg [dreg:$0x7]  }
0x49: {  	s2 =	rddreg [dreg:$0xb]  }
0x4a: {  	s0 =	sadd.s32 s0, s2;
	s2 =	sadd.s32 $0x1, s2  }
0x4b: {  	s1 =	sshll.u32 s0, $0x9;
	s0 =	sshll.u32 s0, $0x7;
	p0 =	slt.u32 s2, s6  }
.Ltmp9:
0x4c: {  	s1 =	sand.u32 $0x7FFFF000, s1;
	s0 =	sand.u32 $0x380, s0;
	(pc) =	sbr.rel @!p0 .LBB2_25-.Ltmp9, $4  }
0x4d: {  	s0 =	sor.u32 s0, s1  }
0x4e: {  	s30 =	rddreg [dreg:$0x1];
	s11 =	simm.s32 $0x80;
	s0 =	sshrl.u32 s0, $0x3  }
0x4f: {  	s31 =	rddreg [dreg:$0xc];
	s24 =	sadd.s32 $0x1400, s24;
	s0 =	sadd.s32 s30, s0  }
0x50: {  	[hbm4b:s0+s11] =	stream.strided.scatter [tilespmem:s31], [sflag:$0x3], $0x200, s14, s11, $0x38;
	[tilespmem:$0x12180] =	vst v63  }
.LBB2_10:
0x51: {  	s0 =	rddreg [dreg:$0x4]  }
0x52: {  	s0 =	ssub.s32 s2, s0  }
0x53: {  	s0 =	sshll.u32 s0, $0x9  }
0x54: {  	s0 =	sand.u32 $0x3FFFFE00, s0  }
0x55: {  	[tilespmem:s0+$0x11B80] =	vst v0  }
0x56: {  	[tilespmem:s0+$0x11B90] =	vst v0  }
0x57: {  	[tilespmem:s0+$0x11BA0] =	vst v0  }
0x58: {  	[tilespmem:s0+$0x11BB0] =	vst v0  }
0x59: {  	[tilespmem:s0+$0x11BC0] =	vst v0  }
0x5a: {  	[tilespmem:s0+$0x11BD0] =	vst v0  }
0x5b: {  	[tilespmem:s0+$0x11BE0] =	vst v0  }
0x5c: {  	[tilespmem:s0+$0x11BF0] =	vst v0  }
0x5d: {  	[tilespmem:s0+$0x11C00] =	vst v0  }
0x5e: {  	[tilespmem:s0+$0x11C10] =	vst v0  }
0x5f: {  	[tilespmem:s0+$0x11C20] =	vst v0  }
0x60: {  	[tilespmem:s0+$0x11C30] =	vst v0  }
0x61: {  	[tilespmem:s0+$0x11C40] =	vst v0  }
0x62: {  	[tilespmem:s0+$0x11C50] =	vst v0  }
0x63: {  	[tilespmem:s0+$0x11C60] =	vst v0  }
0x64: {  	[tilespmem:s0+$0x11C70] =	vst v0  }
0x65: {  	[tilespmem:s0+$0x11C80] =	vst v0  }
0x66: {  	[tilespmem:s0+$0x11C90] =	vst v0  }
0x67: {  	[tilespmem:s0+$0x11CA0] =	vst v0  }
0x68: {  	[tilespmem:s0+$0x11CB0] =	vst v0  }
0x69: {  	[tilespmem:s0+$0x11CC0] =	vst v0  }
0x6a: {  	[tilespmem:s0+$0x11CD0] =	vst v0  }
0x6b: {  	[tilespmem:s0+$0x11CE0] =	vst v0  }
0x6c: {  	[tilespmem:s0+$0x11CF0] =	vst v0  }
0x6d: {  	[tilespmem:s0+$0x11D00] =	vst v0  }
0x6e: {  	[tilespmem:s0+$0x11D10] =	vst v0  }
0x6f: {  	[tilespmem:s0+$0x11D20] =	vst v0  }
0x70: {  	[tilespmem:s0+$0x11D30] =	vst v0  }
0x71: {  	[tilespmem:s0+$0x11D40] =	vst v0  }
0x72: {  	s1 =	sadd.s32 $0x0, s24;
	s17 =	simm.s32 $0x0;
	[tilespmem:s0+$0x11D50] =	vst v0  }
0x73: {  	s5 =	simm.s32 $0x10;
	s3 =	sand.u32 $0x40, s17;
	s1 =	sand.u32 $0x7FFFFF80, s1;
	[tilespmem:s0+$0x11D60] =	vst v0  }
0x74: {  	[dreg:$0xb] =	wrdreg s2;
	s7 =	sand.u32 $0x50, s5;
	s4 =	sor.u32 s3, s1;
	[tilespmem:s0+$0x11D70] =	vst v0  }
0x75: {  	s2 =	simm.s32 $0x20;
	s22 =	sadd.s32 s7, s1;
	v19 =	vld [tilespmem:s4+$0x0]  }
0x76: {  	s23 =	sand.u32 $0x60, s2;
	v15 =	vld [tilespmem:s22+$0x0]  }
0x77: {  	s3 =	simm.s32 $0x30;
	s25 =	sadd.s32 s23, s1  }
0x78: {  	s26 =	sand.u32 $0x70, s3;
	v12 =	vld [tilespmem:s25+$0x0]  }
0x79: {  	s1 =	sadd.s32 s26, s1  }
0x7a: {  	v10 =	vld [tilespmem:s1+$0x0];
	vm0 =	vgt.f32 v19, $0.0e+00  }
0x7b: {  	s28 =	simm.s32 $0x40;
	s4 =	sadd.s32 $0x40, s24;
	v4 =	vmpcnt.ones.xlane vm0;
	vm0 =	vgt.f32 v15, $0.0e+00  }
0x7c: {  	s7 =	sand.u32 $0x40, s28;
	s1 =	sand.u32 $0x7FFFFF80, s4;
	v5 =	vmpcnt.ones.xlane vm0  }
0x7d: {  	s4 =	sor.u32 s7, s1;
	vm0 =	vgt.f32 v12, $0.0e+00;
	(v2sf) =	vpush v4, $0x0  }
0x7e: {  	v13 =	vld [tilespmem:s4+$0x0];
	v6 =	vmpcnt.ones.xlane vm0;
	(v2sf) =	vpush v5, $0x0  }
0x7f: {  	vm0 =	vgt.f32 v10, $0.0e+00  }
0x80: {  	v4 =	vmpcnt.ones.xlane vm0;
	(v2sf) =	vpush v6, $0x0;
	_ =	sdelay $0x1  }
0x81: {  	s25 =	simm.s32 $0x50;
	(v2sf) =	vpush v4, $0x0  }
0x82: {  	s19 =	simm.s32 $0x60;
	s8 =	sand.u32 $0x50, s25;
	vm0 =	vgt.f32 v13, $0.0e+00  }
0x83: {  	s20 =	simm.s32 $0x70;
	s10 =	sand.u32 $0x60, s19;
	s9 =	sadd.s32 s8, s1;
	v5 =	vmpcnt.ones.xlane vm0  }
0x84: {  	s13 =	sand.u32 $0x70, s20;
	s11 =	sadd.s32 s10, s1;
	v11 =	vld [tilespmem:s9+$0x0]  }
0x85: {  	s1 =	sadd.s32 s13, s1;
	v6 =	vld [tilespmem:s11+$0x0];
	(v2sf) =	vpush v5, $0x0  }
0x86: {  	v4 =	vld [tilespmem:s1+$0x0];
	_ =	sdelay $0x2  }
0x87: {  	vm0 =	vgt.f32 v11, $0.0e+00  }
0x88: {  	s0 =	sadd.s32 $0x11B80, s0;
	s22 =	sadd.s32 $0x80, s24;
	s10 =	simm.s32 $0x80;
	v7 =	vmpcnt.ones.xlane vm0;
	vm0 =	vgt.f32 v6, $0.0e+00  }
0x89: {  	s7 =	simm.s32 $0x90;
	s13 =	sand.u32 $0x40, s10;
	v8 =	vmpcnt.ones.xlane vm0;
	vm0 =	vgt.f32 v4, $0.0e+00;
	s14 =	spop (v2sf)  }
0x8a: {  	[dreg:$0xc] =	wrdreg s0;
	s1 =	simm.s32 $0xA0;
	v5 =	vmpcnt.ones.xlane vm0;
	s15 =	spop (v2sf);
	(v2sf) =	vpush v7, $0x0  }
0x8b: {  	s26 =	sand.u32 $0x60, s1;
	p3 =	slt.s32 s14, $0x1;
	s8 =	sadd.s32 $0x0, s14;
	(v2sf) =	vpush v8, $0x0  }
0x8c: {  	s14 =	sand.u32 $0x7FFFFF80, s22;
	s18 =	spop (v2sf);
	vm0 =	vgt.f32 @!p3 v19, $0.0e+00;
	p2 =	slt.s32 s15, $0x1;
	v7 =	vimm.s32 @!p3 $0x0;
	(v2sf) =	vpush v5, $0x0  }
0x8d: {  	s0 =	sadd.s32 s8, s15;
	s13 =	sor.u32 s13, s14;
	vm1 =	vgt.f32 @!p2 v15, $0.0e+00;
	p0 =	slt.s32 s18, $0x1;
	v5 =	vimm.s32 @!p2 $0x0;
	v7 =	vsel @!p3 vm0, $0x1, v7  }
0x8e: {  	s15 =	sand.u32 $0x50, s7;
	p4 =	por p3, p3;
	s9 =	spop (v2sf);
	vm2 =	vgt.f32 @!p0 v12, $0.0e+00;
	v5 =	vsel @!p2 vm1, $0x1, v5;
	v8 =	vimm.s32 @!p0 $0x0;
	(xrf0) =	vadd.scan.msk.s32 @!p3 $0xffff, v7  }
0x8f: {  	s11 =	sadd.s32 s0, s18;
	s23 =	sadd.s32 s15, s14;
	s18 =	sadd.s32 s26, s14;
	v7 =	vsel @!p0 vm2, $0x1, v8;
	(xrf0) =	vadd.scan.msk.s32 @!p2 $0xffff, v5  }
0x90: {  	v9 =	vld [tilespmem:s13+$0x0];
	s8 =	sadd.s32 @!p2 $0xFFFFFFFF, s8;
	s13 =	simm.s32 @!p3 $0xA080;
	p1 =	slt.s32 s9, $0x1;
	v14 =	vlaneseq.u32 @!p0;
	(xrf0) =	vadd.scan.msk.s32 @!p0 $0xffff, v7  }
0x91: {  	s4 =	sadd.s32 @!p0 $0xFFFFFFFF, s0;
	s0 =	simm.s32 $0xB0;
	s9 =	sadd.s32 s11, s9;
	vm3 =	vgt.f32 @!p1 v10, $0.0e+00;
	v17 =	vlaneseq.u32 @!p1;
	v7 =	vlaneseq.u32 @!p3  }
0x92: {  	s26 =	spop (v2sf);
	v8 =	vimm.s32 @!p1 $0x0;
	s22 =	sand.u32 $0x70, s0;
	v16 =	vor.u32 @!p0 s2, v14;
	s2 =	simm.s32 @!p4 $0x0;
	v20 =	vor.u32 @!p3 s17, v7;
	v7 =	vld [tilespmem:s23+$0x0]  }
0x93: {  	s11 =	sadd.s32 @!p1 $0xFFFFFFFF, s11;
	s15 =	simm.s32 @!p1 $0x8C00;
	v5 =	vsel @!p1 vm3, $0x1, v8;
	v8 =	vld [tilespmem:s18+$0x0];
	s2 =	simm.s32 @p4 $0x1  }
0x94: {  	vm6 =	vmmov vm0;
	v14 =	vor.u32 @!p1 s3, v17;
	(xrf0) =	vadd.scan.msk.s32 @!p1 $0xffff, v5;
	v5 =	vlaneseq.u32 @!p2;
	s17 =	simm.s32 @!p3 $0xFFFFFFFF;
	s23 =	sadd.s32 s22, s14;
	[smem:$0x7FC] =	sst s2;
	v17, _, _ =	vpop @!p3 (xrf0)  }
0x95: {  	vm4 =	vmmov vm1;
	p6 =	slt.s32 s26, $0x1;
	s22 =	simm.s32 @!p0 $0x8C00;
	v21 =	vor.u32 @!p2 s5, v5;
	v5 =	vld [tilespmem:s23+$0x0];
	p3 =	por p2, p2;
	v22 =	vadd.s32 @!p4 s17, v17;
	v17, _, _ =	vpop @!p2 (xrf0)  }
0x96: {  	vm1 =	vmmov vm2;
	s5 =	simm.s32 @!p4 $0x8C00;
	s23 =	simm.s32 @!p0 $0xA080;
	vm2 =	vgt.f32 v9, $0.0e+00;
	p4 =	por p0, p0;
	v23 =	vadd.s32 @!p3 s8, v17;
	v17, _, _ =	vpop @!p0 (xrf0)  }
0x97: {  	v24 =	vmpcnt.ones.xlane vm2;
	vm2 =	vgt.f32 v7, $0.0e+00;
	v18 =	vadd.s32 @!p0 s4, v17;
	p0 =	por p1, p1;
	s4 =	sadd.s32 s9, s26;
	s26 =	sld [smem:$0x7FC]  }
0x98: {  	s3 =	simm.s32 $0xC0;
	s30 =	simm.s32 @!p6 $0xA080;
	v25 =	vmpcnt.ones.xlane vm2;
	vm2 =	vgt.f32 v8, $0.0e+00;
	s8 =	simm.s32 @!p0 $0x0  }
0x99: {  	vm0 =	vmmov vm3;
	s2 =	simm.s32 @!p1 $0xA080;
	s14 =	simm.s32 @!p3 $0xA080;
	(v2sf) =	vpush v24, $0x0;
	v26 =	vmpcnt.ones.xlane vm2;
	s8 =	simm.s32 @p0 $0x1  }
0x9a: {  	vm3 =	vgt.f32 @!p6 v13, $0.0e+00;
	v17, _, _ =	vpop @!p1 (xrf0);
	vm2 =	vgt.f32 v5, $0.0e+00;
	[smem:$0x7FB] =	sst s8;
	s17 =	spop (v2sf);
	(v2sf) =	vpush v25, $0x0;
	p0 =	seq.s32 s26, $0x1  }
0x9b: {  	s18 =	simm.s32 @!p3 $0x8C00;
	v17 =	vadd.s32 @!p1 s11, v17;
	v24 =	vmpcnt.ones.xlane vm2;
	p5 =	slt.s32 s17, $0x1;
	s11 =	spop (v2sf);
	[tilespmem:v22+s13+$0x0] =	vst.idx.msk @!p0 vm6, v19;
	(v2sf) =	vpush v26, $0x0  }
0x9c: {  	s8 =	sadd.s32 s4, s17;
	v19 =	vimm.s32 @!p6 $0x0;
	s17 =	sadd.s32 @!p6 $0xFFFFFFFF, s9;
	s13 =	sand.u32 $0x40, s3;
	vm5 =	vgt.f32 @!p5 v11, $0.0e+00;
	[tilespmem:v22+s5+$0x0] =	vst.idx.msk @!p0 vm6, v20;
	v20 =	vimm.s32 @!p5 $0x0  }
0x9d: {  	[tilespmem:v23+s14+$0x0] =	vst.idx.msk @!p3 vm4, v15;
	s9 =	simm.s32 $0xD0;
	p2 =	slt.s32 s11, $0x1;
	s26 =	spop (v2sf);
	v19 =	vsel @!p6 vm3, $0x1, v19;
	v22 =	vlaneseq.u32 @!p5;
	(v2sf) =	vpush v24, $0x0  }
0x9e: {  	s11 =	sadd.s32 s8, s11;
	s31 =	sadd.s32 @!p5 $0xFFFFFFFF, s4;
	[tilespmem:v23+s18+$0x0] =	vst.idx.msk @!p3 vm4, v21;
	vm2 =	vgt.f32 @!p2 v6, $0.0e+00;
	p1 =	slt.s32 s26, $0x1;
	v15 =	vimm.s32 @!p2 $0x0;
	v20 =	vsel @!p5 vm5, $0x1, v20  }
0x9f: {  	s5 =	sadd.s32 s11, s26;
	(xrf0) =	vadd.scan.msk.s32 @!p6 $0xffff, v19;
	v19 =	vlaneseq.u32 @!p6;
	s26 =	sadd.s32 @!p1 $0xFFFFFFFF, s11;
	v15 =	vsel @!p2 vm2, $0x1, v15;
	s11 =	sadd.s32 $0xC0, s24;
	vm4 =	vgt.f32 @!p1 v4, $0.0e+00  }
0xa0: {  	s18 =	sand.u32 $0x50, s9;
	s29 =	sadd.s32 @!p2 $0xFFFFFFFF, s8;
	v21 =	vimm.s32 @!p1 $0x0;
	(xrf0) =	vadd.scan.msk.s32 @!p5 $0xffff, v20;
	v23 =	vor.u32 @!p6 s28, v19;
	v20 =	vor.u32 @!p5 s25, v22;
	s14 =	sand.u32 $0x7FFFFF80, s11  }
0xa1: {  	s28 =	simm.s32 $0xF0;
	v19 =	vlaneseq.u32 @!p2;
	v22 =	vlaneseq.u32 @!p1;
	s11 =	simm.s32 $0xE0;
	v21 =	vsel @!p1 vm4, $0x1, v21;
	(xrf0) =	vadd.scan.msk.s32 @!p2 $0xffff, v15;
	s4 =	sor.u32 s13, s14  }
0xa2: {  	s25 =	simm.s32 $0x100;
	v25 =	vor.u32 @!p2 s19, v19;
	v24 =	vor.u32 @!p1 s20, v22;
	s8 =	sand.u32 $0x60, s11;
	(xrf0) =	vadd.scan.msk.s32 @!p1 $0xffff, v21;
	v15 =	vld [tilespmem:s4+$0x0];
	s4 =	sadd.s32 s18, s14  }
.LBB2_11:
0xa3: {  	s19 =	sand.u32 $0x70, s28  }
0xa4: {  	s20 =	sadd.s32 s19, s14;
	s19 =	sld [smem:$0x7FB];
	_ =	sdelay $0x1  }
0xa5: {  	v19 =	vld [tilespmem:s4+$0x0];
	s8 =	sadd.s32 s8, s14;
	[tilespmem:v18+s23+$0x0] =	vst.idx.msk @!p4 vm1, v12  }
0xa6: {  	p0 =	slt.u32 s25, $0x13C0;
	v12 =	vmov v6;
	v6 =	vmov v8;
	p3 =	por p6, p6;
	v8 =	vld [tilespmem:s8+$0x0];
	[tilespmem:v18+s22+$0x0] =	vst.idx.msk @!p4 vm1, v16;
	v18, _, _ =	vpop @!p6 (xrf0);
	p4 =	seq.s32 s19, $0x1  }
0xa7: {  	s18 =	smov.u32 s7;
	s7 =	smov.u32 s9;
	s13 =	simm.s32 @!p0 $0x0;
	v21 =	vadd.s32 @!p3 s17, v18;
	v18, _, _ =	vpop @!p5 (xrf0);
	[tilespmem:v17+s2+$0x0] =	vst.idx.msk @!p4 vm0, v10  }
0xa8: {  	s23 =	simm.s32 @!p2 $0xA080;
	s13 =	simm.s32 @p0 $0x1;
	p0 =	por p5, p5;
	v10 =	vmov v4;
	v4 =	vmov v5;
	v5 =	vld [tilespmem:s20+$0x0];
	[tilespmem:v17+s15+$0x0] =	vst.idx.msk @!p4 vm0, v14;
	v17, _, _ =	vpop @!p2 (xrf0)  }
0xa9: {  	vm7 =	vmmov vm3;
	s22 =	simm.s32 @!p2 $0x8C00;
	v22 =	vadd.s32 @!p0 s31, v18;
	p4 =	por p2, p2;
	v18 =	vadd.s32 @!p2 s29, v17;
	p2 =	por p1, p1  }
0xaa: {  	vm6 =	vmmov vm5;
	vm1 =	vmmov vm2;
	[smem:$0x7FA] =	sst s13;
	s19 =	smov.u32 s1;
	vm2 =	vgt.f32 v15, $0.0e+00;
	s17 =	simm.s32 @!p2 $0x0  }
0xab: {  	s1 =	smov.u32 s11;
	s11 =	spop (v2sf);
	v14 =	vmov v24;
	v24 =	vmpcnt.ones.xlane vm2;
	vm2 =	vgt.f32 v19, $0.0e+00;
	v17, _, _ =	vpop @!p1 (xrf0);
	s17 =	simm.s32 @p2 $0x1  }
0xac: {  	v16 =	vmovc v25;
	s13 =	smov.u32 s5;
	v25 =	vmpcnt.ones.xlane vm2;
	vm2 =	vgt.f32 v8, $0.0e+00;
	v17 =	vadd.s32 @!p1 s26, v17;
	[smem:$0x7FB] =	sst s17;
	s17 =	spop (v2sf)  }
0xad: {  	p6 =	slt.s32 s11, $0x1;
	s11 =	sadd.s32 s5, s11;
	v26 =	vmpcnt.ones.xlane vm2;
	(v2sf) =	vpush v24, $0x0;
	vm2 =	vgt.f32 v5, $0.0e+00;
	s26 =	spop (v2sf)  }
0xae: {  	(v2sf) =	vpush v25, $0x0;
	p5 =	slt.s32 s17, $0x1;
	s5 =	sadd.s32 s11, s17;
	v24 =	vmpcnt.ones.xlane vm2;
	s17 =	spop (v2sf)  }
0xaf: {  	s2 =	simm.s32 @!p1 $0xA080;
	s15 =	simm.s32 @!p1 $0x8C00;
	(v2sf) =	vpush v26, $0x0;
	p1 =	slt.s32 s17, $0x1  }
0xb0: {  	s4 =	smov.u32 s10;
	s10 =	smov.u32 s3;
	s20 =	smov.u32 s0;
	(v2sf) =	vpush v24, $0x0;
	v24 =	vlaneseq.u32 @!p1  }
0xb1: {  	s3 =	smov.u32 s25;
	s8 =	simm.s32 @!p3 $0x8C00;
	[tilespmem:v21+s30+$0x0] =	vst.idx.msk @!p3 vm7, v13;
	v24 =	vor.u32 @!p1 s20, v24;
	s20 =	sld [smem:$0x7FA]  }
0xb2: {  	s14 =	simm.s32 @!p0 $0xA080;
	s9 =	simm.s32 @!p0 $0x8C00;
	s0 =	smov.u32 s28;
	[tilespmem:v21+s8+$0x0] =	vst.idx.msk @!p3 vm7, v23  }
0xb3: {  	vm3 =	vgt.f32 @!p6 v9, $0.0e+00;
	s28 =	sadd.s32 $0x30, s25;
	v13 =	vmovc v9;
	v9 =	vmov v15;
	v15 =	vimm.s32 @!p6 $0x0;
	s30 =	simm.s32 @!p6 $0xA080;
	[tilespmem:v22+s14+$0x0] =	vst.idx.msk @!p0 vm6, v11;
	s14 =	sadd.s32 s25, s24  }
0xb4: {  	vm0 =	vmmov vm4;
	v15 =	vsel @!p6 vm3, $0x1, v15;
	[tilespmem:v22+s9+$0x0] =	vst.idx.msk @!p0 vm6, v20;
	s14 =	sand.u32 $0x7FFFFF80, s14;
	s9 =	sadd.s32 $0x10, s25;
	p0 =	seq.s32 s20, $0x1  }
.Ltmp10:
0xb5: {  	(xrf0) =	vadd.scan.msk.s32 @!p6 $0xffff, v15;
	v15 =	vlaneseq.u32 @!p6;
	vm5 =	vgt.f32 @!p5 v7, $0.0e+00;
	p2 =	slt.s32 s26, $0x1;
	s26 =	sadd.s32 s5, s26;
	v21 =	vimm.s32 @!p5 $0x0;
	(pc) =	sbr.rel @p0 .LBB2_11-.Ltmp10, $4  }
0xb6: {  	v11 =	vmovc v7;
	v7 =	vmovc v19;
	s31 =	sadd.s32 @!p5 $0xFFFFFFFF, s11;
	s11 =	sadd.s32 $0x20, s25;
	vm2 =	vgt.f32 @!p2 v6, $0.0e+00;
	s29 =	sadd.s32 @!p2 $0xFFFFFFFF, s5;
	v19 =	vsel @!p5 vm5, $0x1, v21;
	v21 =	vimm.s32 @!p2 $0x0  }
0xb7: {  	s5 =	sadd.s32 s26, s17;
	s17 =	sadd.s32 @!p6 $0xFFFFFFFF, s13;
	s13 =	sand.u32 $0x40, s25;
	v20 =	vsel @!p2 vm2, $0x1, v21;
	vm4 =	vgt.f32 @!p1 v4, $0.0e+00;
	v21 =	vimm.s32 @!p1 $0x0;
	(xrf0) =	vadd.scan.msk.s32 @!p5 $0xffff, v19  }
0xb8: {  	v22 =	vlaneseq.u32 @!p5;
	s25 =	sadd.s32 $0x40, s25;
	s8 =	sor.u32 s13, s14;
	s13 =	sand.u32 $0x50, s9;
	v19 =	vlaneseq.u32 @!p2;
	v21 =	vsel @!p1 vm4, $0x1, v21;
	(xrf0) =	vadd.scan.msk.s32 @!p2 $0xffff, v20  }
0xb9: {  	v23 =	vor.u32 @!p6 s4, v15;
	s26 =	sadd.s32 @!p1 $0xFFFFFFFF, s26;
	v15 =	vld [tilespmem:s8+$0x0];
	s4 =	sadd.s32 s13, s14;
	s8 =	sand.u32 $0x60, s11;
	v20 =	vor.u32 @!p5 s18, v22;
	v25 =	vor.u32 @!p2 s19, v19;
	(xrf0) =	vadd.scan.msk.s32 @!p1 $0xffff, v21  }
0xba: {  	v22 =	vld [tilespmem:s4+$0x0];
	_ =	sdelay $0x3  }
0xbb: {  	vm6 =	vgt.f32 v15, $0.0e+00  }
0xbc: {  	v26 =	vmpcnt.ones.xlane vm6;
	vm11 =	vgt.f32 v22, $0.0e+00  }
0xbd: {  	v27 =	vmpcnt.ones.xlane vm11  }
0xbe: {  	[tilespmem:v18+s23+$0x0] =	vst.idx.msk @!p4 vm1, v12;
	(v2sf) =	vpush v26, $0x0  }
0xbf: {  	s18 =	sadd.s32 s8, s14;
	[tilespmem:v18+s22+$0x0] =	vst.idx.msk @!p4 vm1, v16;
	(v2sf) =	vpush v27, $0x0  }
0xc0: {  	vm9 =	vmmov vm3;
	p0 =	por p6, p6;
	s8 =	spop (v2sf);
	s25 =	sld [smem:$0x7FB];
	v26, _, _ =	vpop @!p6 (xrf0)  }
0xc1: {  	p3 =	slt.s32 s8, $0x1;
	p6 =	por p5, p5;
	v26 =	vadd.s32 @!p0 s17, v26;
	v12, _, _ =	vpop @!p5 (xrf0)  }
0xc2: {  	vm6 =	vgt.f32 @!p3 v9, $0.0e+00;
	v27 =	vimm.s32 @!p3 $0x0;
	v12 =	vadd.s32 @!p6 s31, v12  }
0xc3: {  	s19 =	sand.u32 $0x70, s28;
	v16 =	vsel @!p3 vm6, $0x1, v27;
	p5 =	por p3, p3;
	p3 =	seq.s32 s25, $0x1  }
0xc4: {  	vm7 =	vmmov vm5;
	s20 =	sadd.s32 s19, s14;
	[tilespmem:v17+s2+$0x0] =	vst.idx.msk @!p3 vm0, v10  }
0xc5: {  	v21 =	vld [tilespmem:s18+$0x0];
	s18 =	simm.s32 @!p2 $0xA080;
	s19 =	simm.s32 @!p2 $0x8C00;
	s4 =	spop (v2sf);
	v10, _, _ =	vpop @!p2 (xrf0);
	[tilespmem:v17+s15+$0x0] =	vst.idx.msk @!p3 vm0, v14  }
0xc6: {  	p4 =	slt.s32 s4, $0x1;
	s14 =	simm.s32 @!p6 $0xA080;
	v10 =	vadd.s32 @!p2 s29, v10;
	p2 =	por p2, p2;
	[tilespmem:v26+s30+$0x0] =	vst.idx.msk @!p0 vm9, v13  }
0xc7: {  	s13 =	spop (v2sf);
	s2 =	simm.s32 @!p0 $0x8C00;
	[tilespmem:v12+s14+$0x0] =	vst.idx.msk @!p6 vm5, v11;
	s14 =	simm.s32 @!p2 $0x0  }
0xc8: {  	vm1 =	vgt.f32 @!p4 v7, $0.0e+00;
	(xrf0) =	vadd.scan.msk.s32 @!p5 $0xffff, v16;
	v16 =	vimm.s32 @!p4 $0x0;
	p3 =	slt.s32 s13, $0x1;
	s29 =	spop (v2sf);
	[tilespmem:v26+s2+$0x0] =	vst.idx.msk @!p0 vm9, v23;
	s14 =	simm.s32 @p2 $0x1  }
0xc9: {  	vm3 =	vmmov vm2;
	v19 =	vld [tilespmem:s20+$0x0];
	s17 =	simm.s32 @!p6 $0x8C00;
	v14 =	vsel @!p4 vm1, $0x1, v16;
	vm8 =	vgt.f32 @!p3 v8, $0.0e+00;
	p0 =	slt.s32 s29, $0x1;
	[smem:$0x7F4] =	sst s14  }
0xca: {  	vm5 =	vgt.f32 @!p0 v5, $0.0e+00;
	v11 =	vimm.s32 @!p0 $0x0;
	[tilespmem:v12+s17+$0x0] =	vst.idx.msk @!p6 vm7, v20;
	v12 =	vlaneseq.u32 @!p5  }
0xcb: {  	v13 =	vimm.s32 @!p3 $0x0;
	s14 =	simm.s32 @!p5 $0x0;
	v11 =	vsel @!p0 vm5, $0x1, v11;
	p6 =	por p5, p5;
	v12 =	vor.u32 @!p5 s10, v12;
	s10 =	sld [smem:$0x7F4]  }
0xcc: {  	(xrf0) =	vadd.scan.msk.s32 @!p4 $0xffff, v14;
	v13 =	vsel @!p3 vm8, $0x1, v13;
	s14 =	simm.s32 @p5 $0x1;
	s17 =	sadd.s32 @!p5 $0xFFFFFFFF, s5;
	s20 =	simm.s32 @!p6 $0x0  }
0xcd: {  	v14, _, _ =	vpop @!p1 (xrf0);
	(xrf0) =	vadd.scan.msk.s32 @!p3 $0xffff, v13;
	[smem:$0x7F5] =	sst s14;
	s20 =	simm.s32 @p6 $0x1;
	s30 =	spop (v2sf)  }
0xce: {  	vm12 =	vgt.f32 v21, $0.0e+00;
	(xrf0) =	vadd.scan.msk.s32 @!p0 $0xffff, v11;
	v11, _, _ =	vpop @!p5 (xrf0);
	[smem:$0x7F6] =	sst s20;
	s31 =	spop (v2sf);
	p5 =	seq.s32 s10, $0x1  }
0xcf: {  	v62 =	vmpcnt.ones.xlane vm12;
	[tilespmem:v10+s18+$0x0] =	vst.idx.msk @!p5 vm3, v6;
	v6 =	vadd.s32 @!p6 s17, v11;
	p6 =	slt.s32 s31, $0x1  }
0xd0: {  	vm2 =	vmmov vm4;
	s8 =	sadd.s32 s5, s8;
	s5 =	simm.s32 @!p6 $0x0  }
0xd1: {  	(v2sf) =	vpush v62, $0x0;
	v13 =	vadd.s32 @!p1 s26, v14;
	s5 =	simm.s32 @p6 $0x1  }
0xd2: {  	[smem:$0x7F8] =	sst s5;
	s5 =	simm.s32 @!p4 $0x0  }
0xd3: {  	s5 =	simm.s32 @p4 $0x1  }
0xd4: {  	vm13 =	vgt.f32 v19, $0.0e+00;
	[smem:$0x7F7] =	sst s5  }
0xd5: {  	v63 =	vmpcnt.ones.xlane vm13;
	s20 =	simm.s32 @!p1 $0xA080;
	[tilespmem:v10+s19+$0x0] =	vst.idx.msk @!p5 vm3, v25;
	p5 =	por p1, p1  }
0xd6: {  	s4 =	sadd.s32 s8, s4;
	p2 =	slt.s32 s30, $0x1;
	[tilespmem:v13+s20+$0x0] =	vst.idx.msk @!p5 vm2, v4  }
0xd7: {  	(v2sf) =	vpush v63, $0x0;
	vm7 =	vmmov vm6;
	s10 =	sadd.s32 @!p4 $0xFFFFFFFF, s8;
	s8 =	simm.s32 @!p1 $0x8C00;
	v14 =	vimm.s32 @!p2 $0x0;
	s18 =	sld [smem:$0x7F8]  }
0xd8: {  	vm6 =	vmmov vm1;
	vm0 =	vgt.f32 @!p2 v15, $0.0e+00;
	s20 =	sld [smem:$0x7F5];
	[tilespmem:v13+s8+$0x0] =	vst.idx.msk @!p5 vm2, v24  }
0xd9: {  	v11 =	vsel @!p2 vm0, $0x1, v14;
	vm1 =	vgt.f32 @!p6 v22, $0.0e+00;
	v16 =	vimm.s32 @!p6 $0x0;
	s22 =	sld [smem:$0x7F6]  }
0xda: {  	v14, _, _ =	vpop @!p4 (xrf0);
	(xrf0) =	vadd.scan.msk.s32 @!p2 $0xffff, v11;
	v11 =	vsel @!p6 vm1, $0x1, v16;
	p1 =	seq.s32 s18, $0x1  }
0xdb: {  	p4 =	por p4, p4;
	v4, _, _ =	vpop @!p3 (xrf0);
	(xrf0) =	vadd.scan.msk.s32 @!p1 $0xffff, v11;
	p1 =	seq.s32 s20, $0x1  }
0xdc: {  	v10 =	vadd.s32 @!p4 s10, v14;
	s10 =	sadd.s32 @!p3 $0xFFFFFFFF, s4;
	p5 =	seq.s32 s22, $0x1;
	s18 =	simm.s32 @!p1 $0xA080  }
0xdd: {  	v4 =	vadd.s32 @!p3 s10, v4;
	s10 =	simm.s32 @!p5 $0x8C00;
	[tilespmem:v6+s18+$0x0] =	vst.idx.msk @!p5 vm7, v9  }
0xde: {  	[tilespmem:v6+s10+$0x0] =	vst.idx.msk @!p5 vm7, v12  }
0xdf: {  	s10 =	sld [smem:$0x7F7]  }
0xe0: {  	s17 =	spop (v2sf)  }
0xe1: {  	p6 =	slt.s32 s17, $0x1;
	vm3 =	vmmov vm8  }
0xe2: {  	vm4 =	vgt.f32 @!p6 v21, $0.0e+00;
	v14 =	vimm.s32 @!p6 $0x0;
	s4 =	sadd.s32 s4, s13;
	p5 =	seq.s32 s10, $0x1;
	s10 =	simm.s32 @!p4 $0xA080  }
0xe3: {  	vm2 =	vmmov vm5;
	s8 =	sadd.s32 s4, s29;
	s4 =	sadd.s32 @!p0 $0xFFFFFFFF, s4;
	v13, _, _ =	vpop @!p0 (xrf0);
	v11 =	vsel @!p6 vm4, $0x1, v14;
	[tilespmem:v10+s10+$0x0] =	vst.idx.msk @!p4 vm6, v7;
	s10 =	simm.s32 @!p2 $0x0  }
0xe4: {  	(xrf0) =	vadd.scan.msk.s32 @!p6 $0xffff, v11;
	v11 =	vadd.s32 @!p0 s4, v13;
	v6 =	vlaneseq.u32 @!p5;
	s10 =	simm.s32 @p2 $0x1  }
0xe5: {  	s13 =	simm.s32 @!p4 $0x8C00;
	v6 =	vor.u32 @!p5 s7, v6;
	[smem:$0x7F9] =	sst s10  }
0xe6: {  	s15 =	simm.s32 @!p3 $0xA080;
	s19 =	spop (v2sf);
	[tilespmem:v10+s13+$0x0] =	vst.idx.msk @!p4 vm6, v6;
	v6 =	vlaneseq.u32 @!p3;
	p4 =	por p3, p3  }
0xe7: {  	p1 =	slt.s32 s19, $0x1;
	s4 =	simm.s32 @!p3 $0x8C00;
	v6 =	vor.u32 @!p3 s1, v6;
	s23 =	sld [smem:$0x7F8];
	[tilespmem:v4+s15+$0x0] =	vst.idx.msk @!p4 vm3, v8  }
0xe8: {  	vm5 =	vgt.f32 @!p1 v19, $0.0e+00;
	v9 =	vimm.s32 @!p1 $0x0;
	s10 =	simm.s32 @!p0 $0xA080;
	[tilespmem:v4+s4+$0x0] =	vst.idx.msk @!p4 vm3, v6;
	v4 =	vlaneseq.u32 @!p0;
	p4 =	por p0, p0  }
0xe9: {  	s2 =	sadd.s32 s8, s30;
	v9 =	vsel @!p1 vm5, $0x1, v9;
	s4 =	simm.s32 @!p0 $0x8C00;
	v4 =	vor.u32 @!p0 s0, v4;
	[tilespmem:v11+s10+$0x0] =	vst.idx.msk @!p4 vm2, v5  }
0xea: {  	vm0 =	vmmov vm0;
	(xrf0) =	vadd.scan.msk.s32 @!p1 $0xffff, v9;
	v7, _, _ =	vpop @!p2 (xrf0);
	s7 =	sadd.s32 @!p2 $0xFFFFFFFF, s8;
	p5 =	por p2, p2;
	s1 =	sadd.s32 s2, s31;
	[tilespmem:v11+s4+$0x0] =	vst.idx.msk @!p4 vm2, v4  }
0xeb: {  	v7 =	vadd.s32 @!p5 s7, v7;
	s5 =	sadd.s32 s1, s17;
	p3 =	seq.s32 s23, $0x1;
	s4 =	sld [smem:$0x7F9]  }
0xec: {  	vm1 =	vmmov vm1;
	s25 =	sadd.s32 s5, s19;
	s2 =	sadd.s32 @!p3 $0xFFFFFFFF, s2;
	v8, _, _ =	vpop @!p3 (xrf0);
	p2 =	por p3, p3  }
0xed: {  	s26 =	sadd.s32 $0xF, s25;
	v6 =	vadd.s32 @!p2 s2, v8  }
0xee: {  	s0 =	sadd.s32 @!p6 $0xFFFFFFFF, s1;
	s29 =	sand.u32 $0xF, s26;
	v5, _, _ =	vpop @!p6 (xrf0);
	p0 =	seq.s32 s4, $0x1  }
0xef: {  	s30 =	sshra.s32 s26, $0x1F;
	p4 =	slt.s32 s26, $0x1;
	v5 =	vadd.s32 @!p6 s0, v5;
	s4 =	simm.s32 @!p0 $0xA080;
	v4 =	vlaneseq.u32 @!p0  }
0xf0: {  	s2 =	sadd.s32 @!p1 $0xFFFFFFFF, s5;
	s5 =	simm.s32 @!p5 $0x8C00;
	s7 =	simm.s32 @!p2 $0xA080;
	v8, _, _ =	vpop @!p1 (xrf0);
	v4 =	vor.u32 @!p0 s3, v4;
	[tilespmem:v7+s4+$0x0] =	vst.idx.msk @!p5 vm0, v15  }
0xf1: {  	v9 =	vlaneseq.u32 @!p3;
	s31 =	sshrl.u32 s30, $0x1C;
	s0 =	simm.s32 @!p2 $0x8C00;
	v8 =	vadd.s32 @!p1 s2, v8;
	[tilespmem:v7+s5+$0x0] =	vst.idx.msk @!p5 vm0, v4;
	p5 =	sne.s32 s29, $0x0  }
0xf2: {  	s2 =	simm.s32 $0x1;
	s3 =	simm.s32 @!p6 $0xA080;
	v4 =	vor.u32 @!p3 s9, v9;
	[tilespmem:v6+s7+$0x0] =	vst.idx.msk @!p2 vm1, v22;
	p0 =	por !p4, !p5  }
0xf3: {  	[tilespmem:v6+s0+$0x0] =	vst.idx.msk @!p2 vm1, v4;
	v4 =	vlaneseq.u32 @!p6;
	p2 =	por p6, p6;
	s0 =	sadd.s32 s31, s26;
	p0 =	por !p0, !p0  }
0xf4: {  	s8 =	simm.s32 @!p6 $0x8C00;
	v4 =	vor.u32 @!p6 s11, v4;
	[tilespmem:v5+s3+$0x0] =	vst.idx.msk @!p2 vm4, v21;
	s0 =	sshra.s32 s0, $0x4;
	s2 =	simm.s32 @!p0 $0x0  }
0xf5: {  	s10 =	simm.s32 @!p1 $0xA080;
	[tilespmem:v5+s8+$0x0] =	vst.idx.msk @!p2 vm4, v4;
	v4 =	vlaneseq.u32 @!p1;
	p0 =	por p1, p1;
	s0 =	ssub.s32 s0, s2  }
0xf6: {  	s3 =	simm.s32 @!p1 $0x8C00;
	v4 =	vor.u32 @!p1 s28, v4;
	[tilespmem:v8+s10+$0x0] =	vst.idx.msk @!p0 vm5, v19;
	s28 =	sshll.u32 s0, $0x4  }
0xf7: {  	[tilespmem:v8+s3+$0x0] =	vst.idx.msk @!p0 vm5, v4;
	p0 =	slt.s32 s28, $0x20  }
.Ltmp11:
0xf8: {  	_ = 	snop;
	(pc) =	sbr.rel @p0 .LBB2_15-.Ltmp11, $3  }
0xf9: {  	_ =	sdelay $0x1  }
0xfa: {  	s20 =	simm.s32 $0xC980;
	s18 =	simm.s32 $0xF280;
	[tilespmem:s25+$0xA080] =	vst v1  }
0xfb: {  	vm14 =	vmmov vm4;
	vm15 =	vmmov vm5;
	s17 =	simm.s32 $0xDE00;
	s19 =	simm.s32 $0xB500;
	[tilespmem:s25+$0x8C00] =	vst v2;
	s1 =	sand.u32 $0xFFFFFFE0, s28  }
0xfc: {  	s2 =	simm.s32 $0x8C10  }
0xfd: {  	v4 =	vld [tilespmem:s2+$0x0]  }
0xfe: {  	v5 =	vld [tilespmem:s2+$0xFFFFFFF0];
	_ =	sdelay $0x2  }
0xff: {  	p0 =	sgt.s32 s1, $0x20  }
.Ltmp12:
0x100: {  	_ = 	snop;
	(pc) =	sbr.rel @!p0 .LBB2_14-.Ltmp12, $4  }
0x101: {  	v6 =	vshll.u32 v4, $0x2;
	v7 =	vshll.u32 v5, $0x2;
	v4 =	vand.u32 $0x7F, v4  }
0x102: {  	s3 =	simm.s32 $0x10710;
	s10 =	simm.s32 $0xF290;
	s11 =	simm.s32 $0xDE10;
	v5 =	vand.u32 $0x7F, v5;
	v6 =	vand.u32 $0xFFFFFE00, v6;
	v7 =	vand.u32 $0xFFFFFE00, v7  }
0x103: {  	s7 =	simm.s32 $0xC990;
	s29 =	simm.s32 $0xB510;
	p1 =	por $0x0, $0x0;
	v22 =	vor.u32 v4, v6;
	v15 =	vor.u32 v5, v7  }
0x104: {  	p2 =	por $0x0, $0x0;
	p3 =	por $0x0, $0x0;
	s2 =	simm.s32 $0x8C30;
	v25 =	vor.u32 $0x80, v15;
	v5 =	vor.u32 $0x100, v15;
	v4 =	vor.u32 $0x180, v15  }
0x105: {  	_ =	sdelay $0x1  }
0x106: {  	v6 =	vld [tilespmem:s2+$0xFFFFFFF0]  }
0x107: {  	v7 =	vld [tilespmem:s2+$0x0]  }
0x108: {  	v8 =	vld.idx.msk [tilespmem:v22+s12+$0x0], $0xffff  }
0x109: {  	v9 =	vor.u32 $0x80, v22;
	v10 =	vld.idx.msk [tilespmem:v15+s12+$0x0], $0xffff  }
0x10a: {  	p0 =	sgt.s32 s1, $0x40  }
.Ltmp13:
0x10b: {  	v21 =	vor.u32 $0x100, v22;
	(pc) =	sbr.rel @!p0 .LBB2_29-.Ltmp13, $4  }
0x10c: {  	v11 =	vshll.u32 v6, $0x2;
	v12 =	vshll.u32 v7, $0x2;
	v6 =	vand.u32 $0x7F, v6  }
0x10d: {  	[tilespmem:s29+$0x0] =	vst v8;
	v7 =	vand.u32 $0x7F, v7;
	v11 =	vand.u32 $0xFFFFFE00, v11;
	v63 =	vand.u32 $0xFFFFFE00, v12  }
0x10e: {  	v27 =	vor.u32 $0x180, v22;
	[tilespmem:s29+$0xFFFFFFF0] =	vst v10;
	v16 =	vld.idx.msk [tilespmem:v9+s12+$0x0], $0xffff;
	v15 =	vor.u32 v6, v11;
	v19 =	vor.u32 v7, v63  }
0x10f: {  	s2 =	simm.s32 $0x8C50;
	p1 =	por $0x1, $0x1;
	v23 =	vld.idx.msk [tilespmem:v25+s12+$0x0], $0xffff;
	v32 =	vor.u32 $0x80, v15;
	v17 =	vor.u32 $0x100, v15;
	v29 =	vor.u32 $0x180, v15  }
0x110: {  	_ =	sdelay $0x2  }
0x111: {  	v10 =	vld [tilespmem:s2+$0x0]  }
0x112: {  	v8 =	vld.idx.msk [tilespmem:v19+s12+$0x0], $0xffff  }
0x113: {  	v11 =	vld [tilespmem:s2+$0xFFFFFFF0]  }
0x114: {  	v13 =	vld.idx.msk [tilespmem:v15+s12+$0x0], $0xffff;
	[tilespmem:s7+$0x0] =	vst v16  }
0x115: {  	v12 =	vor.u32 $0x80, v19;
	v7 =	vld.idx.msk [tilespmem:v21+s12+$0x0], $0xffff  }
0x116: {  	v9 =	vld.idx.msk [tilespmem:v27+s12+$0x0], $0xffff;
	[tilespmem:s7+$0xFFFFFFF0] =	vst v23  }
0x117: {  	s2 =	simm.s32 $0xB530;
	v6 =	vld.idx.msk [tilespmem:v5+s12+$0x0], $0xffff  }
0x118: {  	p0 =	sgt.s32 s1, $0x60;
	[tilespmem:s2+$0x0] =	vst v8;
	v8 =	vld.idx.msk [tilespmem:v4+s12+$0x0], $0xffff  }
.Ltmp14:
0x119: {  	v21 =	vor.u32 $0x100, v19;
	[tilespmem:s2+$0xFFFFFFF0] =	vst v13;
	(pc) =	sbr.rel @!p0 .LBB2_31-.Ltmp14, $4  }
0x11a: {  	v4 =	vshll.u32 v11, $0x2;
	v5 =	vshll.u32 v10, $0x2;
	v11 =	vand.u32 $0x7F, v11;
	v16 =	vld.idx.msk [tilespmem:v12+s12+$0x0], $0xffff;
	[tilespmem:s11+$0x0] =	vst v7  }
0x11b: {  	v4 =	vand.u32 $0xFFFFFE00, v4;
	v12 =	vand.u32 $0x7F, v10;
	v5 =	vand.u32 $0xFFFFFE00, v5;
	v23 =	vld.idx.msk [tilespmem:v32+s12+$0x0], $0xffff;
	[tilespmem:s10+$0x0] =	vst v9  }
0x11c: {  	v27 =	vor.u32 $0x180, v19;
	v15 =	vor.u32 v11, v4;
	v22 =	vor.u32 v12, v5;
	[tilespmem:s11+$0xFFFFFFF0] =	vst v6;
	v10 =	vld [tilespmem:s29+$0x0]  }
0x11d: {  	s4 =	simm.s32 $0x8C70;
	p2 =	por $0x1, $0x1;
	v25 =	vor.u32 $0x80, v15;
	v5 =	vor.u32 $0x100, v15;
	v4 =	vor.u32 $0x180, v15;
	v12 =	vld [tilespmem:s7+$0x0];
	[tilespmem:s10+$0xFFFFFFF0] =	vst v8  }
0x11e: {  	_ =	sdelay $0x2  }
0x11f: {  	v18 =	vld [tilespmem:s4+$0x0];
	s5 =	simm.s32 $0xC9B0  }
0x120: {  	v14 =	vld.idx.msk [tilespmem:v22+s12+$0x0], $0xffff;
	[tilespmem:s5+$0x0] =	vst v16  }
0x121: {  	v11 =	vld.idx.msk [tilespmem:v21+s12+$0x0], $0xffff  }
0x122: {  	v13 =	vld.idx.msk [tilespmem:v27+s12+$0x0], $0xffff  }
0x123: {  	v19 =	vld [tilespmem:s4+$0xFFFFFFF0];
	v16 =	vor.u32 $0x80, v22  }
0x124: {  	s9 =	simm.s32 $0xB550;
	[tilespmem:s5+$0xFFFFFFF0] =	vst v23;
	v21 =	vld.idx.msk [tilespmem:v15+s12+$0x0], $0xffff;
	v15 =	vsub.f32 v7, v10;
	v20 =	vsub.f32 v9, v12  }
0x125: {  	s22 =	simm.s32 $0xDE30;
	v26 =	vld [tilespmem:s29+$0xFFFFFFF0];
	[tilespmem:s9+$0x0] =	vst v14  }
0x126: {  	s23 =	simm.s32 $0xF2B0;
	v17 =	vld.idx.msk [tilespmem:v17+s12+$0x0], $0xffff;
	v15 =	vmul.f32 v20, v15;
	[tilespmem:s22+$0x0] =	vst v11  }
0x127: {  	p0 =	sgt.s32 s1, $0x80;
	v14 =	vld.idx.msk [tilespmem:v29+s12+$0x0], $0xffff;
	v20 =	vshll.u32 v18, $0x2;
	[tilespmem:s23+$0x0] =	vst v13  }
.Ltmp15:
0x128: {  	v23 =	vshll.u32 v19, $0x2;
	v18 =	vand.u32 $0x7F, v18;
	v16 =	vld.idx.msk [tilespmem:v16+s12+$0x0], $0xffff;
	[tilespmem:s3+$0x0] =	vst v15;
	v15 =	vand.u32 $0xFFFFFE00, v20;
	(pc) =	sbr.rel @!p0 .LBB2_33-.Ltmp15, $4  }
0x129: {  	v24 =	vand.u32 $0x7F, v19;
	v23 =	vand.u32 $0xFFFFFE00, v23;
	v20 =	vld [tilespmem:s2+$0x0];
	v19 =	vor.u32 v18, v15  }
0x12a: {  	s17 =	simm.s32 $0x80;
	[tilespmem:s9+$0xFFFFFFF0] =	vst v21;
	v21 =	vor.u32 $0x100, v22;
	v15 =	vor.u32 v24, v23;
	v24 =	vld [tilespmem:s5+$0x0]  }
0x12b: {  	s18 =	simm.s32 $0x8C90;
	p3 =	por $0x1, $0x1;
	v28 =	vld [tilespmem:s7+$0xFFFFFFF0];
	s13 =	simm.s32 $0xB550;
	v27 =	vor.u32 $0x180, v22;
	v26 =	vsub.f32 v6, v26;
	[tilespmem:s22+$0xFFFFFFF0] =	vst v17  }
0x12c: {  	s30 =	simm.s32 $0x10710;
	s15 =	simm.s32 $0x10710;
	s25 =	simm.s32 $0xC9B0;
	v23 =	vld.idx.msk [tilespmem:v25+s12+$0x0], $0xffff;
	v18 =	vmovc v8;
	v29 =	vor.u32 $0x80, v15;
	v32 =	vor.u32 $0x100, v15;
	v33 =	vor.u32 $0x180, v15;
	[tilespmem:s23+$0xFFFFFFF0] =	vst v14;
	v25 =	vmovc v19  }
.LBB2_34:
0x12d: {  	v22 =	vld [tilespmem:s18+$0x0];
	s5 =	sadd.s32 $0x20, s5  }
0x12e: {  	v19 =	vld.idx.msk [tilespmem:v19+s12+$0x0], $0xffff;
	[tilespmem:s5+$0x0] =	vst v16  }
0x12f: {  	v16 =	vsub.f32 v11, v20;
	v11 =	vld.idx.msk [tilespmem:v21+s12+$0x0], $0xffff;
	v20 =	vsub.f32 v13, v24  }
0x130: {  	v13 =	vld.idx.msk [tilespmem:v27+s12+$0x0], $0xffff  }
0x131: {  	v24 =	vor.u32 $0x80, v25;
	v21 =	vld [tilespmem:s18+$0xFFFFFFF0];
	[tilespmem:s5+$0xFFFFFFF0] =	vst v23;
	v16 =	vmul.f32 v20, v16;
	v20 =	vsub.f32 v18, v28;
	v18 =	vmovc v14  }
0x132: {  	s30 =	sadd.s32 $0x20, s30;
	v23 =	vld.idx.msk [tilespmem:v15+s12+$0x0], $0xffff  }
0x133: {  	s17 =	sadd.s32 $0x20, s17;
	s9 =	sadd.s32 $0x20, s9;
	v30 =	vld.idx.msk [tilespmem:v5+s12+$0x0], $0xffff;
	[tilespmem:s30+$0x0] =	vst v16;
	v15 =	vmul.f32 v20, v26;
	v5 =	vmov v32  }
0x134: {  	s22 =	sadd.s32 $0x20, s22;
	p0 =	slt.s32 s17, s1;
	[tilespmem:s9+$0x0] =	vst v19;
	v14 =	vld.idx.msk [tilespmem:v4+s12+$0x0], $0xffff;
	v4 =	vmov v33  }
0x135: {  	s23 =	sadd.s32 $0x20, s23;
	v16 =	vshll.u32 v22, $0x2;
	[tilespmem:s22+$0x0] =	vst v11;
	v26 =	vld [tilespmem:s2+$0xFFFFFFF0];
	s2 =	smov.u32 s13;
	s13 =	smov.u32 s9  }
.Ltmp16:
0x136: {  	v20 =	vand.u32 $0x7F, v22;
	v22 =	vand.u32 $0xFFFFFE00, v16;
	v19 =	vshll.u32 v21, $0x2;
	v16 =	vld.idx.msk [tilespmem:v24+s12+$0x0], $0xffff;
	[tilespmem:s23+$0x0] =	vst v13;
	(pc) =	sbr.rel @p0 .LBB2_34-.Ltmp16, $4  }
0x137: {  	v21 =	vand.u32 $0x7F, v21;
	v24 =	vand.u32 $0xFFFFFE00, v19;
	v19 =	vor.u32 v20, v22;
	v20 =	vld [tilespmem:s2+$0x0];
	[tilespmem:s15+$0xFFFFFFF0] =	vst v15;
	s15 =	smov.u32 s30  }
0x138: {  	v15 =	vor.u32 v21, v24;
	[tilespmem:s9+$0xFFFFFFF0] =	vst v23;
	v21 =	vor.u32 $0x100, v25;
	v24 =	vld [tilespmem:s5+$0x0]  }
0x139: {  	v27 =	vor.u32 $0x180, v25;
	v25 =	vmovc v19;
	v32 =	vor.u32 $0x100, v15;
	v23 =	vld.idx.msk [tilespmem:v29+s12+$0x0], $0xffff;
	v29 =	vor.u32 $0x80, v15;
	[tilespmem:s22+$0xFFFFFFF0] =	vst v30  }
0x13a: {  	s18 =	sadd.s32 $0x20, s18;
	v33 =	vor.u32 $0x180, v15;
	[tilespmem:s23+$0xFFFFFFF0] =	vst v14;
	v28 =	vld [tilespmem:s25+$0xFFFFFFF0];
	v26 =	vsub.f32 v17, v26;
	v17 =	vmov v30;
	s25 =	smov.u32 s5  }
0x13b: {  	v22 =	vmov v19;
	v31 =	vmov v5;
	s4 =	smov.u32 s2  }
0x13c: {  	v30 =	vmovc v4;
	v19 =	vmovc v25;
	v5 =	vmov v32;
	v4 =	vmov v33;
	s2 =	smov.u32 s13;
	v25 =	vmov v29;
	s17 =	simm.s32 $0xDE00;
	s18 =	simm.s32 $0xF280  }
.LBB2_36:
0x13d: {  	_ =	sdelay $0x3  }
0x13e: {  	v22 =	vld.idx.msk [tilespmem:v22+s12+$0x0], $0xffff;
	s5 =	sadd.s32 @p2 $0x20, s5;
	s8 =	smov.u32 s7  }
0x13f: {  	v29 =	vor.u32 $0x80, v19;
	s8 =	smov.u32 @p2 s5  }
0x140: {  	v15 =	vld.idx.msk [tilespmem:v15+s12+$0x0], $0xffff;
	[tilespmem:s8+$0x0] =	vst @p1 v16  }
0x141: {  	s9 =	sadd.s32 @p1 $0x20, s9;
	s5 =	smov.u32 s29;
	v16 =	vld.idx.msk @p1 [tilespmem:v21+s12+$0x0], $0xffff  }
0x142: {  	s5 =	smov.u32 @p1 s9;
	[tilespmem:s8+$0xFFFFFFF0] =	vst @p1 v23;
	v21 =	vld.idx.msk @p1 [tilespmem:v27+s12+$0x0], $0xffff  }
0x143: {  	v23 =	vld.idx.msk @p1 [tilespmem:v31+s12+$0x0], $0xffff;
	[tilespmem:s5+$0x0] =	vst v22  }
0x144: {  	s13 =	simm.s32 $0xDE10;
	s9 =	sadd.s32 @p2 $0x20, s22;
	v22 =	vld.idx.msk [tilespmem:v29+s12+$0x0], $0xffff  }
0x145: {  	v54 =	vor.u32 $0x100, v19;
	s13 =	smov.u32 @p2 s9;
	s9 =	simm.s32 $0xF290;
	[tilespmem:s5+$0xFFFFFFF0] =	vst v15;
	v29 =	vld @p2 [tilespmem:s4+$0xFFFFFFF0];
	s4 =	sadd.s32 @p2 $0x20, s23  }
0x146: {  	v55 =	vor.u32 $0x180, v19;
	v56 =	vld.idx.msk [tilespmem:v25+s12+$0x0], $0xffff;
	s9 =	smov.u32 @p2 s4;
	[tilespmem:s13+$0x0] =	vst @p1 v16  }
0x147: {  	s14 =	sadd.s32 @p1 $0x20, s8;
	v25 =	vld.idx.msk @p1 [tilespmem:v30+s12+$0x0], $0xffff;
	[tilespmem:s9+$0x0] =	vst @p1 v21  }
0x148: {  	s4 =	smov.u32 s7;
	s7 =	smov.u32 @p1 s14;
	v30 =	vld @p1 [tilespmem:s2+$0x0]  }
0x149: {  	v27 =	vld @p1 [tilespmem:s8+$0x0];
	[tilespmem:s7+$0x0] =	vst v22  }
0x14a: {  	v22 =	vld.idx.msk [tilespmem:v54+s12+$0x0], $0xffff  }
0x14b: {  	[tilespmem:s7+$0xFFFFFFF0] =	vst v56;
	v15 =	vld.idx.msk [tilespmem:v55+s12+$0x0], $0xffff  }
0x14c: {  	v5 =	vld.idx.msk [tilespmem:v5+s12+$0x0], $0xffff  }
0x14d: {  	s29 =	smov.u32 @p1 s2;
	[tilespmem:s13+$0xFFFFFFF0] =	vst @p1 v23;
	s13 =	sadd.s32 @p1 $0x20, s13;
	v4 =	vld.idx.msk [tilespmem:v4+s12+$0x0], $0xffff  }
0x14e: {  	v19 =	vld @p2 [tilespmem:s25+$0xFFFFFFF0];
	s11 =	smov.u32 @p1 s13;
	s2 =	smov.u32 @p1 s8;
	[tilespmem:s9+$0xFFFFFFF0] =	vst @p1 v25;
	s9 =	sadd.s32 @p1 $0x20, s9  }
0x14f: {  	v11 =	vsub.f32 @p2 v11, v20;
	v13 =	vsub.f32 @p2 v13, v24;
	s4 =	smov.u32 @p1 s2;
	s10 =	smov.u32 @p1 s9;
	v20 =	vld @p1 [tilespmem:s29+$0xFFFFFFF0];
	[tilespmem:s11+$0x0] =	vst v22  }
0x150: {  	v18 =	vsub.f32 @p3 v18, v28;
	v9 =	vpsel p1, v21, v9;
	v21 =	vld @p1 [tilespmem:s4+$0xFFFFFFF0];
	[tilespmem:s10+$0x0] =	vst v15  }
0x151: {  	v14 =	vpsel p2, v14, v0;
	v11 =	vmul.f32 @p2 v13, v11;
	v12 =	vpsel p1, v27, v12;
	[tilespmem:s11+$0xFFFFFFF0] =	vst v5;
	v57 =	vld [tilespmem:s5+$0x0]  }
0x152: {  	v18 =	vmul.f32 @p3 v18, v26;
	v7 =	vpsel p1, v16, v7;
	v10 =	vpsel p1, v30, v10;
	[tilespmem:s10+$0xFFFFFFF0] =	vst v4;
	v58 =	vld [tilespmem:s7+$0x0]  }
0x153: {  	v8 =	vpsel p1, v25, v8;
	v7 =	vsub.f32 @p1 v7, v10;
	v9 =	vsub.f32 @p1 v9, v12;
	v59 =	vld [tilespmem:s5+$0xFFFFFFF0]  }
0x154: {  	v19 =	vpsel p2, v19, v0;
	v17 =	vsub.f32 @p2 v17, v29;
	s2 =	sadd.s32 @p3 $0x20, s30;
	s4 =	simm.s32 $0x10710;
	v8 =	vpsel p1, v8, v0;
	v12 =	vmovc @p1 v23;
	v60 =	vld [tilespmem:s7+$0xFFFFFFF0]  }
0x155: {  	s4 =	smov.u32 @p3 s2;
	v7 =	vmul.f32 @p1 v9, v7;
	v9 =	vsub.f32 @p2 v14, v19;
	v6 =	vpsel p1, v12, v6  }
0x156: {  	v17 =	vpsel p2, v17, v0;
	[tilespmem:s4+$0x0] =	vst @p2 v11;
	v11 =	vpsel p1, v21, v0;
	v6 =	vsub.f32 @p1 v6, v20  }
0x157: {  	s2 =	sadd.s32 @p2 $0x20, s4;
	v8 =	vsub.f32 @p1 v8, v11;
	s5 =	simm.s32 $0x10710;
	v9 =	vmul.f32 @p2 v9, v17  }
0x158: {  	[tilespmem:s15+$0xFFFFFFF0] =	vst @p3 v18;
	s5 =	smov.u32 @p2 s2;
	s2 =	smov.u32 @p2 s4;
	v6 =	vpsel p1, v6, v0;
	v61 =	vsub.f32 v22, v57;
	v62 =	vsub.f32 v15, v58  }
0x159: {  	[tilespmem:s2+$0xFFFFFFF0] =	vst @p2 v9;
	s2 =	smov.u32 @p1 s5;
	v6 =	vmul.f32 @p1 v8, v6;
	v5 =	vsub.f32 v5, v59;
	v4 =	vsub.f32 v4, v60  }
0x15a: {  	[tilespmem:s5+$0x0] =	vst @p1 v7;
	s4 =	sadd.s32 @p1 $0x20, s5;
	s2 =	smov.u32 @p1 s2;
	v63 =	vmul.f32 v62, v61  }
0x15b: {  	s3 =	smov.u32 @p1 s4;
	[tilespmem:s2+$0xFFFFFFF0] =	vst @p1 v6;
	v4 =	vmul.f32 v4, v5  }
0x15c: {  	[tilespmem:s3+$0x0] =	vst v63  }
0x15d: {  	[tilespmem:s3+$0xFFFFFFF0] =	vst v4  }
.LBB2_15:
0x15e: {  	p0 =	seq.s32 s1, s28  }
.Ltmp17:
0x15f: {  	_ = 	snop;
	(pc) =	sbr.rel @p0 .LBB2_18-.Ltmp17, $2  }
0x160: {  	_ =	sdelay $0x2  }
0x161: {  	s14 =	simm.s32 $0x400  }
0x162: {  	s2 =	sshll.u32 s0, $0x6  }
0x163: {  	s2 =	sshra.s32 s2, $0x2  }
0x164: {  	s8 =	sand.u32 $0xFFFFFFE0, s2  }
0x165: {  	s2 =	sadd.s32 $0x10700, s8;
	s3 =	sadd.s32 $0xF280, s8;
	s4 =	sadd.s32 $0xDE00, s8  }
0x166: {  	s5 =	sadd.s32 $0xC980, s8;
	s7 =	sadd.s32 $0xB500, s8;
	s8 =	sadd.s32 $0x8C00, s8  }
.LBB2_17:
0x167: {  	v4 =	vld [tilespmem:s8+$0x0];
	_ =	sdelay $0x4  }
0x168: {  	v5 =	vshll.u32 v4, $0x2  }
0x169: {  	v4 =	vand.u32 $0x7F, v4;
	v5 =	vand.u32 $0xFFFFFE00, v5  }
0x16a: {  	v4 =	vor.u32 v4, v5;
	_ =	sdelay $0x4  }
0x16b: {  	v5 =	vld.idx.msk [tilespmem:v4+s12+$0x0], $0xffff  }
0x16c: {  	v6 =	vor.u32 $0x80, v4;
	_ =	sdelay $0x3  }
0x16d: {  	[tilespmem:s7+$0x0] =	vst v5  }
0x16e: {  	v5 =	vld.idx.msk [tilespmem:v6+s12+$0x0], $0xffff  }
0x16f: {  	v62 =	vor.u32 $0x100, v4  }
0x170: {  	v4 =	vor.u32 $0x180, v4;
	_ =	sdelay $0x2  }
0x171: {  	[tilespmem:s5+$0x0] =	vst v5  }
0x172: {  	v5 =	vld.idx.msk [tilespmem:v62+s12+$0x0], $0xffff  }
0x173: {  	v4 =	vld.idx.msk [tilespmem:v4+s12+$0x0], $0xffff;
	_ =	sdelay $0x3  }
0x174: {  	[tilespmem:s4+$0x0] =	vst v5  }
0x175: {  	[tilespmem:s3+$0x0] =	vst v4  }
0x176: {  	v63 =	vld [tilespmem:s7+$0x0]  }
0x177: {  	v7 =	vld [tilespmem:s5+$0x0];
	_ =	sdelay $0x2  }
0x178: {  	s1 =	sadd.s32 $0x10, s1  }
0x179: {  	p0 =	slt.s32 s1, s28  }
.Ltmp18:
0x17a: {  	v5 =	vsub.f32 v5, v63;
	v4 =	vsub.f32 v4, v7;
	(pc) =	sbr.rel @p0 .LBB2_17-.Ltmp18, $4  }
0x17b: {  	_ = 	snop  }
0x17c: {  	v4 =	vmul.f32 v4, v5  }
0x17d: {  	s8 =	sadd.s32 $0x10, s8;
	s4 =	sadd.s32 $0x10, s4;
	s3 =	sadd.s32 $0x10, s3  }
0x17e: {  	s5 =	sadd.s32 $0x10, s5;
	s7 =	sadd.s32 $0x10, s7;
	[tilespmem:s2+$0x0] =	vst v4;
	s2 =	sadd.s32 $0x10, s2  }
.LBB2_18:
.Ltmp19:
0x17f: {  	s0 =	sshll.u32 s0, $0x6;
	s29 =	sand.u32 $0xFFFFFFC0, s28;
	(pc) =	sbr.rel .LBB2_19-.Ltmp19, $4  }
0x180: {  	s26 =	rddreg [dreg:$0xc];
	s10 =	simm.s32 $0x0;
	s0 =	sshra.s32 s0, $0x2  }
0x181: {  	p1 =	slt.s32 s28, $0x40;
	p2 =	seq.s32 s29, s28;
	s2 =	sand.u32 $0xFFFFFFC0, s0  }
0x182: {  	v9 =	vimm.f32 $3.399999950e+38;
	v5 =	vimm.f32 $0.0e+00;
	v6 =	vimm.f32 $0.0e+00;
	s30 =	sadd.s32 $0x10700, s2;
	s31 =	sadd.s32 $0xF280, s2;
	s1 =	sadd.s32 $0xDE00, s2  }
0x183: {  	v7 =	vimm.f32 $0.0e+00;
	v8 =	vimm.f32 $0.0e+00;
	v4 =	vmov s26;
	s0 =	sadd.s32 $0xC980, s2;
	s3 =	sadd.s32 $0xB500, s2;
	s7 =	sadd.s32 $0xA080, s2  }
.LBB2_23:
0x184: {  	(xrf0) =	vmax.scan.msk.f32 $0xffff, v12;
	_ =	sdelay $0x5  }
0x185: {  	v5, _, _ =	vpop (xrf0)  }
0x186: {  	v9 =	vbroadcast v5, $0xF;
	_ =	sdelay $0x1  }
0x187: {  	v6 =	vxor.u32 $0x80000000, v11;
	vm0 =	veq.f32 v12, v9  }
0x188: {  	v6 =	vnsel vm0, $0xC0000000, v6  }
0x189: {  	(xrf0) =	vmin.scan.msk.u32 $0xffff, v6;
	_ =	sdelay $0x5  }
0x18a: {  	(v2sf) =	vpush v5, $0xF;
	v5, _, _ =	vpop (xrf0)  }
0x18b: {  	(v2sf) =	vpush v5, $0xF;
	_ =	sdelay $0xd  }
0x18c: {  	s2 =	spop (v2sf)  }
0x18d: {  	s4 =	spop (v2sf)  }
0x18e: {  	s4 =	sxor.u32 $0x80000000, s4  }
0x18f: {  	v8 =	vmov s4;
	_ =	sdelay $0x4  }
0x190: {  	v5 =	vld.idx.msk [tilespmem:v8+s18+$0x0], $0xffff  }
0x191: {  	p0 =	sgt.f32 s2, $0.0e+00;
	v6 =	vld.idx.msk [tilespmem:v8+s17+$0x0], $0xffff  }
0x192: {  	v7 =	vld.idx.msk [tilespmem:v8+s20+$0x0], $0xffff  }
0x193: {  	vm0 =	vcmask @p0 $0x3F14;
	p3 =	slt.u32 @p0 s10, $0x63;
	v8 =	vld.idx.msk [tilespmem:v8+s19+$0x0], $0xffff  }
0x194: {  	v9 =	vsel @p0 vm0, $0x0, v9;
	vm0 =	vcmask @p0 $0x3F10;
	p3 =	por !p0, !p3  }
.Ltmp20:
0x195: {  	v9 =	vsel @p0 vm0, v9, v5;
	vm0 =	vcmask @p0 $0x3F0C;
	(pc) =	sbr.rel @p3 .LBB2_24-.Ltmp20, $4  }
0x196: {  	s2 =	smul.u32 @p0 $0x14, s10;
	v9 =	vsel @p0 vm0, v9, v6;
	vm0 =	vcmask @p0 $0x3F08  }
0x197: {  	v9 =	vsel @p0 vm0, v9, v7;
	vm0 =	vmmov @p0 $0x1  }
0x198: {  	s2 =	sshra.s32 @p0 s2, $0x2;
	v9 =	vsel @p0 vm0, v8, v9  }
0x199: {  	s10 =	sadd.s32 @p0 $0x1, s10;
	[tilespmem:v4+s2+$0x0 ss:$0x1] =	vst.idx.msk @p0 $0xffff, v9;
	v9 =	vimm.f32 @p0 $5.000000000e-01  }
.LBB2_19:
.Ltmp21:
0x19a: {  	(pc) =	sbr.rel @p1 .LBB2_20-.Ltmp21, $3  }
0x19b: {  	_ = 	snop  }
0x19c: {  	v10 =	vsub.f32 v6, v8;
	v11 =	vsub.f32 v5, v7;
	_ =	sdelay $0x1  }
0x19d: {  	v10 =	vmul.f32 v11, v10  }
0x19e: {  	s2 =	simm.s32 $0x10720  }
0x19f: {  	v13 =	vld [tilespmem:s2+$0x0]  }
0x1a0: {  	s9 =	simm.s32 $0xB520;
	v14 =	vld [tilespmem:s2+$0xFFFFFFF0]  }
0x1a1: {  	s4 =	simm.s32 $0xC9A0;
	v15 =	vld [tilespmem:s9+$0x10]  }
0x1a2: {  	s8 =	simm.s32 $0xDE20;
	v16 =	vld [tilespmem:s4+$0x10]  }
0x1a3: {  	s5 =	simm.s32 $0xF2A0;
	v17 =	vld [tilespmem:s8+$0x10]  }
0x1a4: {  	v18 =	vld [tilespmem:s5+$0x10]  }
0x1a5: {  	v19 =	vld [tilespmem:s2+$0xFFFFFFE0]  }
0x1a6: {  	v20 =	vld [tilespmem:s9+$0x0]  }
0x1a7: {  	v21 =	vld [tilespmem:s4+$0x0]  }
0x1a8: {  	v22 =	vld [tilespmem:s8+$0x0]  }
0x1a9: {  	v23 =	vld [tilespmem:s5+$0x0]  }
0x1aa: {  	v24 =	vld [tilespmem:s9+$0xFFFFFFF0]  }
0x1ab: {  	v25 =	vld [tilespmem:s8+$0xFFFFFFF0]  }
0x1ac: {  	v26 =	vld [tilespmem:s5+$0xFFFFFFF0]  }
0x1ad: {  	v27 =	vld [tilespmem:s9+$0xFFFFFFE0]  }
0x1ae: {  	v12 =	vimm.f32 $-1.000000000e+00;
	v11 =	vimm.s32 $0x0;
	v28 =	vld [tilespmem:s8+$0xFFFFFFE0];
	v14 =	vadd.f32 v14, v10  }
0x1af: {  	v29 =	vld [tilespmem:s4+$0xFFFFFFF0];
	v13 =	vadd.f32 v13, v10;
	v30 =	vmin.f32 v6, v17;
	v15 =	vmax.f32 v8, v15  }
0x1b0: {  	v31 =	vld [tilespmem:s5+$0xFFFFFFE0];
	v18 =	vmin.f32 v5, v18;
	v16 =	vmax.f32 v7, v16;
	v17 =	vadd.f32 v19, v10  }
0x1b1: {  	p0 =	sgt.s32 s29, $0x40;
	v19 =	vld [tilespmem:s4+$0xFFFFFFE0];
	v22 =	vmin.f32 v6, v22;
	v32 =	vmax.f32 v8, v20;
	v20 =	vmin.f32 v5, v23  }
.Ltmp22:
0x1b2: {  	v21 =	vmax.f32 v7, v21;
	v33 =	vmin.f32 v6, v25;
	v34 =	vmax.f32 v8, v24;
	(pc) =	sbr.rel @!p0 .LBB2_38-.Ltmp22, $4  }
0x1b3: {  	v26 =	vmin.f32 v5, v26;
	v28 =	vmin.f32 v6, v28;
	v27 =	vmax.f32 v8, v27  }
0x1b4: {  	v35 =	vmax.f32 v7, v29;
	v23 =	vsub.f32 v30, v15;
	v25 =	vsub.f32 v22, v32  }
0x1b5: {  	s26 =	simm.s32 $0x0;
	s11 =	simm.s32 $0xA0A0;
	v31 =	vmin.f32 v5, v31;
	v24 =	vsub.f32 v18, v16;
	v29 =	vsub.f32 v33, v34  }
0x1b6: {  	s15 =	simm.s32 $0x40;
	p3 =	por $0x0, $0x0;
	s5 =	simm.s32 $0x10760;
	v33 =	vsub.f32 v28, v27;
	v30 =	vsub.f32 v26, v35;
	v28 =	vld [tilespmem:s2+$0x10];
	v32 =	vmax.f32 v7, v19  }
0x1b7: {  	v22 =	vld [tilespmem:s5+$0x0]  }
0x1b8: {  	v26 =	vld [tilespmem:s5+$0xFFFFFFF0];
	s22 =	simm.s32 $0xB560  }
0x1b9: {  	s2 =	simm.s32 $0xC9E0;
	v27 =	vld [tilespmem:s22+$0x10]  }
0x1ba: {  	v15 =	vsub.f32 v31, v32;
	s9 =	simm.s32 $0xDE60;
	v34 =	vld [tilespmem:s2+$0x10]  }
0x1bb: {  	s23 =	simm.s32 $0xF2E0;
	v31 =	vld [tilespmem:s9+$0x10]  }
0x1bc: {  	v18 =	vsub.f32 v20, v21;
	v59 =	vld [tilespmem:s23+$0x10];
	v16 =	vmax.f32 v33, $0.0e+00;
	v15 =	vmax.f32 v15, $0.0e+00  }
0x1bd: {  	v36 =	vld [tilespmem:s22+$0x0];
	v35 =	vmul.f32 v15, v16  }
0x1be: {  	v21 =	vld [tilespmem:s2+$0x0];
	v18 =	vmax.f32 v18, $0.0e+00;
	v15 =	vmax.f32 v29, $0.0e+00;
	v16 =	vmax.f32 v30, $0.0e+00  }
0x1bf: {  	v20 =	vld [tilespmem:s9+$0x0];
	v29 =	vmul.f32 v16, v15;
	v16 =	vmax.f32 v25, $0.0e+00;
	v17 =	vsub.f32 v17, v35  }
0x1c0: {  	v19 =	vmax.f32 v24, $0.0e+00;
	v24 =	vld [tilespmem:s22+$0xFFFFFFF0];
	v15 =	vmax.f32 v23, $0.0e+00;
	v38 =	vmul.f32 v18, v16  }
0x1c1: {  	v39 =	vld [tilespmem:s22+$0xFFFFFFE0];
	v18 =	vmul.f32 v19, v15;
	v14 =	vsub.f32 v14, v29;
	v17 =	vadd.f32 $9.999999710e-10, v17  }
0x1c2: {  	s4 =	simm.s32 $0x20;
	v62 =	vld [tilespmem:s2+$0xFFFFFFE0];
	v15 =	vadd.f32 v28, v10;
	v19 =	vor.u32 s26, v3;
	v13 =	vsub.f32 v13, v38  }
0x1c3: {  	v30 =	vld [tilespmem:s23+$0xFFFFFFF0];
	v16 =	vor.u32 s4, v3;
	v14 =	vadd.f32 $9.999999710e-10, v14;
	(erf) = vrcp.f32 v17  }
0x1c4: {  	v23 =	vld [tilespmem:s23+$0x0];
	v40 =	vmin.f32 v6, v31;
	v27 =	vmax.f32 v8, v27;
	v17 =	vadd.f32 $9.999999710e-10, v13  }
0x1c5: {  	v25 =	vld [tilespmem:s2+$0xFFFFFFF0];
	v41 =	vmin.f32 v5, v59;
	v37 =	vsub.f32 v15, v18;
	(erf) = vrcp.f32 v14  }
0x1c6: {  	v28 =	vld [tilespmem:s9+$0xFFFFFFF0];
	v34 =	vmax.f32 v7, v34;
	v63 =	vmin.f32 v6, v20;
	(erf) = vrcp.f32 v17  }
0x1c7: {  	v36 =	vmax.f32 v8, v36;
	v31 =	vadd.f32 $9.999999710e-10, v37;
	v14 =	vadd.f32 v26, v10;
	v26 =	vld [tilespmem:s9+$0xFFFFFFE0]  }
0x1c8: {  	v60 =	vld [tilespmem:s5+$0xFFFFFFE0];
	s25 =	simm.s32 $0x30;
	v21 =	vmax.f32 v7, v21;
	v42 =	vmax.f32 v8, v24;
	v39 =	vmax.f32 v8, v39  }
0x1c9: {  	v61 =	vld [tilespmem:s23+$0xFFFFFFE0];
	v32 =	vmax.f32 v7, v62;
	v15 =	vor.u32 s25, v3;
	(erf) = vrcp.f32 v31  }
0x1ca: {  	s26 =	simm.s32 $0x10;
	v24 =	vsub.f32 v41, v34;
	v30 =	vmin.f32 v5, v30;
	v13 =	vadd.f32 v22, v10  }
0x1cb: {  	v43 =	vld [tilespmem:s11+$0xFFFFFFE0];
	v22 =	vor.u32 s26, v3;
	v20 =	vmin.f32 v5, v23;
	v44 =	vmax.f32 v7, v25  }
0x1cc: {  	p0 =	sgt.s32 s29, $0x80;
	v25 =	vsub.f32 v63, v36;
	v28 =	vmin.f32 v6, v28;
	v26 =	vmin.f32 v6, v26;
	v23 =	vpop (erf)  }
.Ltmp23:
0x1cd: {  	v36 =	vld [tilespmem:s11+$0xFFFFFFF0];
	v30 =	vsub.f32 v30, v44;
	v17 =	vadd.f32 v60, v10;
	v35 =	vmul.f32 v23, v35;
	(pc) =	sbr.rel @!p0 .LBB2_40-.Ltmp23, $4  }
0x1ce: {  	v31 =	vmin.f32 v5, v61;
	v33 =	vsub.f32 v26, v39;
	v23 =	vsub.f32 v40, v27;
	v27 =	vpop (erf)  }
0x1cf: {  	v27 =	vmul.f32 v27, v29;
	v29 =	vsub.f32 v28, v42;
	v26 =	vpop (erf);
	vm0 =	vgt.f32 v35, v9;
	v35 =	vld [tilespmem:s11+$0x0]  }
0x1d0: {  	p3 =	por $0x1, $0x1;
	v34 =	vld [tilespmem:s11+$0x10];
	v38 =	vmul.f32 v26, v38;
	v26 =	vimm.s32 $0x0;
	v37 =	vsel vm0, $0xBF800000, v43  }
0x1d1: {  	s25 =	simm.s32 $0x80;
	s26 =	simm.s32 $0x107A0;
	v28 =	vld [tilespmem:s5+$0x10];
	s5 =	simm.s32 $0xA0A0;
	vm1 =	vgt.f32 v27, v9;
	v27 =	vimm.f32 $-1.000000000e+00;
	vm0 =	vgt.f32 v37, v12;
	[tilespmem:s11+$0xFFFFFFE0] =	vst v37  }
.LBB2_41:
0x1d2: {  	v39 =	vld [tilespmem:s26+$0x0];
	v27 =	vsel vm0, v37, v27;
	v19 =	vsel vm0, v19, v26;
	v26 =	vsel vm1, $0xBF800000, v36;
	v36 =	vpop (erf)  }
0x1d3: {  	s22 =	sadd.s32 $0x40, s22;
	v37 =	vld [tilespmem:s26+$0xFFFFFFF0];
	[tilespmem:s5+$0xFFFFFFF0] =	vst v26;
	vm0 =	vgt.f32 v26, v27;
	vm1 =	vgt.f32 v38, v9;
	v18 =	vmul.f32 v36, v18  }
0x1d4: {  	s2 =	sadd.s32 $0x40, s2;
	v36 =	vld [tilespmem:s22+$0x10];
	v26 =	vsel vm0, v26, v27;
	v19 =	vsel vm0, v22, v19;
	v22 =	vsel vm1, $0xBF800000, v35  }
0x1d5: {  	s9 =	sadd.s32 $0x40, s9;
	v27 =	vsub.f32 v31, v32;
	v35 =	vld [tilespmem:s2+$0x10];
	[tilespmem:s5+$0x0] =	vst v22;
	vm0 =	vgt.f32 v22, v26;
	vm1 =	vgt.f32 v18, v9  }
0x1d6: {  	s23 =	sadd.s32 $0x40, s23;
	v31 =	vld [tilespmem:s9+$0x10];
	v18 =	vsel vm0, v22, v26;
	v16 =	vsel vm0, v16, v19;
	v19 =	vsel vm1, $0xBF800000, v34  }
0x1d7: {  	v22 =	vmax.f32 v33, $0.0e+00;
	v26 =	vmax.f32 v27, $0.0e+00;
	v32 =	vld [tilespmem:s23+$0x10];
	[tilespmem:s5+$0x10] =	vst v19;
	vm0 =	vgt.f32 v19, v18  }
0x1d8: {  	v34 =	vmul.f32 v26, v22;
	v33 =	vld [tilespmem:s26+$0xFFFFFFE0];
	v27 =	vsel vm0, v19, v18;
	v26 =	vsel vm0, v15, v16  }
0x1d9: {  	v15 =	vmax.f32 v29, $0.0e+00;
	v16 =	vmax.f32 v30, $0.0e+00;
	v18 =	vsub.f32 v20, v21;
	v38 =	vld [tilespmem:s22+$0x0]  }
0x1da: {  	v17 =	vsub.f32 v17, v34;
	v30 =	vmul.f32 v16, v15;
	v15 =	vmax.f32 v23, $0.0e+00;
	v21 =	vld [tilespmem:s2+$0x0]  }
0x1db: {  	v19 =	vmax.f32 v24, $0.0e+00;
	v16 =	vmax.f32 v25, $0.0e+00;
	v18 =	vmax.f32 v18, $0.0e+00;
	v20 =	vld [tilespmem:s9+$0x0]  }
0x1dc: {  	v17 =	vadd.f32 $9.999999710e-10, v17;
	v14 =	vsub.f32 v14, v30;
	v40 =	vmul.f32 v18, v16;
	v23 =	vld [tilespmem:s23+$0x0]  }
0x1dd: {  	v22 =	vadd.f32 v28, v10;
	v18 =	vmul.f32 v19, v15;
	v24 =	vld [tilespmem:s22+$0xFFFFFFF0]  }
0x1de: {  	s4 =	sadd.s32 $0x20, s15;
	s8 =	sadd.s32 $0x30, s15;
	v14 =	vadd.f32 $9.999999710e-10, v14;
	v13 =	vsub.f32 v13, v40;
	v25 =	vld [tilespmem:s2+$0xFFFFFFF0];
	(erf) = vrcp.f32 v17  }
0x1df: {  	v19 =	vor.u32 s15, v3;
	v16 =	vor.u32 s4, v3;
	v15 =	vor.u32 s8, v3;
	v28 =	vld [tilespmem:s9+$0xFFFFFFF0]  }
0x1e0: {  	s4 =	sadd.s32 $0x10, s15;
	s15 =	smov.u32 s25;
	v41 =	vsub.f32 v22, v18;
	v17 =	vadd.f32 $9.999999710e-10, v13;
	v29 =	vld [tilespmem:s23+$0xFFFFFFF0];
	(erf) = vrcp.f32 v14  }
0x1e1: {  	v22 =	vor.u32 s4, v3;
	v13 =	vadd.f32 v39, v10;
	v14 =	vadd.f32 v37, v10;
	v42 =	vld [tilespmem:s22+$0xFFFFFFE0]  }
0x1e2: {  	v39 =	vmin.f32 v6, v31;
	v31 =	vadd.f32 $9.999999710e-10, v41;
	v37 =	vld [tilespmem:s9+$0xFFFFFFE0];
	(erf) = vrcp.f32 v17  }
0x1e3: {  	v36 =	vmax.f32 v8, v36;
	v35 =	vmax.f32 v7, v35;
	v43 =	vmin.f32 v5, v32;
	v41 =	vld [tilespmem:s23+$0xFFFFFFE0]  }
0x1e4: {  	v17 =	vadd.f32 v33, v10;
	v33 =	vmin.f32 v6, v20;
	v32 =	vld [tilespmem:s2+$0xFFFFFFE0];
	(erf) = vrcp.f32 v31  }
0x1e5: {  	s5 =	sadd.s32 $0x40, s5;
	v38 =	vmax.f32 v8, v38;
	v21 =	vmax.f32 v7, v21;
	v20 =	vmin.f32 v5, v23  }
0x1e6: {  	s25 =	sadd.s32 $0x40, s25;
	v44 =	vmax.f32 v8, v24;
	v28 =	vmin.f32 v6, v28;
	v45 =	vmin.f32 v5, v29;
	v46 =	vld [tilespmem:s5+$0xFFFFFFE0]  }
0x1e7: {  	p0 =	slt.s32 s25, s29;
	v47 =	vmax.f32 v7, v25;
	v42 =	vmax.f32 v8, v42;
	v37 =	vmin.f32 v6, v37;
	v24 =	vpop (erf)  }
.Ltmp24:
0x1e8: {  	v23 =	vsub.f32 v39, v36;
	v31 =	vmin.f32 v5, v41;
	v34 =	vmul.f32 v24, v34;
	v36 =	vld [tilespmem:s5+$0xFFFFFFF0];
	(pc) =	sbr.rel @p0 .LBB2_41-.Ltmp24, $4  }
0x1e9: {  	v25 =	vsub.f32 v33, v38;
	v24 =	vsub.f32 v43, v35;
	v32 =	vmax.f32 v7, v32;
	v33 =	vpop (erf)  }
0x1ea: {  	v29 =	vsub.f32 v28, v44;
	vm0 =	vgt.f32 v34, v9;
	v38 =	vmul.f32 v33, v30;
	v35 =	vld [tilespmem:s5+$0x0]  }
0x1eb: {  	v33 =	vsub.f32 v37, v42;
	v30 =	vsub.f32 v45, v47;
	v37 =	vsel vm0, $0xBF800000, v46;
	v34 =	vld [tilespmem:s5+$0x10];
	v39 =	vpop (erf)  }
0x1ec: {  	v28 =	vld [tilespmem:s26+$0x10];
	s26 =	sadd.s32 $0x40, s26;
	[tilespmem:s5+$0xFFFFFFE0] =	vst v37;
	vm0 =	vgt.f32 v37, v27;
	vm1 =	vgt.f32 v38, v9;
	v38 =	vmul.f32 v39, v40  }
0x1ed: {  	s26 =	smov.u32 s15  }
.LBB2_43:
0x1ee: {  	v31 =	vsub.f32 v31, v32;
	_ =	sdelay $0x1  }
0x1ef: {  	v52 =	vmax.f32 v33, $0.0e+00;
	v20 =	vsub.f32 v20, v21;
	v31 =	vmax.f32 v31, $0.0e+00  }
0x1f0: {  	v29 =	vmax.f32 v29, $0.0e+00;
	v30 =	vmax.f32 v30, $0.0e+00;
	v31 =	vmul.f32 v31, v52  }
0x1f1: {  	v25 =	vmax.f32 v25, $0.0e+00;
	v53 =	vmul.f32 v30, v29;
	v20 =	vmax.f32 v20, $0.0e+00  }
0x1f2: {  	v20 =	vmul.f32 v20, v25;
	v17 =	vsub.f32 v17, v31  }
0x1f3: {  	v23 =	vmax.f32 v23, $0.0e+00;
	v14 =	vsub.f32 v14, v53  }
0x1f4: {  	v24 =	vmax.f32 v24, $0.0e+00;
	v13 =	vsub.f32 v13, v20;
	v17 =	vadd.f32 $9.999999710e-10, v17  }
0x1f5: {  	v55 =	vmul.f32 v24, v23;
	v54 =	vadd.f32 v28, v10  }
0x1f6: {  	v14 =	vadd.f32 $9.999999710e-10, v14;
	v13 =	vadd.f32 $9.999999710e-10, v13;
	(erf) = vrcp.f32 v17;
	_ =	sdelay $0x1  }
0x1f7: {  	v23 =	vsub.f32 v54, v55;
	(erf) = vrcp.f32 v14  }
0x1f8: {  	v24 =	vsel @p3 vm1, $0xBF800000, v36  }
0x1f9: {  	v23 =	vadd.f32 $9.999999710e-10, v23;
	v14 =	vsel @p3 vm0, v37, v27;
	(erf) = vrcp.f32 v13;
	v13 =	vpop @p3 (erf)  }
0x1fa: {  	vm2 =	vgt.f32 @p3 v38, v9;
	vm1 =	vgt.f32 @p3 v24, v14;
	v13 =	vmul.f32 @p3 v13, v18  }
0x1fb: {  	s2 =	sadd.s32 @p3 $0x40, s5;
	(erf) = vrcp.f32 v23;
	v14 =	vsel @p3 vm1, v24, v14;
	v18 =	vsel @p3 vm2, $0xBF800000, v35  }
0x1fc: {  	v19 =	vsel @p3 vm0, v19, v26;
	s11 =	smov.u32 @p3 s2;
	vm0 =	vgt.f32 @p3 v18, v14;
	vm2 =	vgt.f32 @p3 v13, v9  }
0x1fd: {  	v56 =	vld [tilespmem:s11+$0xFFFFFFE0];
	v14 =	vsel @p3 vm0, v18, v14;
	v25 =	vsel @p3 vm2, $0xBF800000, v34  }
0x1fe: {  	v19 =	vsel @p3 vm1, v22, v19;
	vm1 =	vgt.f32 @p3 v25, v14;
	v13 =	vpop (erf)  }
0x1ff: {  	v57 =	vld [tilespmem:s11+$0xFFFFFFF0];
	v16 =	vsel @p3 vm0, v16, v19;
	v14 =	vsel @p3 vm1, v25, v14;
	v13 =	vmul.f32 v13, v31  }
0x200: {  	v12 =	vpsel p3, v14, v12;
	v14 =	vsel @p3 vm1, v15, v16;
	v58 =	vpop (erf)  }
0x201: {  	v59 =	vld [tilespmem:s11+$0x0];
	v15 =	vor.u32 s26, v3;
	vm9 =	vgt.f32 v13, v9;
	v13 =	vmul.f32 v58, v53  }
0x202: {  	v11 =	vpsel p3, v14, v11;
	v61 =	vpop (erf);
	v60 =	vsel vm9, $0xBF800000, v56  }
0x203: {  	v62 =	vld [tilespmem:s11+$0x10];
	vm0 =	vgt.f32 v60, v12;
	vm10 =	vgt.f32 v13, v9;
	v13 =	vmul.f32 v61, v20  }
0x204: {  	[tilespmem:s5+$0xFFFFFFF0] =	vst @p3 v24;
	v12 =	vsel vm0, v60, v12;
	v11 =	vsel vm0, v15, v11;
	v14 =	vsel vm10, $0xBF800000, v57;
	v15 =	vpop (erf)  }
0x205: {  	s23 =	sadd.s32 $0x10, s26;
	[tilespmem:s5+$0x0] =	vst @p3 v18;
	vm11 =	vgt.f32 v14, v12;
	vm12 =	vgt.f32 v13, v9;
	v13 =	vmul.f32 v15, v55  }
.Ltmp25:
0x206: {  	[tilespmem:s5+$0x10] =	vst @p3 v25;
	v15 =	vor.u32 s23, v3;
	v12 =	vsel vm11, v14, v12;
	v63 =	vsel vm12, $0xBF800000, v59;
	(pc) =	sbr.rel .LBB2_21-.Ltmp25, $4  }
0x207: {  	s25 =	sadd.s32 $0x20, s26;
	[tilespmem:s11+$0xFFFFFFE0] =	vst v60;
	v11 =	vsel vm11, v15, v11;
	vm13 =	vgt.f32 v63, v12;
	vm14 =	vgt.f32 v13, v9  }
0x208: {  	s4 =	sadd.s32 $0x30, s26;
	[tilespmem:s11+$0xFFFFFFF0] =	vst v14;
	v13 =	vor.u32 s25, v3;
	v12 =	vsel vm13, v63, v12;
	v14 =	vsel vm14, $0xBF800000, v62  }
0x209: {  	v15 =	vor.u32 s4, v3;
	[tilespmem:s11+$0x0] =	vst v63;
	v11 =	vsel vm13, v13, v11;
	vm15 =	vgt.f32 v14, v12  }
0x20a: {  	[tilespmem:s11+$0x10] =	vst v14;
	v12 =	vsel vm15, v14, v12;
	v11 =	vsel vm15, v15, v11  }
.LBB2_20:
0x20b: {  	v11 =	vimm.s32 $0x0;
	v12 =	vimm.f32 $-1.000000000e+00  }
.LBB2_21:
.Ltmp26:
0x20c: {  	(pc) =	sbr.rel @p2 .LBB2_23-.Ltmp26, $4  }
0x20d: {  	_ = 	snop  }
0x20e: {  	s2 =	smov.u32 s7  }
0x20f: {  	s4 =	smov.u32 s3;
	s5 =	smov.u32 s0;
	s8 =	smov.u32 s1  }
0x210: {  	s9 =	smov.u32 s31;
	s11 =	smov.u32 s30;
	s13 =	smov.u32 s29  }
.LBB2_22:
0x211: {  	v13 =	vld [tilespmem:s4+$0x0]  }
0x212: {  	v14 =	vld [tilespmem:s5+$0x0]  }
0x213: {  	v15 =	vld [tilespmem:s8+$0x0]  }
0x214: {  	v16 =	vld [tilespmem:s9+$0x0];
	_ =	sdelay $0x3  }
0x215: {  	v17 =	vld [tilespmem:s11+$0x0];
	v15 =	vmin.f32 v6, v15  }
0x216: {  	v13 =	vmax.f32 v8, v13;
	v16 =	vmin.f32 v5, v16;
	v14 =	vmax.f32 v7, v14  }
0x217: {  	v13 =	vsub.f32 v15, v13;
	v14 =	vsub.f32 v16, v14;
	_ =	sdelay $0x1  }
0x218: {  	v13 =	vmax.f32 v13, $0.0e+00;
	v14 =	vmax.f32 v14, $0.0e+00  }
0x219: {  	v13 =	vmul.f32 v14, v13;
	v14 =	vadd.f32 v17, v10;
	_ =	sdelay $0x1  }
0x21a: {  	v14 =	vsub.f32 v14, v13;
	_ =	sdelay $0x1  }
0x21b: {  	v14 =	vadd.f32 $9.999999710e-10, v14;
	_ =	sdelay $0x1  }
0x21c: {  	(erf) = vrcp.f32 v14;
	_ =	sdelay $0x8  }
0x21d: {  	v15 =	vpop (erf)  }
0x21e: {  	v13 =	vmul.f32 v15, v13  }
0x21f: {  	v14 =	vld [tilespmem:s2+$0x0]  }
0x220: {  	vm0 =	vgt.f32 v13, v9;
	v13 =	vor.u32 s13, v3;
	s13 =	sadd.s32 $0x10, s13  }
0x221: {  	p0 =	slt.s32 s13, s28  }
.Ltmp27:
0x222: {  	_ = 	snop;
	(pc) =	sbr.rel @p0 .LBB2_22-.Ltmp27, $4  }
0x223: {  	_ = 	snop  }
0x224: {  	v14 =	vsel vm0, $0xBF800000, v14  }
0x225: {  	s11 =	sadd.s32 $0x10, s11;
	s9 =	sadd.s32 $0x10, s9;
	s8 =	sadd.s32 $0x10, s8;
	vm0 =	vgt.f32 v14, v12  }
0x226: {  	s5 =	sadd.s32 $0x10, s5;
	s4 =	sadd.s32 $0x10, s4;
	[tilespmem:s2+$0x0] =	vst v14;
	s2 =	sadd.s32 $0x10, s2;
	v12 =	vsel vm0, v14, v12;
	v11 =	vsel vm0, v13, v11  }
.Ltmp28:
0x227: {  	_ = 	snop;
	(pc) =	sbr.rel .LBB2_23-.Ltmp28, $1  }
0x228: {  	_ =	sdelay $0x3  }
.LBB2_38:
.Ltmp29:
0x229: {  	(pc) =	sbr.rel .LBB2_43-.Ltmp29, $2  }
0x22a: {  	_ =	sdelay $0x2  }
0x22b: {  	v27 =	vimm.f32 $-1.000000000e+00;
	v26 =	vimm.s32 $0x0;
	s5 =	simm.s32 $0xA0A0  }
.LBB2_40:
.Ltmp30:
0x22c: {  	(pc) =	sbr.rel .LBB2_43-.Ltmp30, $2  }
0x22d: {  	_ =	sdelay $0x2  }
0x22e: {  	v27 =	vimm.f32 $-1.000000000e+00;
	v26 =	vimm.s32 $0x0;
	s5 =	simm.s32 $0xA0A0;
	s26 =	simm.s32 $0x40  }
.LBB2_14:
.Ltmp31:
0x22f: {  	(pc) =	sbr.rel .LBB2_36-.Ltmp31, $3  }
0x230: {  	_ =	sdelay $0x1  }
0x231: {  	s5 =	simm.s32 $0xC990;
	s30 =	simm.s32 $0x10710  }
0x232: {  	v19 =	vmov v22;
	s9 =	simm.s32 $0xB510;
	s22 =	simm.s32 $0xDE10;
	s23 =	simm.s32 $0xF290  }
.LBB2_29:
.Ltmp32:
0x233: {  	(pc) =	sbr.rel .LBB2_36-.Ltmp32, $3  }
0x234: {  	_ =	sdelay $0x1  }
0x235: {  	s5 =	simm.s32 $0xC990;
	s30 =	simm.s32 $0x10710;
	v31 =	vmov v5;
	s9 =	simm.s32 $0xB510  }
0x236: {  	v30 =	vmovc v4;
	v22 =	vmovc v19;
	v5 =	vmov v17;
	s22 =	simm.s32 $0xDE10;
	v4 =	vmov v29;
	s23 =	simm.s32 $0xF290;
	s2 =	simm.s32 $0xB510;
	v25 =	vmov v32  }
.LBB2_31:
.Ltmp33:
0x237: {  	_ = 	snop;
	(pc) =	sbr.rel .LBB2_36-.Ltmp33, $4  }
0x238: {  	_ = 	snop  }
0x239: {  	s5 =	simm.s32 $0xC990  }
0x23a: {  	s30 =	simm.s32 $0x10710;
	s9 =	simm.s32 $0xB530;
	s22 =	simm.s32 $0xDE10;
	v11 =	vmovc v7;
	v13 =	vmov v9;
	v19 =	vmov v22;
	v14 =	vmov v8  }
0x23b: {  	v31 =	vmovc v17;
	v30 =	vmovc v29;
	s4 =	simm.s32 $0xB510;
	s23 =	simm.s32 $0xF290;
	s25 =	simm.s32 $0xC990;
	v17 =	vmov v6;
	v20 =	vmov v10;
	v24 =	vmov v12  }
.LBB2_33:
.Ltmp34:
0x23c: {  	(pc) =	sbr.rel .LBB2_36-.Ltmp34, $4  }
0x23d: {  	_ = 	snop  }
0x23e: {  	s30 =	simm.s32 $0x10710  }
0x23f: {  	v31 =	vmov v5;
	v30 =	vmov v4;
	s4 =	simm.s32 $0xB530;
	s2 =	simm.s32 $0xB550;
	s15 =	simm.s32 $0x10710  }
0x240: {  	v22 =	vmovc v19;
	v18 =	vmovc v8;
	v5 =	vmov v32;
	v4 =	vmov v33;
	v25 =	vmov v29;
	s25 =	simm.s32 $0xC9B0;
	s17 =	simm.s32 $0xDE00;
	s18 =	simm.s32 $0xF280  }
.LBB2_25:
0x241: {  	s0 =	rddreg [dreg:$0x4]  }
0x242: {  	s0 =	sadd.s32 $0x1, s0  }
0x243: {  	p0 =	slt.u32 s0, s6  }
.Ltmp35:
0x244: {  	_ = 	snop;
	(pc) =	sbr.rel @!p0 .LBB2_27-.Ltmp35, $3  }
0x245: {  	_ =	sdelay $0x1  }
0x246: {  	_ =	swait.ge [sflag:s21], $0x200  }
0x247: {  	s13 =	simm.s32 $0x1;
	[sflag:s21] =	ssyncset.done $0x0  }
.LBB2_26:
0x248: {  	s0 =	sadd.s32 $0x1, s0  }
0x249: {  	[sflag:s21] =	ssyncadd.s32 $0xFFFFFE00;
	p0 =	slt.u32 s0, s6  }
.Ltmp36:
0x24a: {  	(pc) =	sbr.rel @p0 .LBB2_26-.Ltmp36, $3  }
0x24b: {  	_ =	sdelay $0x1  }
0x24c: {  	_ =	swait.ge [sflag:s21], $0x200  }
0x24d: {  	[sflag:s21] =	ssyncset.done $0x0  }
.LBB2_27:
0x24e: {  	s8 =	rddreg [dreg:$0x3]  }
0x24f: {  	s5 =	rddreg [dreg:$0x5]  }
.Ltmp37:
0x250: {  	s9 =	rddreg [dreg:$0x6];
	(pc) =	sbr.rel .LBB2_45-.Ltmp37, $4  }
0x251: {  	s0 =	sld [smem:$0x7FD]  }
0x252: {  	s1 =	rddreg [dreg:$0x8]  }
0x253: {  	[sflag:s21] =	ssyncadd.s32 $0xFFFFFE00;
	s10 =	rddreg [dreg:$0x9]  }
0x254: {  	s7 =	simm.s32 $0x0;
	p1 =	seq.s32 s0, $0x1;
	s0 =	rddreg [dreg:$0xa]  }
.LBB2_3:
.Ltmp38:
0x255: {  	(pc) =	sbr.rel .LBB2_7-.Ltmp38, $2  }
0x256: {  	_ =	sdelay $0x2  }
0x257: {  	s1 =	simm.s32 $0x0  }
.LBB2_5:
.Ltmp39:
0x258: {  	(pc) =	sbr.rel .LBB2_7-.Ltmp39, $2  }
0x259: {  	_ =	sdelay $0x2  }
0x25a: {  	s1 =	simm.s32 $0x0  }
.LBB2_46:
0x25b: {  	_ =	sfence.sel $0x180000  }
0x25c: {  	[bflag:$0x0] =	sbarrier.arrive $0xFFFF  }
0x25d: {  	_ =	strace $0x90000047  }
0x25e: {  	s0 =	stileid.u32;
	[bflag:$0x2] =	sbarrier.arrive $0xFFFF  }
0x25f: {  	p0 =	sne.s32 s0, $0x0;
	s0 =	rddreg [dreg:$0x2]  }
0x260: {  	s0 =	sadd.s32 @!p0 $0x100000, s0  }
0x261: {  	[sflag:s0] =	ssyncadd.tile.s32 @!p0 $0x1;
	_ =	shalt  }
.Lfunc_end2:
_tile_overlayer_lowered:
.L_overlay_start_2:
0x262: {  	(tag) =	ssettag $0x2  }
0x263: {  	s0 =	rddreg [dreg:$0x0];
	s2 =	stileid.u32  }
0x264: {  	s1 =	rddreg [dreg:$0x1];
	p0 =	sne.s32 s2, $0x0  }
0x265: {  	s3 =	rddreg [dreg:$0x2];
	[bflag:$0x3] =	sbarrier.arrive $0xFFFF;
	s2 =	simm.s32 @!p0 $0x1C04  }
0x266: {  	[timem:s3], [sflag:s2] =	dma.local @!p0 [hbm:s0], s1  }
0x267: {  	s0 =	simm.s32 @!p0 $0x4  }
0x268: {  	_ =	swait.ge @!p0 [sflag:s0], s1  }
0x269: {  	s1 =	ssub.s32 @!p0 $0x0, s1;
	[sflag:s0] =	ssyncset.done @!p0 $0x0  }
0x26a: {  	[sflag:s0] =	ssyncadd.s32 @!p0 s1  }
0x26b: {  	[bflag:$0x3] =	sbarrier.arrive $0xFFFF  }
0x26c: {  	_ =	shalt  }

</sc_bundles>
